<compile_context>
chip_gen: v7x
topology: tpu7x:2x2x1
jax: 0.10.2.dev20260603
libtpu: 0.0.44.dev20260713+nightly
codegen_flags: <defaults>
</compile_context>

<pallas_src>
import functools

import numpy as np

import jax
import jax.numpy as jnp
from jax import lax
from jax.experimental import pallas as pl
from jax.experimental.pallas import tpu as pltpu
from jax.experimental.pallas import tpu_sc as plsc

V = 10000
H = 128
E = 160000
NUM_POLICY = V * (V - 1) // 2

NC = 2
NS = 16
NWK = NC * NS
L = 16

VP = 10240
SLAB = VP // NS
EP = 163840
EPW = EP // NWK
GW = EPW // 128
EPR = EP // 128
BLK = 2048
EB = EP // BLK
SB = 10
FILL_BLK = 1048576

_sc_mesh = functools.partial(
    plsc.VectorSubcoreMesh, core_axis_name="c", subcore_axis_name="s")


def _wid():
    return lax.axis_index("c") * NS + lax.axis_index("s")



def _sc_degree_body(dst2d, cnt, acc, zbuf, ones, idxv, sem):
    c = lax.axis_index("c")
    s = lax.axis_index("s")
    w = _wid()

    def zero16(k, _):
        zbuf[pl.ds(k * L, L)] = jnp.zeros((L,), jnp.float32)
        return _
    lax.fori_loop(0, SLAB // L, zero16, None)

    def one16(k, _):
        ones[pl.ds(k * L, L)] = jnp.full((L,), 1.0, jnp.float32)
        return _
    lax.fori_loop(0, 128 // L, one16, None)

    pltpu.sync_copy(zbuf, acc.at[pl.ds(s * SLAB, SLAB)])
    plsc.subcore_barrier()

    pltpu.sync_copy(dst2d.at[pl.ds(w * GW, GW)], idxv)

    def body(j, _):
        pltpu.sync_copy(ones, acc.at[idxv.at[j]], add=True)
        return _
    lax.fori_loop(0, GW, body, None)

    plsc.subcore_barrier()
    pltpu.sync_copy(acc.at[pl.ds(s * SLAB, SLAB)],
                    cnt.at[c, pl.ds(s * SLAB, SLAB)])


def _sc_degree(dst2d):
    return pl.kernel(
        _sc_degree_body,
        out_type=jax.ShapeDtypeStruct((NC, VP), jnp.float32),
        mesh=_sc_mesh(),
        scratch_types=[
            pltpu.VMEM_SHARED((VP,), jnp.float32),
            pltpu.VMEM((SLAB,), jnp.float32),
            pltpu.VMEM((128,), jnp.float32),
            pltpu.VMEM((GW, 128), jnp.int32),
            pltpu.SemaphoreType.DMA,
        ],
    )(dst2d)


GSZ = 64
GW2 = EPW // GSZ


def _sc_layer_body(tabS, tabD, hd, src2d, dst2d, gout, parts,
                   acc, idxs, idxd, bufA, bufB, bufC, semA, semB, semC):
    c = lax.axis_index("c")
    s = lax.axis_index("s")
    w = _wid()

    def zero16(t, _):
        row = t // 8
        col = (t % 8) * L
        bufC[row, pl.ds(col, L)] = jnp.zeros((L,), jnp.float32)
        return _
    lax.fori_loop(0, GSZ * 8, zero16, None)

    def zslab(k, _):
        pltpu.sync_copy(bufC, acc.at[pl.ds(s * SLAB + k * GSZ, GSZ)])
        return _
    lax.fori_loop(0, SLAB // GSZ, zslab, None)
    plsc.subcore_barrier()

    pltpu.sync_copy(src2d.at[pl.ds(w * GW2, GW2)], idxs)
    pltpu.sync_copy(dst2d.at[pl.ds(w * GW2, GW2)], idxd)

    def body(j, _):
        da = pltpu.async_copy(tabS.at[idxs.at[j]], bufA, semA)
        db = pltpu.async_copy(tabD.at[idxd.at[j]], bufB, semB)
        dc = pltpu.async_copy(hd.at[idxs.at[j]], bufC, semC)
        da.wait()
        db.wait()

        @plsc.parallel_loop(0, GSZ * 8, 1, unroll=8)
        def add16(t):
            row = t // 8
            col = (t % 8) * L
            bufA[row, pl.ds(col, L)] = (bufA[row, pl.ds(col, L)]
                                        + bufB[row, pl.ds(col, L)])

        pltpu.sync_copy(bufA, gout.at[pl.ds(w * EPW + j * GSZ, GSZ)])
        dc.wait()
        pltpu.sync_copy(bufC, acc.at[idxd.at[j]], add=True)
        return _
    lax.fori_loop(0, GW2, body, None)

    plsc.subcore_barrier()
    pltpu.sync_copy(acc.at[pl.ds(s * SLAB, SLAB)],
                    parts.at[c, pl.ds(s * SLAB, SLAB)])


def _sc_layer(tabS, tabD, hd, src64, dst64):
    return pl.kernel(
        _sc_layer_body,
        out_type=(jax.ShapeDtypeStruct((EP, H), jnp.float32),
                  jax.ShapeDtypeStruct((NC, VP, H), jnp.float32)),
        mesh=_sc_mesh(),
        scratch_types=[
            pltpu.VMEM_SHARED((VP, H), jnp.float32),
            pltpu.VMEM((GW2, GSZ), jnp.int32),
            pltpu.VMEM((GW2, GSZ), jnp.int32),
            pltpu.VMEM((GSZ, H), jnp.float32),
            pltpu.VMEM((GSZ, H), jnp.float32),
            pltpu.VMEM((GSZ, H), jnp.float32),
            pltpu.SemaphoreType.DMA,
            pltpu.SemaphoreType.DMA,
            pltpu.SemaphoreType.DMA,
        ],
    )(tabS, tabD, hd, src64, dst64)


CHN = 1310720
RSZ = CHN + 16
SLC = CHN // NS
SCLO1 = 24997504
NCHP = 20
ROWS_W = EPR // NS


def _sc_policy_body(idx2d, dval2d, base2d, bounds, pol,
                    region, idxbuf, dvalbuf, ilrow, basebuf, bbuf, bb2,
                    bounce, sem):
    c = lax.axis_index("c")
    s = lax.axis_index("s")
    lo_cs = c * SCLO1
    hi_cs = SCLO1 + c * (NUM_POLICY - SCLO1)

    pltpu.sync_copy(bounds.at[c], bbuf)
    lo_cv = bbuf[0, pl.ds(0, L)]
    hi_cv = bbuf[1, pl.ds(0, L)]

    pltpu.sync_copy(base2d, bb2)
    base = bb2[0, pl.ds(0, L)]

    def bfill(k, _):
        basebuf[pl.ds(k * L, L)] = base
        return _
    lax.fori_loop(0, 2048 // L, bfill, None)

    pltpu.sync_copy(idx2d.at[pl.ds(s * ROWS_W, ROWS_W)], idxbuf)
    pltpu.sync_copy(dval2d.at[pl.ds(s * ROWS_W, ROWS_W)], dvalbuf)

    zero_v = jnp.full((L,), 0, jnp.int32)
    eight_v = jnp.full((L,), 8, jnp.int32)
    chn_v = jnp.full((L,), CHN, jnp.int32)
    chn8_v = jnp.full((L,), CHN + 8, jnp.int32)

    def per_chunk(k, lo_kv):
        lo_ks = jnp.minimum(lo_cs + k * CHN, hi_cs - CHN)
        lo_kv = jnp.minimum(lo_kv, hi_cv - chn_v)

        def refill(t, _):
            pltpu.sync_copy(
                basebuf, region.at[pl.ds(8 + s * SLC + t * 2048, 2048)])
            return _
        lax.fori_loop(0, SLC // 2048, refill, None)
        plsc.subcore_barrier()

        def group(g, _):
            def lane(t, _):
                col = t * L
                iv = idxbuf[g, pl.ds(col, L)]
                il = jnp.minimum(
                    jnp.maximum(iv - lo_kv + eight_v, zero_v), chn8_v)
                ilrow[0, pl.ds(col, L)] = il
                return _
            lax.fori_loop(0, 8, lane, None)
            pltpu.sync_copy(dvalbuf.at[g], region.at[ilrow.at[0]],
                            add=True)
            return _
        lax.fori_loop(0, ROWS_W, group, None)
        plsc.subcore_barrier()

        def drain(t, _):
            pltpu.sync_copy(
                region.at[pl.ds(8 + s * SLC + t * 8192, 8192)], bounce)
            pltpu.sync_copy(
                bounce, pol.at[pl.ds(lo_ks + s * SLC + t * 8192, 8192)])
            return _
        lax.fori_loop(0, SLC // 8192, drain, None)
        plsc.subcore_barrier()
        return lo_kv + chn_v
    lax.fori_loop(0, NCHP, per_chunk, lo_cv)


def _sc_policy(idx2d, dval2d, base2d, bounds):
    return pl.kernel(
        _sc_policy_body,
        out_type=jax.ShapeDtypeStruct((NUM_POLICY,), jnp.float32),
        mesh=_sc_mesh(),
        scratch_types=[
            pltpu.VMEM_SHARED((RSZ,), jnp.float32),
            pltpu.VMEM((ROWS_W, 128), jnp.int32),
            pltpu.VMEM((ROWS_W, 128), jnp.float32),
            pltpu.VMEM((1, 128), jnp.int32),
            pltpu.VMEM((2048,), jnp.float32),
            pltpu.VMEM((2, L), jnp.int32),
            pltpu.VMEM((8, L), jnp.float32),
            pltpu.VMEM((8192,), jnp.float32),
            pltpu.SemaphoreType.DMA,
        ],
    )(idx2d, dval2d, base2d, bounds)



def _full(a):
    nd = a.ndim
    return pl.BlockSpec(a.shape, lambda *_, _nd=nd: (0,) * _nd)


def _n_body(ei_ref, n_ref):
    i = pl.program_id(0)

    @pl.when(i == 0)
    def _():
        n_ref[0, 0] = 0
    m = jnp.max(ei_ref[...])
    n_ref[0, 0] = jnp.maximum(n_ref[0, 0], m + 1)


def _tc_n(ei_flat2d):
    return pl.pallas_call(
        _n_body,
        grid=(1,),
        in_specs=[pl.BlockSpec((2500, 128), lambda i: (0, 0))],
        out_specs=pl.BlockSpec(memory_space=pltpu.SMEM),
        out_shape=jax.ShapeDtypeStruct((1, 1), jnp.int32),
    )(ei_flat2d)


def _prep1_body(n_ref, emb, g1W, e1npW, e1cbW, eeW, eeb, e1epW, e1epb,
                e1npb, e1cbb, e2epW, e2epb, e2npb, e2cbW, e2cbb,
                S1, D1, h1, T1f, c1o, M2o, c2o):
    nn = n_ref[0, 0]
    rows = lax.broadcasted_iota(jnp.int32, (V, 1), 0)
    x0 = jnp.where(rows < nn, emb[...], 0.0)
    dot = functools.partial(jnp.dot, preferred_element_type=jnp.float32)
    pad = jnp.zeros((VP - V, H), jnp.float32)

    S1[pl.ds(0, V), :] = dot(x0, dot(e1npW[0:H, :], e1cbW[0:H, :]))
    S1[pl.ds(V, VP - V), :] = pad
    D1[pl.ds(0, V), :] = dot(x0, dot(e1npW[H:2 * H, :], e1cbW[0:H, :]))
    D1[pl.ds(V, VP - V), :] = pad
    h1[pl.ds(0, V), :] = dot(x0, g1W[...])
    h1[pl.ds(V, VP - V), :] = pad

    cbb = e1cbW[H:2 * H, :]
    T1f[...] = dot(eeW[...], dot(e1epW[...], cbb))
    c1o[...] = (dot(e1npb[...].reshape(1, H), e1cbW[0:H, :])
                + dot((dot(eeb[...].reshape(1, H), e1epW[...])
                       + e1epb[...].reshape(1, H)), cbb)
                + e1cbb[...].reshape(1, H))
    M2o[...] = dot(e2epW[...], e2cbW[H:2 * H, :])
    c2o[...] = (dot(e2npb[...].reshape(1, H), e2cbW[0:H, :])
                + dot(e2epb[...].reshape(1, H), e2cbW[H:2 * H, :])
                + e2cbb[...].reshape(1, H))


def _tc_prep1(n, emb, g1W, e1npW, e1cbW, eeW, eeb, e1epW, e1epb, e1npb,
              e1cbb, e2epW, e2epb, e2npb, e2cbW, e2cbb):
    return pl.pallas_call(
        _prep1_body,
        in_specs=[pl.BlockSpec(memory_space=pltpu.SMEM)] + [
            _full(a)
            for a in (emb, g1W, e1npW, e1cbW, eeW, eeb, e1epW, e1epb,
                      e1npb, e1cbb, e2epW, e2epb, e2npb, e2cbW, e2cbb)],
        out_shape=(
            jax.ShapeDtypeStruct((VP, H), jnp.float32),
            jax.ShapeDtypeStruct((VP, H), jnp.float32),
            jax.ShapeDtypeStruct((VP, H), jnp.float32),
            jax.ShapeDtypeStruct((3, H), jnp.float32),
            jax.ShapeDtypeStruct((1, H), jnp.float32),
            jax.ShapeDtypeStruct((H, H), jnp.float32),
            jax.ShapeDtypeStruct((1, H), jnp.float32),
        ),
    )(n, emb, g1W, e1npW, e1cbW, eeW, eeb, e1epW, e1epb, e1npb, e1cbb,
      e2epW, e2epb, e2npb, e2cbW, e2cbb)


def _dis_body(cnt, h1, dis, hd1):
    c = cnt[0, :] + cnt[1, :] + 1.0
    d = lax.rsqrt(c).reshape(VP, 1)
    dis[...] = d
    hd1[...] = h1[...] * d


def _tc_dis(cnt, h1):
    return pl.pallas_call(
        _dis_body,
        out_shape=(jax.ShapeDtypeStruct((VP, 1), jnp.float32),
                   jax.ShapeDtypeStruct((VP, H), jnp.float32)),
    )(cnt, h1)


def _node_finish(parts, hd, dis, b, bng, bnb, nn):
    acc = parts[0] + parts[1]
    out = dis * (acc + hd) + b[None, :]
    rows = lax.broadcasted_iota(jnp.int32, (VP, 1), 0)
    mask = rows < nn
    nf = nn.astype(jnp.float32)
    m = jnp.sum(jnp.where(mask, out, 0.0), axis=0, keepdims=True) / nf
    cen = jnp.where(mask, out - m, 0.0)
    var = jnp.sum(cen * cen, axis=0, keepdims=True) / nf
    y = bng[None, :] * (out - m) * lax.rsqrt(var + 1e-5) + bnb[None, :]
    return jnp.where(mask, jnp.maximum(y, 0.0), 0.0)


def _layer2_body(n_ref, parts1, hd1, dis, g1b, bn1g, bn1b, g2W, e2npW,
                 e2cbW, S2, D2, hd2):
    nn = n_ref[0, 0]
    x1 = _node_finish(parts1[...], hd1[...], dis[...], g1b[...],
                      bn1g[...], bn1b[...], nn)
    dot = functools.partial(jnp.dot, preferred_element_type=jnp.float32)
    S2[...] = dot(x1, dot(e2npW[0:H, :], e2cbW[0:H, :]))
    D2[...] = dot(x1, dot(e2npW[H:2 * H, :], e2cbW[0:H, :]))
    hd2[...] = dot(x1, g2W[...]) * dis[...]


def _tc_layer2(n, parts1, hd1, dis, g1b, bn1g, bn1b, g2W, e2npW, e2cbW):
    return pl.pallas_call(
        _layer2_body,
        in_specs=[pl.BlockSpec(memory_space=pltpu.SMEM)] + [
            _full(a)
            for a in (parts1, hd1, dis, g1b, bn1g, bn1b, g2W, e2npW,
                      e2cbW)],
        out_shape=(jax.ShapeDtypeStruct((VP, H), jnp.float32),
                   jax.ShapeDtypeStruct((VP, H), jnp.float32),
                   jax.ShapeDtypeStruct((VP, H), jnp.float32)),
    )(n, parts1, hd1, dis, g1b, bn1g, bn1b, g2W, e2npW, e2cbW)


def _value_body(n_ref, parts2, hd2, dis, g2b, bn2g, bn2b, v1W, v1b, v2W,
                v2b, val):
    nn = n_ref[0, 0]
    x2 = _node_finish(parts2[...], hd2[...], dis[...], g2b[...],
                      bn2g[...], bn2b[...], nn)
    nf = nn.astype(jnp.float32)
    xmean = jnp.sum(x2, axis=0, keepdims=True) / nf
    dot = functools.partial(jnp.dot, preferred_element_type=jnp.float32)
    t = jnp.maximum(dot(xmean, v1W[...]) + v1b[...][None, :], 0.0)
    val[...] = jnp.tanh(dot(t, v2W[...]) + v2b[...][None, :])


def _tc_value(n, parts2, hd2, dis, g2b, bn2g, bn2b, v1W, v1b, v2W, v2b):
    return pl.pallas_call(
        _value_body,
        in_specs=[pl.BlockSpec(memory_space=pltpu.SMEM)] + [
            _full(a)
            for a in (parts2, hd2, dis, g2b, bn2g, bn2b, v1W, v1b, v2W,
                      v2b)],
        out_shape=jax.ShapeDtypeStruct((1, 1), jnp.float32),
    )(n, parts2, hd2, dis, g2b, bn2g, bn2b, v1W, v1b, v2W, v2b)


def _edge_z1(g1_blk, eat_blk, T1f, c1):
    ea = lax.dot_general(eat_blk, T1f, (((0,), (0,)), ((), ())),
                         preferred_element_type=jnp.float32)
    return g1_blk + ea + c1


def _stats1_body(g1_ref, eat_ref, T1_ref, c1_ref, st_ref):
    i = pl.program_id(0)

    @pl.when(i == 0)
    def _():
        st_ref[...] = jnp.zeros((2, H), jnp.float32)
    z1 = _edge_z1(g1_ref[...], eat_ref[...], T1_ref[...], c1_ref[...])
    rows = i * BLK + lax.broadcasted_iota(jnp.int32, (BLK, 1), 0)
    zm = jnp.where(rows < E, z1, 0.0)
    s = jnp.sum(zm, axis=0)
    sq = jnp.sum(zm * zm, axis=0)
    st_ref[...] = st_ref[...] + jnp.stack([s, sq])


def _tc_stats1(G1, eaT, T1f, c1):
    return pl.pallas_call(
        _stats1_body,
        grid=(EB,),
        in_specs=[
            pl.BlockSpec((BLK, H), lambda i: (i, 0)),
            pl.BlockSpec((3, BLK), lambda i: (0, i)),
            pl.BlockSpec((3, H), lambda i: (0, 0)),
            pl.BlockSpec((1, H), lambda i: (0, 0)),
        ],
        out_specs=pl.BlockSpec((2, H), lambda i: (0, 0)),
        out_shape=jax.ShapeDtypeStruct((2, H), jnp.float32),
    )(G1, eaT, T1f, c1)


def _bn_affine(st, g, b):
    m = st[0, :] / float(E)
    var = st[1, :] / float(E) - m * m
    a = g * lax.rsqrt(var + 1e-5)
    return a, b - m * a


def _z2_body(g1_ref, eat_ref, T1_ref, c1_ref, st1_ref, g1g_ref, g1b_ref,
             g2_ref, M2_ref, c2_ref, z2_ref, st2_ref):
    i = pl.program_id(0)

    @pl.when(i == 0)
    def _():
        st2_ref[...] = jnp.zeros((2, H), jnp.float32)
    z1 = _edge_z1(g1_ref[...], eat_ref[...], T1_ref[...], c1_ref[...])
    a, b = _bn_affine(st1_ref[...], g1g_ref[...], g1b_ref[...])
    ef1 = jnp.maximum(z1 * a[None, :] + b[None, :], 0.0)
    z2 = (jnp.dot(ef1, M2_ref[...], preferred_element_type=jnp.float32)
          + g2_ref[...] + c2_ref[...])
    z2_ref[...] = z2
    rows = i * BLK + lax.broadcasted_iota(jnp.int32, (BLK, 1), 0)
    zm = jnp.where(rows < E, z2, 0.0)
    st2_ref[...] = st2_ref[...] + jnp.stack(
        [jnp.sum(zm, axis=0), jnp.sum(zm * zm, axis=0)])


def _tc_z2(G1, eaT, T1f, c1, st1, e1bng, e1bnb, G2, M2, c2):
    return pl.pallas_call(
        _z2_body,
        grid=(EB,),
        in_specs=[
            pl.BlockSpec((BLK, H), lambda i: (i, 0)),
            pl.BlockSpec((3, BLK), lambda i: (0, i)),
            pl.BlockSpec((3, H), lambda i: (0, 0)),
            pl.BlockSpec((1, H), lambda i: (0, 0)),
            pl.BlockSpec((2, H), lambda i: (0, 0)),
            pl.BlockSpec((H,), lambda i: (0,)),
            pl.BlockSpec((H,), lambda i: (0,)),
            pl.BlockSpec((BLK, H), lambda i: (i, 0)),
            pl.BlockSpec((H, H), lambda i: (0, 0)),
            pl.BlockSpec((1, H), lambda i: (0, 0)),
        ],
        out_specs=(pl.BlockSpec((BLK, H), lambda i: (i, 0)),
                   pl.BlockSpec((2, H), lambda i: (0, 0))),
        out_shape=(jax.ShapeDtypeStruct((EP, H), jnp.float32),
                   jax.ShapeDtypeStruct((2, H), jnp.float32)),
    )(G1, eaT, T1f, c1, st1, e1bng, e1bnb, G2, M2, c2)


def _scores_body(z2_ref, st2_ref, g2g_ref, g2b_ref, pwT_ref, pb_ref,
                 sc_ref):
    a, b = _bn_affine(st2_ref[...], g2g_ref[...], g2b_ref[...])
    ef2 = jnp.maximum(z2_ref[...] * a[None, :] + b[None, :], 0.0)
    s = jnp.sum(ef2 * pwT_ref[0, :][None, :], axis=1) + pb_ref[0, 0]
    sc_ref[...] = s.reshape(BLK // 128, 128)


def _tc_scores(z2, st2, e2bng, e2bnb, polWT, polb):
    return pl.pallas_call(
        _scores_body,
        grid=(EB,),
        in_specs=[
            pl.BlockSpec((BLK, H), lambda i: (i, 0)),
            pl.BlockSpec((2, H), lambda i: (0, 0)),
            pl.BlockSpec((H,), lambda i: (0,)),
            pl.BlockSpec((H,), lambda i: (0,)),
            pl.BlockSpec((1, H), lambda i: (0, 0)),
            pl.BlockSpec(memory_space=pltpu.SMEM),
        ],
        out_specs=pl.BlockSpec((BLK // 128, 128), lambda i: (i, 0)),
        out_shape=jax.ShapeDtypeStruct((EPR, 128), jnp.float32),
    )(z2, st2, e2bng, e2bnb, polWT, polb)


def _max_body(sc_ref, src_ref, dst_ref, m_ref):
    i = pl.program_id(0)

    @pl.when(i == 0)
    def _():
        m_ref[0, 0] = 0.0
    keep = src_ref[...] < dst_ref[...]
    m = jnp.max(jnp.where(keep, sc_ref[...], 0.0))
    m_ref[0, 0] = jnp.maximum(m_ref[0, 0], m)


def _denom_body(sc_ref, src_ref, dst_ref, m_ref, d_ref):
    i = pl.program_id(0)

    @pl.when(i == 0)
    def _():
        d_ref[0, 0] = 0.0
    mx = m_ref[0, 0]
    em = jnp.exp(-mx)
    keep = src_ref[...] < dst_ref[...]
    safe = jnp.where(keep, sc_ref[...], mx)
    term = jnp.where(keep, jnp.exp(safe - mx) - em, 0.0)
    d_ref[0, 0] = d_ref[0, 0] + jnp.sum(term)


def _vals_body(n_ref, m_ref, d_ref, sc_ref, src_ref, dst_ref,
               val_ref, idx_ref, base_ref):
    nn = n_ref[0, 0]
    mx = m_ref[0, 0]
    em = jnp.exp(-mx)
    denom = float(NUM_POLICY) * em + d_ref[0, 0]
    base = em / denom
    src = src_ref[...]
    dst = dst_ref[...]
    keep = src < dst
    safe = jnp.where(keep, sc_ref[...], mx)
    val_ref[...] = jnp.where(keep, jnp.exp(safe - mx) / denom - base, 0.0)
    tri = src * (2 * nn - src - 1) // 2 + (dst - src - 1)
    idx_ref[...] = jnp.where(keep, tri, NUM_POLICY)
    base_ref[...] = jnp.full((8, 16), base, jnp.float32)


def _tc_policy_vals(n, scores2d, src2d, dst2d):
    sblk = [
        pl.BlockSpec((EPR // SB, 128), lambda i: (i, 0)),
        pl.BlockSpec((EPR // SB, 128), lambda i: (i, 0)),
        pl.BlockSpec((EPR // SB, 128), lambda i: (i, 0)),
    ]
    smem = pl.BlockSpec(memory_space=pltpu.SMEM)
    m = pl.pallas_call(
        _max_body, grid=(SB,), in_specs=sblk, out_specs=smem,
        out_shape=jax.ShapeDtypeStruct((1, 1), jnp.float32),
    )(scores2d, src2d, dst2d)
    d = pl.pallas_call(
        _denom_body, grid=(SB,), in_specs=sblk + [smem], out_specs=smem,
        out_shape=jax.ShapeDtypeStruct((1, 1), jnp.float32),
    )(scores2d, src2d, dst2d, m)
    return pl.pallas_call(
        _vals_body, grid=(SB,), in_specs=[smem, smem, smem] + sblk,
        out_specs=(pl.BlockSpec((EPR // SB, 128), lambda i: (i, 0)),
                   pl.BlockSpec((EPR // SB, 128), lambda i: (i, 0)),
                   pl.BlockSpec((8, 16), lambda i: (0, 0))),
        out_shape=(jax.ShapeDtypeStruct((EPR, 128), jnp.float32),
                   jax.ShapeDtypeStruct((EPR, 128), jnp.int32),
                   jax.ShapeDtypeStruct((8, 16), jnp.float32)),
    )(n, m, d, scores2d, src2d, dst2d)



def kernel(edge_index, edge_attr, emb, eeW, eeb, g1W, g1b, bn1g, bn1b,
           g2W, g2b, bn2g, bn2b, e1epW, e1epb, e1npW, e1npb, e1cbW, e1cbb,
           e1bng, e1bnb, e2epW, e2epb, e2npW, e2npb, e2cbW, e2cbb, e2bng,
           e2bnb, polW, polb, v1W, v1b, v2W, v2b):
    ei = edge_index.astype(jnp.int32)
    ei_pad = jnp.pad(ei, ((0, 0), (0, EP - E)), constant_values=V)
    src2d = ei_pad[0].reshape(EPR, 128)
    dst2d = ei_pad[1].reshape(EPR, 128)
    src64 = ei_pad[0].reshape(EP // GSZ, GSZ)
    dst64 = ei_pad[1].reshape(EP // GSZ, GSZ)
    eaT = jnp.pad(edge_attr.T, ((0, 0), (0, EP - E)))

    n = _tc_n(ei.reshape(2500, 128))
    S1, D1, h1, T1f, c1, M2, c2 = _tc_prep1(
        n, emb, g1W, e1npW, e1cbW, eeW, eeb, e1epW, e1epb, e1npb, e1cbb,
        e2epW, e2epb, e2npb, e2cbW, e2cbb)
    cnt = _sc_degree(dst2d)
    dis, hd1 = _tc_dis(cnt, h1)
    G1, parts1 = _sc_layer(S1, D1, hd1, src64, dst64)
    S2, D2, hd2 = _tc_layer2(n, parts1, hd1, dis, g1b, bn1g, bn1b, g2W,
                             e2npW, e2cbW)
    G2, parts2 = _sc_layer(S2, D2, hd2, src64, dst64)
    value = _tc_value(n, parts2, hd2, dis, g2b, bn2g, bn2b, v1W, v1b,
                      v2W, v2b)

    st1 = _tc_stats1(G1, eaT, T1f, c1)
    z2, st2 = _tc_z2(G1, eaT, T1f, c1, st1, e1bng, e1bnb, G2, M2, c2)
    scores2d = _tc_scores(z2, st2, e2bng, e2bnb, polW.T,
                          polb.reshape(1, 1))
    dval2d, idx2d, baseflat = _tc_policy_vals(n, scores2d, src2d, dst2d)
    lows = np.array([0, SCLO1], dtype=np.int32)
    highs = np.array([SCLO1, NUM_POLICY], dtype=np.int32)
    bounds = jnp.asarray(
        np.stack([np.repeat(lows[:, None], L, 1),
                  np.repeat(highs[:, None], L, 1)], axis=1))
    policy = _sc_policy(idx2d, dval2d, baseflat, bounds)
    return policy, value

# --- scband reference (transcript-rebuilt; emitter-appended) ---
"""Pipeline reference for scband-clique-gnn-62466004353626 (READ-ONLY COPY).

The authoritative reference and input builder live on the scoring server;
editing this copy changes nothing except your own understanding.
"""

import jax, jax.numpy as jnp
import numpy as np

V = 10000
H = 128
E = 160000
NUM_POLICY = V * (V - 1) // 2

def _bn(x, g, b):
    m = x.mean(0)
    v = x.var(0)
    return g * (x - m) / jnp.sqrt(v + 1e-5) + b

def _bn_masked(x, g, b, rowmask, nf):
    xm = jnp.where(rowmask, x, 0.0)
    m = xm.sum(0) / nf
    c = jnp.where(rowmask, x - m, 0.0)
    v = (c * c).sum(0) / nf
    return g * (x - m) / jnp.sqrt(v + 1e-5) + b

def _gcn(x, src, dst, n, W, b):
    loop = jnp.arange(x.shape[0])
    s = jnp.concatenate([src, loop])
    d = jnp.concatenate([dst, loop])
    deg = jnp.zeros((x.shape[0],), x.dtype).at[d].add(1.0)
    dis = jnp.where(deg > 0, 1.0 / jnp.sqrt(deg), 0.0)
    norm = dis[s] * dis[d]
    h = x @ W
    out = jnp.zeros((x.shape[0], W.shape[1]), x.dtype).at[d].add(h[s] * norm[:, None])
    return out + b

def _edge_block(x, src, dst, ea, epW, epb, npW, npb, cbW, cbb, g, b):
    nf = jnp.concatenate([x[src], x[dst]], axis=1) @ npW + npb
    ef = ea @ epW + epb
    out = jnp.concatenate([nf, ef], axis=1) @ cbW + cbb
    return jax.nn.relu(_bn(out, g, b))

def setup_inputs(seed: int = 0):
    key = jax.random.key(seed)
    ks = jax.random.split(key, 40)
    def w(i, shape, s=0.02):
        return jax.random.normal(ks[i], shape, jnp.float32) * s
    inp = {}
    inp['edge_index'] = jax.random.randint(ks[0], (2, E), 0, V)
    inp['edge_attr'] = jax.random.normal(ks[1], (E, 3), jnp.float32)
    inp['emb'] = w(2, (V, H), 1.0)
    inp['eeW'] = w(3, (3, H)); inp['eeb'] = jnp.zeros((H,), jnp.float32)
    inp['g1W'] = w(4, (H, H)); inp['g1b'] = jnp.zeros((H,), jnp.float32)
    inp['bn1g'] = jnp.ones((H,), jnp.float32); inp['bn1b'] = jnp.zeros((H,), jnp.float32)
    inp['g2W'] = w(5, (H, H)); inp['g2b'] = jnp.zeros((H,), jnp.float32)
    inp['bn2g'] = jnp.ones((H,), jnp.float32); inp['bn2b'] = jnp.zeros((H,), jnp.float32)
    for li, base in [(6, 'e1'), (10, 'e2')]:
        inp[base + 'epW'] = w(li, (H, H)); inp[base + 'epb'] = jnp.zeros((H,), jnp.float32)
        inp[base + 'npW'] = w(li + 1, (2 * H, H)); inp[base + 'npb'] = jnp.zeros((H,), jnp.float32)
        inp[base + 'cbW'] = w(li + 2, (2 * H, H)); inp[base + 'cbb'] = jnp.zeros((H,), jnp.float32)
        inp[base + 'bng'] = jnp.ones((H,), jnp.float32); inp[base + 'bnb'] = jnp.zeros((H,), jnp.float32)
    inp['polW'] = w(14, (H, 1)); inp['polb'] = jnp.zeros((1,), jnp.float32)
    inp['v1W'] = w(15, (H, H // 2)); inp['v1b'] = jnp.zeros((H // 2,), jnp.float32)
    inp['v2W'] = w(16, (H // 2, 1)); inp['v2b'] = jnp.zeros((1,), jnp.float32)
    return inp

def reference(edge_index, edge_attr, emb, eeW, eeb, g1W, g1b, bn1g, bn1b, g2W, g2b, bn2g, bn2b, e1epW, e1epb, e1npW, e1npb, e1cbW, e1cbb, e1bng, e1bnb, e2epW, e2epb, e2npW, e2npb, e2cbW, e2cbb, e2bng, e2bnb, polW, polb, v1W, v1b, v2W, v2b):
    src, dst = edge_index[0], edge_index[1]
    n = edge_index.max() + 1
    rowmask = (jnp.arange(emb.shape[0]) < n)[:, None]
    nf = n.astype(emb.dtype)
    x = jnp.where(rowmask, emb, 0.0)
    ef = edge_attr @ eeW + eeb
    x_new = jnp.where(rowmask, jax.nn.relu(_bn_masked(_gcn(x, src, dst, n, g1W, g1b), bn1g, bn1b, rowmask, nf)), 0.0)
    ef = _edge_block(x, src, dst, ef, e1epW, e1epb, e1npW, e1npb, e1cbW, e1cbb, e1bng, e1bnb)
    x = x_new
    x_new = jnp.where(rowmask, jax.nn.relu(_bn_masked(_gcn(x, src, dst, n, g2W, g2b), bn2g, bn2b, rowmask, nf)), 0.0)
    ef = _edge_block(x, src, dst, ef, e2epW, e2epb, e2npW, e2npb, e2cbW, e2cbb, e2bng, e2bnb)
    x = x_new
    scores = (ef @ polW + polb)[:, 0]
    mask = src < dst
    idx = src * (2 * n - src - 1) // 2 + (dst - src - 1)
    idx = jnp.where(mask, idx, NUM_POLICY)
    policy = jnp.zeros((NUM_POLICY,), jnp.float32).at[idx].set(scores, mode='drop')
    policy = jax.nn.softmax(policy)
    xmean = jnp.where(rowmask, x, 0.0).sum(0, keepdims=True) / nf
    value = jnp.tanh(jax.nn.relu(xmean @ v1W + v1b) @ v2W + v2b)
    return policy, value

if __name__ == "__main__":
    import jax
    _d = setup_inputs()
    print(jax.jit(kernel)(*tuple(_d.values())))

</pallas_src>

<mosaic_0001>
#map = affine_map<(d0, d1) -> (0, 0)>
#map1 = affine_map<(d0, d1) -> (0, 0, 0)>
module attributes {stable_mosaic.version = 14 : i64} {
  func.func @_sc_layer_body(%arg0: i32, %arg1: i32, %arg2: memref<10240x128xf32, #tpu.memory_space<hbm>>, %arg3: memref<10240x128xf32, #tpu.memory_space<hbm>>, %arg4: memref<10240x128xf32, #tpu.memory_space<hbm>>, %arg5: memref<2560x64xi32, #tpu.memory_space<hbm>>, %arg6: memref<2560x64xi32, #tpu.memory_space<hbm>>, %arg7: memref<163840x128xf32, #tpu.memory_space<hbm>>, %arg8: memref<2x10240x128xf32, #tpu.memory_space<hbm>>, %arg9: memref<10240x128xf32, #tpu.memory_space<vmem_shared>>, %arg10: memref<80x64xi32, #tpu.memory_space<vmem>>, %arg11: memref<80x64xi32, #tpu.memory_space<vmem>>, %arg12: memref<64x128xf32, #tpu.memory_space<vmem>>, %arg13: memref<64x128xf32, #tpu.memory_space<vmem>>, %arg14: memref<64x128xf32, #tpu.memory_space<vmem>>, %arg15: memref<!tpu.dma_semaphore, #tpu.memory_space<semaphore_mem>>, %arg16: memref<!tpu.dma_semaphore, #tpu.memory_space<semaphore_mem>>, %arg17: memref<!tpu.dma_semaphore, #tpu.memory_space<semaphore_mem>>) attributes {dimension_semantics = [#tpu.dimension_semantics<core_parallel>, #tpu.dimension_semantics<subcore_parallel>], iteration_bounds = array<i64: 2, 16>, scalar_prefetch = 0 : i64, scratch_operands = 9 : i64, tpu.core_type = #tpu.core_type<sc_vector_subcore>, window_params = [{transform_indices = #map}, {transform_indices = #map}, {transform_indices = #map}, {transform_indices = #map}, {transform_indices = #map}, {transform_indices = #map}, {transform_indices = #map1}]} {
    %mul3A = arith.constant 16 : i32
    %mul3A_0 = arith.muli %arg0, %mul3A : i32
    %add3A = arith.addi %mul3A_0, %arg1 : i32
    %scan3A = arith.constant 0 : i32
    %scan3A_1 = arith.constant 512 : i32
    %scan3A_2 = arith.addi %scan3A, %scan3A_1 : i32
    %scan3A_3 = arith.constant 1 : i32
    scf.for %scan3A_24 = %scan3A to %scan3A_2 step %scan3A_3  : i32 {
      %jit3A = arith.constant 8 : i32
      %div3A = arith.divsi %scan3A_24, %jit3A : i32
      %sign3A = arith.constant 0 : i32
      %sign3A_25 = arith.cmpi sgt, %scan3A_24, %sign3A : i32
      %sign3A_26 = arith.extui %sign3A_25 : i1 to i32
      %sign3A_27 = arith.constant 0 : i32
      %sign3A_28 = arith.cmpi slt, %scan3A_24, %sign3A_27 : i32
      %sign3A_29 = arith.extui %sign3A_28 : i1 to i32
      %sign3A_30 = arith.subi %sign3A_26, %sign3A_29 : i32
      %sign3A_31 = arith.constant 0 : i32
      %sign3A_32 = arith.cmpi sgt, %jit3A, %sign3A_31 : i32
      %sign3A_33 = arith.extui %sign3A_32 : i1 to i32
      %sign3A_34 = arith.constant 0 : i32
      %sign3A_35 = arith.cmpi slt, %jit3A, %sign3A_34 : i32
      %sign3A_36 = arith.extui %sign3A_35 : i1 to i32
      %sign3A_37 = arith.subi %sign3A_33, %sign3A_36 : i32
      %ne3A = arith.cmpi ne, %sign3A_30, %sign3A_37 : i32
      %rem3A = arith.remsi %scan3A_24, %jit3A : i32
      %ne3A_38 = arith.constant 0 : i32
      %ne3A_39 = arith.cmpi ne, %rem3A, %ne3A_38 : i32
      %and3A = arith.andi %ne3A, %ne3A_39 : i1
      %sub3A = arith.constant 1 : i32
      %sub3A_40 = arith.subi %div3A, %sub3A : i32
      %select_n3A = arith.select %and3A, %sub3A_40, %div3A : i32
      %jit3A_41 = arith.constant 8 : i32
      %eq3A = arith.constant 0 : i32
      %eq3A_42 = arith.cmpi eq, %jit3A_41, %eq3A : i32
      %jit3A_43 = arith.constant 1 : i32
      %select_n3A_44 = arith.select %eq3A_42, %jit3A_43, %jit3A_41 : i32
      %rem3A_45 = arith.remsi %scan3A_24, %select_n3A_44 : i32
      %ne3A_46 = arith.constant 0 : i32
      %ne3A_47 = arith.cmpi ne, %rem3A_45, %ne3A_46 : i32
      %lt3A = arith.constant 0 : i32
      %lt3A_48 = arith.cmpi slt, %rem3A_45, %lt3A : i32
      %lt3A_49 = arith.constant 0 : i32
      %lt3A_50 = arith.cmpi slt, %select_n3A_44, %lt3A_49 : i32
      %ne3A_51 = arith.xori %lt3A_48, %lt3A_50 : i1
      %and3A_52 = arith.andi %ne3A_51, %ne3A_47 : i1
      %add3A_53 = arith.addi %rem3A_45, %select_n3A_44 : i32
      %select_n3A_54 = arith.select %and3A_52, %add3A_53, %rem3A_45 : i32
      %mul3A_55 = arith.constant 16 : i32
      %mul3A_56 = arith.muli %select_n3A_54, %mul3A_55 : i32
      %broadcast_in_dim3A = arith.constant 0.000000e+00 : f32
      %broadcast_in_dim3A_57 = vector.broadcast %broadcast_in_dim3A : f32 to vector<16xf32>
      %swap3A = arith.index_cast %select_n3A : i32 to index
      %swap3A_58 = arith.index_cast %mul3A_56 : i32 to index
      %swap3A_59 = tpu.vector_load %arg14[%swap3A, %swap3A_58] {strides = array<i32>} : memref<64x128xf32, #tpu.memory_space<vmem>>, vector<1x16xf32>,
      %swap3A_60 = vector.shape_cast %swap3A_59 : vector<1x16xf32> to vector<16xf32>
      %swap3A_61 = vector.shape_cast %broadcast_in_dim3A_57 : vector<16xf32> to vector<1x16xf32>
      tpu.vector_store %arg14[%swap3A, %swap3A_58], %swap3A_61 {strides = array<i32>} : memref<64x128xf32, #tpu.memory_space<vmem>>, vector<1x16xf32>,
    }
    %scan3A_4 = arith.constant 512 : i32
    %scan3A_5 = arith.constant 0 : i32
    %scan3A_6 = arith.constant 10 : i32
    %scan3A_7 = arith.addi %scan3A_5, %scan3A_6 : i32
    %scan3A_8 = arith.constant 1 : i32
    scf.for %scan3A_24 = %scan3A_5 to %scan3A_7 step %scan3A_8  : i32 {
      %mul3A_25 = arith.constant 640 : i32
      %mul3A_26 = arith.muli %arg1, %mul3A_25 : i32
      %mul3A_27 = arith.constant 64 : i32
      %mul3A_28 = arith.muli %scan3A_24, %mul3A_27 : i32
      %add3A_29 = arith.addi %mul3A_26, %mul3A_28 : i32
      "tpu.region"() ({
        %run_scoped3A = tpu.sem_alloc : memref<!tpu.dma_semaphore, #tpu.memory_space<semaphore_mem>>
        %dma_start3A = arith.constant 0 : i32
        %dma_start3A_30 = tpu.memref_slice %arg9[%add3A_29, %dma_start3A] : memref<10240x128xf32, #tpu.memory_space<vmem_shared>> -> memref<64x128xf32, #tpu.memory_space<vmem_shared>>
        %dma_start3A_31 = arith.constant 0 : i32
        %dma_start3A_32 = tpu.memref_slice %arg9[%add3A_29, %dma_start3A_31] : memref<10240x128xf32, #tpu.memory_space<vmem_shared>> -> memref<64x128xf32, #tpu.memory_space<vmem_shared>>
        tpu.enqueue_dma source(%arg14 : memref<64x128xf32, #tpu.memory_space<vmem>>) target(%dma_start3A_32 : memref<64x128xf32, #tpu.memory_space<vmem_shared>>) target_semaphore(%run_scoped3A : memref<!tpu.dma_semaphore, #tpu.memory_space<semaphore_mem>>)
        %dma_wait3A = arith.constant 0 : i32
        %dma_wait3A_33 = tpu.memref_slice %arg9[%add3A_29, %dma_wait3A] : memref<10240x128xf32, #tpu.memory_space<vmem_shared>> -> memref<64x128xf32, #tpu.memory_space<vmem_shared>>
        %dma_wait3A_34 = arith.constant 0 : i32
        %dma_wait3A_35 = tpu.memref_slice %arg9[%add3A_29, %dma_wait3A_34] : memref<10240x128xf32, #tpu.memory_space<vmem_shared>> -> memref<64x128xf32, #tpu.memory_space<vmem_shared>>
        tpu.wait_dma2 semaphore(%run_scoped3A : memref<!tpu.dma_semaphore, #tpu.memory_space<semaphore_mem>>) src(%arg14 : memref<64x128xf32, #tpu.memory_space<vmem>>) dst(%dma_wait3A_35 : memref<64x128xf32, #tpu.memory_space<vmem_shared>>)
        tpu.yield
      }) : () -> ()
    }
    %scan3A_9 = arith.constant 10 : i32
    %barrier3A = arith.constant 0 : index
    tpu.barrier barrier_id(%barrier3A)
    %mul3A_10 = arith.constant 80 : i32
    %mul3A_11 = arith.muli %add3A, %mul3A_10 : i32
    "tpu.region"() ({
      %run_scoped3A = tpu.sem_alloc : memref<!tpu.dma_semaphore, #tpu.memory_space<semaphore_mem>>
      %dma_start3A = arith.constant 0 : i32
      %dma_start3A_24 = tpu.memref_slice %arg5[%mul3A_11, %dma_start3A] : memref<2560x64xi32, #tpu.memory_space<hbm>> -> memref<80x64xi32, #tpu.memory_space<hbm>>
      %dma_start3A_25 = arith.constant 0 : i32
      %dma_start3A_26 = tpu.memref_slice %arg5[%mul3A_11, %dma_start3A_25] : memref<2560x64xi32, #tpu.memory_space<hbm>> -> memref<80x64xi32, #tpu.memory_space<hbm>>
      tpu.enqueue_dma source(%dma_start3A_26 : memref<80x64xi32, #tpu.memory_space<hbm>>) target(%arg10 : memref<80x64xi32, #tpu.memory_space<vmem>>) target_semaphore(%run_scoped3A : memref<!tpu.dma_semaphore, #tpu.memory_space<semaphore_mem>>)
      %dma_wait3A = arith.constant 0 : i32
      %dma_wait3A_27 = tpu.memref_slice %arg5[%mul3A_11, %dma_wait3A] : memref<2560x64xi32, #tpu.memory_space<hbm>> -> memref<80x64xi32, #tpu.memory_space<hbm>>
      %dma_wait3A_28 = arith.constant 0 : i32
      %dma_wait3A_29 = tpu.memref_slice %arg5[%mul3A_11, %dma_wait3A_28] : memref<2560x64xi32, #tpu.memory_space<hbm>> -> memref<80x64xi32, #tpu.memory_space<hbm>>
      tpu.wait_dma2 semaphore(%run_scoped3A : memref<!tpu.dma_semaphore, #tpu.memory_space<semaphore_mem>>) src(%dma_wait3A_29 : memref<80x64xi32, #tpu.memory_space<hbm>>) dst(%arg10 : memref<80x64xi32, #tpu.memory_space<vmem>>)
      tpu.yield
    }) : () -> ()
    %mul3A_12 = arith.constant 80 : i32
    %mul3A_13 = arith.muli %add3A, %mul3A_12 : i32
    "tpu.region"() ({
      %run_scoped3A = tpu.sem_alloc : memref<!tpu.dma_semaphore, #tpu.memory_space<semaphore_mem>>
      %dma_start3A = arith.constant 0 : i32
      %dma_start3A_24 = tpu.memref_slice %arg6[%mul3A_13, %dma_start3A] : memref<2560x64xi32, #tpu.memory_space<hbm>> -> memref<80x64xi32, #tpu.memory_space<hbm>>
      %dma_start3A_25 = arith.constant 0 : i32
      %dma_start3A_26 = tpu.memref_slice %arg6[%mul3A_13, %dma_start3A_25] : memref<2560x64xi32, #tpu.memory_space<hbm>> -> memref<80x64xi32, #tpu.memory_space<hbm>>
      tpu.enqueue_dma source(%dma_start3A_26 : memref<80x64xi32, #tpu.memory_space<hbm>>) target(%arg11 : memref<80x64xi32, #tpu.memory_space<vmem>>) target_semaphore(%run_scoped3A : memref<!tpu.dma_semaphore, #tpu.memory_space<semaphore_mem>>)
      %dma_wait3A = arith.constant 0 : i32
      %dma_wait3A_27 = tpu.memref_slice %arg6[%mul3A_13, %dma_wait3A] : memref<2560x64xi32, #tpu.memory_space<hbm>> -> memref<80x64xi32, #tpu.memory_space<hbm>>
      %dma_wait3A_28 = arith.constant 0 : i32
      %dma_wait3A_29 = tpu.memref_slice %arg6[%mul3A_13, %dma_wait3A_28] : memref<2560x64xi32, #tpu.memory_space<hbm>> -> memref<80x64xi32, #tpu.memory_space<hbm>>
      tpu.wait_dma2 semaphore(%run_scoped3A : memref<!tpu.dma_semaphore, #tpu.memory_space<semaphore_mem>>) src(%dma_wait3A_29 : memref<80x64xi32, #tpu.memory_space<hbm>>) dst(%arg11 : memref<80x64xi32, #tpu.memory_space<vmem>>)
      tpu.yield
    }) : () -> ()
    %scan3A_14 = arith.constant 0 : i32
    %scan3A_15 = arith.constant 80 : i32
    %scan3A_16 = arith.addi %scan3A_14, %scan3A_15 : i32
    %scan3A_17 = arith.constant 1 : i32
    scf.for %scan3A_24 = %scan3A_14 to %scan3A_16 step %scan3A_17  : i32 {
      %dma_start3A = arith.constant 0 : i32
      %dma_start3A_25 = tpu.memref_slice %arg10[%scan3A_24, %dma_start3A] : memref<80x64xi32, #tpu.memory_space<vmem>> -> memref<1x64xi32, #tpu.memory_space<vmem>>
      %dma_start3A_26 = tpu.memref_squeeze %dma_start3A_25 : memref<1x64xi32, #tpu.memory_space<vmem>> -> memref<64xi32, #tpu.memory_space<vmem>>
      %dma_start3A_27 = arith.constant 0 : i32
      %dma_start3A_28 = arith.constant 0 : i32
      %dma_start3A_29 = tpu.memref_slice %arg2[%dma_start3A_27, %dma_start3A_28] : memref<10240x128xf32, #tpu.memory_space<hbm>> -> memref<10240x128xf32, #tpu.memory_space<hbm>>
      tpu.enqueue_indirect_dma source(%dma_start3A_29 : memref<10240x128xf32, #tpu.memory_space<hbm>>) target(%arg12 : memref<64x128xf32, #tpu.memory_space<vmem>>) offsets(%dma_start3A_26 : memref<64xi32, #tpu.memory_space<vmem>>) semaphore(%arg15 : memref<!tpu.dma_semaphore, #tpu.memory_space<semaphore_mem>>)
      %dma_start3A_30 = arith.constant 0 : i32
      %dma_start3A_31 = tpu.memref_slice %arg11[%scan3A_24, %dma_start3A_30] : memref<80x64xi32, #tpu.memory_space<vmem>> -> memref<1x64xi32, #tpu.memory_space<vmem>>
      %dma_start3A_32 = tpu.memref_squeeze %dma_start3A_31 : memref<1x64xi32, #tpu.memory_space<vmem>> -> memref<64xi32, #tpu.memory_space<vmem>>
      %dma_start3A_33 = arith.constant 0 : i32
      %dma_start3A_34 = arith.constant 0 : i32
      %dma_start3A_35 = tpu.memref_slice %arg3[%dma_start3A_33, %dma_start3A_34] : memref<10240x128xf32, #tpu.memory_space<hbm>> -> memref<10240x128xf32, #tpu.memory_space<hbm>>
      tpu.enqueue_indirect_dma source(%dma_start3A_35 : memref<10240x128xf32, #tpu.memory_space<hbm>>) target(%arg13 : memref<64x128xf32, #tpu.memory_space<vmem>>) offsets(%dma_start3A_32 : memref<64xi32, #tpu.memory_space<vmem>>) semaphore(%arg16 : memref<!tpu.dma_semaphore, #tpu.memory_space<semaphore_mem>>)
      %dma_start3A_36 = arith.constant 0 : i32
      %dma_start3A_37 = tpu.memref_slice %arg10[%scan3A_24, %dma_start3A_36] : memref<80x64xi32, #tpu.memory_space<vmem>> -> memref<1x64xi32, #tpu.memory_space<vmem>>
      %dma_start3A_38 = tpu.memref_squeeze %dma_start3A_37 : memref<1x64xi32, #tpu.memory_space<vmem>> -> memref<64xi32, #tpu.memory_space<vmem>>
      %dma_start3A_39 = arith.constant 0 : i32
      %dma_start3A_40 = arith.constant 0 : i32
      %dma_start3A_41 = tpu.memref_slice %arg4[%dma_start3A_39, %dma_start3A_40] : memref<10240x128xf32, #tpu.memory_space<hbm>> -> memref<10240x128xf32, #tpu.memory_space<hbm>>
      tpu.enqueue_indirect_dma source(%dma_start3A_41 : memref<10240x128xf32, #tpu.memory_space<hbm>>) target(%arg14 : memref<64x128xf32, #tpu.memory_space<vmem>>) offsets(%dma_start3A_38 : memref<64xi32, #tpu.memory_space<vmem>>) semaphore(%arg17 : memref<!tpu.dma_semaphore, #tpu.memory_space<semaphore_mem>>)
      %dma_wait3A = arith.constant 0 : i32
      %dma_wait3A_42 = tpu.memref_slice %arg10[%scan3A_24, %dma_wait3A] : memref<80x64xi32, #tpu.memory_space<vmem>> -> memref<1x64xi32, #tpu.memory_space<vmem>>
      %dma_wait3A_43 = tpu.memref_squeeze %dma_wait3A_42 : memref<1x64xi32, #tpu.memory_space<vmem>> -> memref<64xi32, #tpu.memory_space<vmem>>
      %dma_wait3A_44 = arith.constant 0 : i32
      %dma_wait3A_45 = arith.constant 0 : i32
      %dma_wait3A_46 = tpu.memref_slice %arg2[%dma_wait3A_44, %dma_wait3A_45] : memref<10240x128xf32, #tpu.memory_space<hbm>> -> memref<10240x128xf32, #tpu.memory_space<hbm>>
      tpu.wait_indirect_dma semaphore(%arg15 : memref<!tpu.dma_semaphore, #tpu.memory_space<semaphore_mem>>) src(%dma_wait3A_46 : memref<10240x128xf32, #tpu.memory_space<hbm>>) dst(%arg12 : memref<64x128xf32, #tpu.memory_space<vmem>>)
      %dma_wait3A_47 = arith.constant 0 : i32
      %dma_wait3A_48 = tpu.memref_slice %arg11[%scan3A_24, %dma_wait3A_47] : memref<80x64xi32, #tpu.memory_space<vmem>> -> memref<1x64xi32, #tpu.memory_space<vmem>>
      %dma_wait3A_49 = tpu.memref_squeeze %dma_wait3A_48 : memref<1x64xi32, #tpu.memory_space<vmem>> -> memref<64xi32, #tpu.memory_space<vmem>>
      %dma_wait3A_50 = arith.constant 0 : i32
      %dma_wait3A_51 = arith.constant 0 : i32
      %dma_wait3A_52 = tpu.memref_slice %arg3[%dma_wait3A_50, %dma_wait3A_51] : memref<10240x128xf32, #tpu.memory_space<hbm>> -> memref<10240x128xf32, #tpu.memory_space<hbm>>
      tpu.wait_indirect_dma semaphore(%arg16 : memref<!tpu.dma_semaphore, #tpu.memory_space<semaphore_mem>>) src(%dma_wait3A_52 : memref<10240x128xf32, #tpu.memory_space<hbm>>) dst(%arg13 : memref<64x128xf32, #tpu.memory_space<vmem>>)
      %parallel_loop3A = arith.constant 0 : i32
      %parallel_loop3A_53 = arith.constant 512 : i32
      %parallel_loop3A_54 = arith.constant 1 : i32
      scf.for %parallel_loop3A_66 = %parallel_loop3A to %parallel_loop3A_53 step %parallel_loop3A_54  : i32 {
        %parallel_loop3A_67 = arith.constant 8 : i32
        %parallel_loop3A_68 = arith.divsi %parallel_loop3A_66, %parallel_loop3A_67 : i32
        %parallel_loop3A_69 = arith.constant 0 : i32
        %parallel_loop3A_70 = arith.cmpi sgt, %parallel_loop3A_66, %parallel_loop3A_69 : i32
        %parallel_loop3A_71 = arith.extui %parallel_loop3A_70 : i1 to i32
        %parallel_loop3A_72 = arith.constant 0 : i32
        %parallel_loop3A_73 = arith.cmpi slt, %parallel_loop3A_66, %parallel_loop3A_72 : i32
        %parallel_loop3A_74 = arith.extui %parallel_loop3A_73 : i1 to i32
        %parallel_loop3A_75 = arith.subi %parallel_loop3A_71, %parallel_loop3A_74 : i32
        %parallel_loop3A_76 = arith.constant 0 : i32
        %parallel_loop3A_77 = arith.cmpi sgt, %parallel_loop3A_67, %parallel_loop3A_76 : i32
        %parallel_loop3A_78 = arith.extui %parallel_loop3A_77 : i1 to i32
        %parallel_loop3A_79 = arith.constant 0 : i32
        %parallel_loop3A_80 = arith.cmpi slt, %parallel_loop3A_67, %parallel_loop3A_79 : i32
        %parallel_loop3A_81 = arith.extui %parallel_loop3A_80 : i1 to i32
        %parallel_loop3A_82 = arith.subi %parallel_loop3A_78, %parallel_loop3A_81 : i32
        %parallel_loop3A_83 = arith.cmpi ne, %parallel_loop3A_75, %parallel_loop3A_82 : i32
        %parallel_loop3A_84 = arith.remsi %parallel_loop3A_66, %parallel_loop3A_67 : i32
        %parallel_loop3A_85 = arith.constant 0 : i32
        %parallel_loop3A_86 = arith.cmpi ne, %parallel_loop3A_84, %parallel_loop3A_85 : i32
        %parallel_loop3A_87 = arith.andi %parallel_loop3A_83, %parallel_loop3A_86 : i1
        %parallel_loop3A_88 = arith.constant 1 : i32
        %parallel_loop3A_89 = arith.subi %parallel_loop3A_68, %parallel_loop3A_88 : i32
        %parallel_loop3A_90 = arith.select %parallel_loop3A_87, %parallel_loop3A_89, %parallel_loop3A_68 : i32
        %parallel_loop3A_91 = arith.constant 8 : i32
        %parallel_loop3A_92 = arith.constant 0 : i32
        %parallel_loop3A_93 = arith.cmpi eq, %parallel_loop3A_91, %parallel_loop3A_92 : i32
        %parallel_loop3A_94 = arith.constant 1 : i32
        %parallel_loop3A_95 = arith.select %parallel_loop3A_93, %parallel_loop3A_94, %parallel_loop3A_91 : i32
        %parallel_loop3A_96 = arith.remsi %parallel_loop3A_66, %parallel_loop3A_95 : i32
        %parallel_loop3A_97 = arith.constant 0 : i32
        %parallel_loop3A_98 = arith.cmpi ne, %parallel_loop3A_96, %parallel_loop3A_97 : i32
        %parallel_loop3A_99 = arith.constant 0 : i32
        %parallel_loop3A_100 = arith.cmpi slt, %parallel_loop3A_96, %parallel_loop3A_99 : i32
        %parallel_loop3A_101 = arith.constant 0 : i32
        %parallel_loop3A_102 = arith.cmpi slt, %parallel_loop3A_95, %parallel_loop3A_101 : i32
        %parallel_loop3A_103 = arith.xori %parallel_loop3A_100, %parallel_loop3A_102 : i1
        %parallel_loop3A_104 = arith.andi %parallel_loop3A_103, %parallel_loop3A_98 : i1
        %parallel_loop3A_105 = arith.addi %parallel_loop3A_96, %parallel_loop3A_95 : i32
        %parallel_loop3A_106 = arith.select %parallel_loop3A_104, %parallel_loop3A_105, %parallel_loop3A_96 : i32
        %parallel_loop3A_107 = arith.constant 16 : i32
        %parallel_loop3A_108 = arith.muli %parallel_loop3A_106, %parallel_loop3A_107 : i32
        %parallel_loop3A_109 = arith.index_cast %parallel_loop3A_90 : i32 to index
        %parallel_loop3A_110 = arith.index_cast %parallel_loop3A_108 : i32 to index
        %parallel_loop3A_111 = tpu.vector_load %arg12[%parallel_loop3A_109, %parallel_loop3A_110] {strides = array<i32>} : memref<64x128xf32, #tpu.memory_space<vmem>>, vector<1x16xf32>,
        %parallel_loop3A_112 = vector.shape_cast %parallel_loop3A_111 : vector<1x16xf32> to vector<16xf32>
        %parallel_loop3A_113 = arith.index_cast %parallel_loop3A_90 : i32 to index
        %parallel_loop3A_114 = arith.index_cast %parallel_loop3A_108 : i32 to index
        %parallel_loop3A_115 = tpu.vector_load %arg13[%parallel_loop3A_113, %parallel_loop3A_114] {strides = array<i32>} : memref<64x128xf32, #tpu.memory_space<vmem>>, vector<1x16xf32>,
        %parallel_loop3A_116 = vector.shape_cast %parallel_loop3A_115 : vector<1x16xf32> to vector<16xf32>
        %parallel_loop3A_117 = arith.addf %parallel_loop3A_112, %parallel_loop3A_116 : vector<16xf32>
        %parallel_loop3A_118 = arith.index_cast %parallel_loop3A_90 : i32 to index
        %parallel_loop3A_119 = arith.index_cast %parallel_loop3A_108 : i32 to index
        %parallel_loop3A_120 = tpu.vector_load %arg12[%parallel_loop3A_118, %parallel_loop3A_119] {strides = array<i32>} : memref<64x128xf32, #tpu.memory_space<vmem>>, vector<1x16xf32>,
        %parallel_loop3A_121 = vector.shape_cast %parallel_loop3A_120 : vector<1x16xf32> to vector<16xf32>
        %parallel_loop3A_122 = vector.shape_cast %parallel_loop3A_117 : vector<16xf32> to vector<1x16xf32>
        tpu.vector_store %arg12[%parallel_loop3A_118, %parallel_loop3A_119], %parallel_loop3A_122 {strides = array<i32>} : memref<64x128xf32, #tpu.memory_space<vmem>>, vector<1x16xf32>,
      } {sc.loop_unroll_factor = 8 : i64, sc.parallel_access}
      %mul3A_55 = arith.constant 5120 : i32
      %mul3A_56 = arith.muli %add3A, %mul3A_55 : i32
      %mul3A_57 = arith.constant 64 : i32
      %mul3A_58 = arith.muli %scan3A_24, %mul3A_57 : i32
      %add3A_59 = arith.addi %mul3A_56, %mul3A_58 : i32
      "tpu.region"() ({
        %run_scoped3A = tpu.sem_alloc : memref<!tpu.dma_semaphore, #tpu.memory_space<semaphore_mem>>
        %dma_start3A_66 = arith.constant 0 : i32
        %dma_start3A_67 = tpu.memref_slice %arg7[%add3A_59, %dma_start3A_66] : memref<163840x128xf32, #tpu.memory_space<hbm>> -> memref<64x128xf32, #tpu.memory_space<hbm>>
        %dma_start3A_68 = arith.constant 0 : i32
        %dma_start3A_69 = tpu.memref_slice %arg7[%add3A_59, %dma_start3A_68] : memref<163840x128xf32, #tpu.memory_space<hbm>> -> memref<64x128xf32, #tpu.memory_space<hbm>>
        tpu.enqueue_dma source(%arg12 : memref<64x128xf32, #tpu.memory_space<vmem>>) target(%dma_start3A_69 : memref<64x128xf32, #tpu.memory_space<hbm>>) target_semaphore(%run_scoped3A : memref<!tpu.dma_semaphore, #tpu.memory_space<semaphore_mem>>)
        %dma_wait3A_70 = arith.constant 0 : i32
        %dma_wait3A_71 = tpu.memref_slice %arg7[%add3A_59, %dma_wait3A_70] : memref<163840x128xf32, #tpu.memory_space<hbm>> -> memref<64x128xf32, #tpu.memory_space<hbm>>
        %dma_wait3A_72 = arith.constant 0 : i32
        %dma_wait3A_73 = tpu.memref_slice %arg7[%add3A_59, %dma_wait3A_72] : memref<163840x128xf32, #tpu.memory_space<hbm>> -> memref<64x128xf32, #tpu.memory_space<hbm>>
        tpu.wait_dma2 semaphore(%run_scoped3A : memref<!tpu.dma_semaphore, #tpu.memory_space<semaphore_mem>>) src(%arg12 : memref<64x128xf32, #tpu.memory_space<vmem>>) dst(%dma_wait3A_73 : memref<64x128xf32, #tpu.memory_space<hbm>>)
        tpu.yield
      }) : () -> ()
      %dma_wait3A_60 = arith.constant 0 : i32
      %dma_wait3A_61 = tpu.memref_slice %arg10[%scan3A_24, %dma_wait3A_60] : memref<80x64xi32, #tpu.memory_space<vmem>> -> memref<1x64xi32, #tpu.memory_space<vmem>>
      %dma_wait3A_62 = tpu.memref_squeeze %dma_wait3A_61 : memref<1x64xi32, #tpu.memory_space<vmem>> -> memref<64xi32, #tpu.memory_space<vmem>>
      %dma_wait3A_63 = arith.constant 0 : i32
      %dma_wait3A_64 = arith.constant 0 : i32
      %dma_wait3A_65 = tpu.memref_slice %arg4[%dma_wait3A_63, %dma_wait3A_64] : memref<10240x128xf32, #tpu.memory_space<hbm>> -> memref<10240x128xf32, #tpu.memory_space<hbm>>
      tpu.wait_indirect_dma semaphore(%arg17 : memref<!tpu.dma_semaphore, #tpu.memory_space<semaphore_mem>>) src(%dma_wait3A_65 : memref<10240x128xf32, #tpu.memory_space<hbm>>) dst(%arg14 : memref<64x128xf32, #tpu.memory_space<vmem>>)
      "tpu.region"() ({
        %run_scoped3A = tpu.sem_alloc : memref<!tpu.dma_semaphore, #tpu.memory_space<semaphore_mem>>
        %dma_start3A_66 = arith.constant 0 : i32
        %dma_start3A_67 = tpu.memref_slice %arg11[%scan3A_24, %dma_start3A_66] : memref<80x64xi32, #tpu.memory_space<vmem>> -> memref<1x64xi32, #tpu.memory_space<vmem>>
        %dma_start3A_68 = tpu.memref_squeeze %dma_start3A_67 : memref<1x64xi32, #tpu.memory_space<vmem>> -> memref<64xi32, #tpu.memory_space<vmem>>
        %dma_start3A_69 = arith.constant 0 : i32
        %dma_start3A_70 = arith.constant 0 : i32
        %dma_start3A_71 = tpu.memref_slice %arg9[%dma_start3A_69, %dma_start3A_70] : memref<10240x128xf32, #tpu.memory_space<vmem_shared>> -> memref<10240x128xf32, #tpu.memory_space<vmem_shared>>
        tpu.enqueue_indirect_dma source(%arg14 : memref<64x128xf32, #tpu.memory_space<vmem>>) target(%dma_start3A_71 : memref<10240x128xf32, #tpu.memory_space<vmem_shared>>) offsets(%dma_start3A_68 : memref<64xi32, #tpu.memory_space<vmem>>) semaphore(%run_scoped3A : memref<!tpu.dma_semaphore, #tpu.memory_space<semaphore_mem>>) {add = true}
        %dma_wait3A_72 = arith.constant 0 : i32
        %dma_wait3A_73 = tpu.memref_slice %arg11[%scan3A_24, %dma_wait3A_72] : memref<80x64xi32, #tpu.memory_space<vmem>> -> memref<1x64xi32, #tpu.memory_space<vmem>>
        %dma_wait3A_74 = tpu.memref_squeeze %dma_wait3A_73 : memref<1x64xi32, #tpu.memory_space<vmem>> -> memref<64xi32, #tpu.memory_space<vmem>>
        %dma_wait3A_75 = arith.constant 0 : i32
        %dma_wait3A_76 = arith.constant 0 : i32
        %dma_wait3A_77 = tpu.memref_slice %arg9[%dma_wait3A_75, %dma_wait3A_76] : memref<10240x128xf32, #tpu.memory_space<vmem_shared>> -> memref<10240x128xf32, #tpu.memory_space<vmem_shared>>
        tpu.wait_indirect_dma semaphore(%run_scoped3A : memref<!tpu.dma_semaphore, #tpu.memory_space<semaphore_mem>>) src(%arg14 : memref<64x128xf32, #tpu.memory_space<vmem>>) dst(%dma_wait3A_77 : memref<10240x128xf32, #tpu.memory_space<vmem_shared>>)
        tpu.yield
      }) : () -> ()
    }
    %scan3A_18 = arith.constant 80 : i32
    %barrier3A_19 = arith.constant 0 : index
    tpu.barrier barrier_id(%barrier3A_19)
    %mul3A_20 = arith.constant 640 : i32
    %mul3A_21 = arith.muli %arg1, %mul3A_20 : i32
    %mul3A_22 = arith.constant 640 : i32
    %mul3A_23 = arith.muli %arg1, %mul3A_22 : i32
    "tpu.region"() ({
      %run_scoped3A = tpu.sem_alloc : memref<!tpu.dma_semaphore, #tpu.memory_space<semaphore_mem>>
      %dma_start3A = arith.constant 0 : i32
      %dma_start3A_24 = tpu.memref_slice %arg8[%arg0, %mul3A_23, %dma_start3A] : memref<2x10240x128xf32, #tpu.memory_space<hbm>> -> memref<1x640x128xf32, #tpu.memory_space<hbm>>
      %dma_start3A_25 = tpu.memref_squeeze %dma_start3A_24 : memref<1x640x128xf32, #tpu.memory_space<hbm>> -> memref<640x128xf32, #tpu.memory_space<hbm>>
      %dma_start3A_26 = arith.constant 0 : i32
      %dma_start3A_27 = tpu.memref_slice %arg9[%mul3A_21, %dma_start3A_26] : memref<10240x128xf32, #tpu.memory_space<vmem_shared>> -> memref<640x128xf32, #tpu.memory_space<vmem_shared>>
      tpu.enqueue_dma source(%dma_start3A_27 : memref<640x128xf32, #tpu.memory_space<vmem_shared>>) target(%dma_start3A_25 : memref<640x128xf32, #tpu.memory_space<hbm>>) target_semaphore(%run_scoped3A : memref<!tpu.dma_semaphore, #tpu.memory_space<semaphore_mem>>)
      %dma_wait3A = arith.constant 0 : i32
      %dma_wait3A_28 = tpu.memref_slice %arg8[%arg0, %mul3A_23, %dma_wait3A] : memref<2x10240x128xf32, #tpu.memory_space<hbm>> -> memref<1x640x128xf32, #tpu.memory_space<hbm>>
      %dma_wait3A_29 = tpu.memref_squeeze %dma_wait3A_28 : memref<1x640x128xf32, #tpu.memory_space<hbm>> -> memref<640x128xf32, #tpu.memory_space<hbm>>
      %dma_wait3A_30 = arith.constant 0 : i32
      %dma_wait3A_31 = tpu.memref_slice %arg9[%mul3A_21, %dma_wait3A_30] : memref<10240x128xf32, #tpu.memory_space<vmem_shared>> -> memref<640x128xf32, #tpu.memory_space<vmem_shared>>
      tpu.wait_dma2 semaphore(%run_scoped3A : memref<!tpu.dma_semaphore, #tpu.memory_space<semaphore_mem>>) src(%dma_wait3A_31 : memref<640x128xf32, #tpu.memory_space<vmem_shared>>) dst(%dma_wait3A_29 : memref<640x128xf32, #tpu.memory_space<hbm>>)
      tpu.yield
    }) : () -> ()
    return
  }
}

#map = affine_map<(d0, d1) -> (0, 0)>
module attributes {stable_mosaic.version = 14 : i64} {
  func.func @_sc_degree_body(%arg0: i32, %arg1: i32, %arg2: memref<1280x128xi32, #tpu.memory_space<hbm>>, %arg3: memref<2x10240xf32, #tpu.memory_space<hbm>>, %arg4: memref<10240xf32, #tpu.memory_space<vmem_shared>>, %arg5: memref<640xf32, #tpu.memory_space<vmem>>, %arg6: memref<128xf32, #tpu.memory_space<vmem>>, %arg7: memref<40x128xi32, #tpu.memory_space<vmem>>, %arg8: memref<!tpu.dma_semaphore, #tpu.memory_space<semaphore_mem>>) attributes {dimension_semantics = [#tpu.dimension_semantics<core_parallel>, #tpu.dimension_semantics<subcore_parallel>], iteration_bounds = array<i64: 2, 16>, scalar_prefetch = 0 : i64, scratch_operands = 5 : i64, tpu.core_type = #tpu.core_type<sc_vector_subcore>, window_params = [{transform_indices = #map}, {transform_indices = #map}]} {
    %mul3A = arith.constant 16 : i32
    %mul3A_0 = arith.muli %arg0, %mul3A : i32
    %add3A = arith.addi %mul3A_0, %arg1 : i32
    %scan3A = arith.constant 0 : i32
    %scan3A_1 = arith.constant 40 : i32
    %scan3A_2 = arith.addi %scan3A, %scan3A_1 : i32
    %scan3A_3 = arith.constant 1 : i32
    scf.for %scan3A_24 = %scan3A to %scan3A_2 step %scan3A_3  : i32 {
      %broadcast_in_dim3A = arith.constant 0.000000e+00 : f32
      %broadcast_in_dim3A_25 = vector.broadcast %broadcast_in_dim3A : f32 to vector<16xf32>
      %mul3A_26 = arith.constant 16 : i32
      %mul3A_27 = arith.muli %scan3A_24, %mul3A_26 : i32
      %swap3A = arith.index_cast %mul3A_27 : i32 to index
      %swap3A_28 = tpu.vector_load %arg5[%swap3A] {strides = array<i32>} : memref<640xf32, #tpu.memory_space<vmem>>, vector<16xf32>,
      %swap3A_29 = vector.shape_cast %swap3A_28 : vector<16xf32> to vector<16xf32>
      %swap3A_30 = vector.shape_cast %broadcast_in_dim3A_25 : vector<16xf32> to vector<16xf32>
      tpu.vector_store %arg5[%swap3A], %swap3A_30 {strides = array<i32>} : memref<640xf32, #tpu.memory_space<vmem>>, vector<16xf32>,
    }
    %scan3A_4 = arith.constant 40 : i32
    %scan3A_5 = arith.constant 0 : i32
    %scan3A_6 = arith.constant 8 : i32
    %scan3A_7 = arith.addi %scan3A_5, %scan3A_6 : i32
    %scan3A_8 = arith.constant 1 : i32
    scf.for %scan3A_24 = %scan3A_5 to %scan3A_7 step %scan3A_8  : i32 {
      %broadcast_in_dim3A = arith.constant 1.000000e+00 : f32
      %broadcast_in_dim3A_25 = vector.broadcast %broadcast_in_dim3A : f32 to vector<16xf32>
      %mul3A_26 = arith.constant 16 : i32
      %mul3A_27 = arith.muli %scan3A_24, %mul3A_26 : i32
      %swap3A = arith.index_cast %mul3A_27 : i32 to index
      %swap3A_28 = tpu.vector_load %arg6[%swap3A] {strides = array<i32>} : memref<128xf32, #tpu.memory_space<vmem>>, vector<16xf32>,
      %swap3A_29 = vector.shape_cast %swap3A_28 : vector<16xf32> to vector<16xf32>
      %swap3A_30 = vector.shape_cast %broadcast_in_dim3A_25 : vector<16xf32> to vector<16xf32>
      tpu.vector_store %arg6[%swap3A], %swap3A_30 {strides = array<i32>} : memref<128xf32, #tpu.memory_space<vmem>>, vector<16xf32>,
    }
    %scan3A_9 = arith.constant 8 : i32
    %mul3A_10 = arith.constant 640 : i32
    %mul3A_11 = arith.muli %arg1, %mul3A_10 : i32
    "tpu.region"() ({
      %run_scoped3A = tpu.sem_alloc : memref<!tpu.dma_semaphore, #tpu.memory_space<semaphore_mem>>
      %dma_start3A = tpu.memref_slice %arg4[%mul3A_11] : memref<10240xf32, #tpu.memory_space<vmem_shared>> -> memref<640xf32, #tpu.memory_space<vmem_shared>>
      %dma_start3A_24 = tpu.memref_slice %arg4[%mul3A_11] : memref<10240xf32, #tpu.memory_space<vmem_shared>> -> memref<640xf32, #tpu.memory_space<vmem_shared>>
      tpu.enqueue_dma source(%arg5 : memref<640xf32, #tpu.memory_space<vmem>>) target(%dma_start3A_24 : memref<640xf32, #tpu.memory_space<vmem_shared>>) target_semaphore(%run_scoped3A : memref<!tpu.dma_semaphore, #tpu.memory_space<semaphore_mem>>)
      %dma_wait3A = tpu.memref_slice %arg4[%mul3A_11] : memref<10240xf32, #tpu.memory_space<vmem_shared>> -> memref<640xf32, #tpu.memory_space<vmem_shared>>
      %dma_wait3A_25 = tpu.memref_slice %arg4[%mul3A_11] : memref<10240xf32, #tpu.memory_space<vmem_shared>> -> memref<640xf32, #tpu.memory_space<vmem_shared>>
      tpu.wait_dma2 semaphore(%run_scoped3A : memref<!tpu.dma_semaphore, #tpu.memory_space<semaphore_mem>>) src(%arg5 : memref<640xf32, #tpu.memory_space<vmem>>) dst(%dma_wait3A_25 : memref<640xf32, #tpu.memory_space<vmem_shared>>)
      tpu.yield
    }) : () -> ()
    %barrier3A = arith.constant 0 : index
    tpu.barrier barrier_id(%barrier3A)
    %mul3A_12 = arith.constant 40 : i32
    %mul3A_13 = arith.muli %add3A, %mul3A_12 : i32
    "tpu.region"() ({
      %run_scoped3A = tpu.sem_alloc : memref<!tpu.dma_semaphore, #tpu.memory_space<semaphore_mem>>
      %dma_start3A = arith.constant 0 : i32
      %dma_start3A_24 = tpu.memref_slice %arg2[%mul3A_13, %dma_start3A] : memref<1280x128xi32, #tpu.memory_space<hbm>> -> memref<40x128xi32, #tpu.memory_space<hbm>>
      %dma_start3A_25 = arith.constant 0 : i32
      %dma_start3A_26 = tpu.memref_slice %arg2[%mul3A_13, %dma_start3A_25] : memref<1280x128xi32, #tpu.memory_space<hbm>> -> memref<40x128xi32, #tpu.memory_space<hbm>>
      tpu.enqueue_dma source(%dma_start3A_26 : memref<40x128xi32, #tpu.memory_space<hbm>>) target(%arg7 : memref<40x128xi32, #tpu.memory_space<vmem>>) target_semaphore(%run_scoped3A : memref<!tpu.dma_semaphore, #tpu.memory_space<semaphore_mem>>)
      %dma_wait3A = arith.constant 0 : i32
      %dma_wait3A_27 = tpu.memref_slice %arg2[%mul3A_13, %dma_wait3A] : memref<1280x128xi32, #tpu.memory_space<hbm>> -> memref<40x128xi32, #tpu.memory_space<hbm>>
      %dma_wait3A_28 = arith.constant 0 : i32
      %dma_wait3A_29 = tpu.memref_slice %arg2[%mul3A_13, %dma_wait3A_28] : memref<1280x128xi32, #tpu.memory_space<hbm>> -> memref<40x128xi32, #tpu.memory_space<hbm>>
      tpu.wait_dma2 semaphore(%run_scoped3A : memref<!tpu.dma_semaphore, #tpu.memory_space<semaphore_mem>>) src(%dma_wait3A_29 : memref<40x128xi32, #tpu.memory_space<hbm>>) dst(%arg7 : memref<40x128xi32, #tpu.memory_space<vmem>>)
      tpu.yield
    }) : () -> ()
    %scan3A_14 = arith.constant 0 : i32
    %scan3A_15 = arith.constant 40 : i32
    %scan3A_16 = arith.addi %scan3A_14, %scan3A_15 : i32
    %scan3A_17 = arith.constant 1 : i32
    scf.for %scan3A_24 = %scan3A_14 to %scan3A_16 step %scan3A_17  : i32 {
      "tpu.region"() ({
        %run_scoped3A = tpu.sem_alloc : memref<!tpu.dma_semaphore, #tpu.memory_space<semaphore_mem>>
        %dma_start3A = arith.constant 0 : i32
        %dma_start3A_25 = tpu.memref_slice %arg7[%scan3A_24, %dma_start3A] : memref<40x128xi32, #tpu.memory_space<vmem>> -> memref<1x128xi32, #tpu.memory_space<vmem>>
        %dma_start3A_26 = tpu.memref_squeeze %dma_start3A_25 : memref<1x128xi32, #tpu.memory_space<vmem>> -> memref<128xi32, #tpu.memory_space<vmem>>
        %dma_start3A_27 = arith.constant 0 : i32
        %dma_start3A_28 = tpu.memref_slice %arg4[%dma_start3A_27] : memref<10240xf32, #tpu.memory_space<vmem_shared>> -> memref<10240xf32, #tpu.memory_space<vmem_shared>>
        tpu.enqueue_indirect_dma source(%arg6 : memref<128xf32, #tpu.memory_space<vmem>>) target(%dma_start3A_28 : memref<10240xf32, #tpu.memory_space<vmem_shared>>) offsets(%dma_start3A_26 : memref<128xi32, #tpu.memory_space<vmem>>) semaphore(%run_scoped3A : memref<!tpu.dma_semaphore, #tpu.memory_space<semaphore_mem>>) {add = true}
        %dma_wait3A = arith.constant 0 : i32
        %dma_wait3A_29 = tpu.memref_slice %arg7[%scan3A_24, %dma_wait3A] : memref<40x128xi32, #tpu.memory_space<vmem>> -> memref<1x128xi32, #tpu.memory_space<vmem>>
        %dma_wait3A_30 = tpu.memref_squeeze %dma_wait3A_29 : memref<1x128xi32, #tpu.memory_space<vmem>> -> memref<128xi32, #tpu.memory_space<vmem>>
        %dma_wait3A_31 = arith.constant 0 : i32
        %dma_wait3A_32 = tpu.memref_slice %arg4[%dma_wait3A_31] : memref<10240xf32, #tpu.memory_space<vmem_shared>> -> memref<10240xf32, #tpu.memory_space<vmem_shared>>
        tpu.wait_indirect_dma semaphore(%run_scoped3A : memref<!tpu.dma_semaphore, #tpu.memory_space<semaphore_mem>>) src(%arg6 : memref<128xf32, #tpu.memory_space<vmem>>) dst(%dma_wait3A_32 : memref<10240xf32, #tpu.memory_space<vmem_shared>>)
        tpu.yield
      }) : () -> ()
    }
    %scan3A_18 = arith.constant 40 : i32
    %barrier3A_19 = arith.constant 0 : index
    tpu.barrier barrier_id(%barrier3A_19)
    %mul3A_20 = arith.constant 640 : i32
    %mul3A_21 = arith.muli %arg1, %mul3A_20 : i32
    %mul3A_22 = arith.constant 640 : i32
    %mul3A_23 = arith.muli %arg1, %mul3A_22 : i32
    "tpu.region"() ({
      %run_scoped3A = tpu.sem_alloc : memref<!tpu.dma_semaphore, #tpu.memory_space<semaphore_mem>>
      %dma_start3A = tpu.memref_slice %arg3[%arg0, %mul3A_23] : memref<2x10240xf32, #tpu.memory_space<hbm>> -> memref<1x640xf32, #tpu.memory_space<hbm>>
      %dma_start3A_24 = tpu.memref_squeeze %dma_start3A : memref<1x640xf32, #tpu.memory_space<hbm>> -> memref<640xf32, #tpu.memory_space<hbm>>
      %dma_start3A_25 = tpu.memref_slice %arg4[%mul3A_21] : memref<10240xf32, #tpu.memory_space<vmem_shared>> -> memref<640xf32, #tpu.memory_space<vmem_shared>>
      tpu.enqueue_dma source(%dma_start3A_25 : memref<640xf32, #tpu.memory_space<vmem_shared>>) target(%dma_start3A_24 : memref<640xf32, #tpu.memory_space<hbm>>) target_semaphore(%run_scoped3A : memref<!tpu.dma_semaphore, #tpu.memory_space<semaphore_mem>>)
      %dma_wait3A = tpu.memref_slice %arg3[%arg0, %mul3A_23] : memref<2x10240xf32, #tpu.memory_space<hbm>> -> memref<1x640xf32, #tpu.memory_space<hbm>>
      %dma_wait3A_26 = tpu.memref_squeeze %dma_wait3A : memref<1x640xf32, #tpu.memory_space<hbm>> -> memref<640xf32, #tpu.memory_space<hbm>>
      %dma_wait3A_27 = tpu.memref_slice %arg4[%mul3A_21] : memref<10240xf32, #tpu.memory_space<vmem_shared>> -> memref<640xf32, #tpu.memory_space<vmem_shared>>
      tpu.wait_dma2 semaphore(%run_scoped3A : memref<!tpu.dma_semaphore, #tpu.memory_space<semaphore_mem>>) src(%dma_wait3A_27 : memref<640xf32, #tpu.memory_space<vmem_shared>>) dst(%dma_wait3A_26 : memref<640xf32, #tpu.memory_space<hbm>>)
      tpu.yield
    }) : () -> ()
    return
  }
}

#map = affine_map<(d0, d1) -> (0, 0)>
#map1 = affine_map<(d0, d1) -> (0, 0, 0)>
#map2 = affine_map<(d0, d1) -> (0)>
module attributes {stable_mosaic.version = 14 : i64} {
  func.func @_sc_policy_body(%arg0: i32, %arg1: i32, %arg2: memref<1280x128xi32, #tpu.memory_space<hbm>>, %arg3: memref<1280x128xf32, #tpu.memory_space<hbm>>, %arg4: memref<8x16xf32, #tpu.memory_space<hbm>>, %arg5: memref<2x2x16xi32, #tpu.memory_space<hbm>>, %arg6: memref<49995000xf32, #tpu.memory_space<hbm>>, %arg7: memref<1310736xf32, #tpu.memory_space<vmem_shared>>, %arg8: memref<80x128xi32, #tpu.memory_space<vmem>>, %arg9: memref<80x128xf32, #tpu.memory_space<vmem>>, %arg10: memref<1x128xi32, #tpu.memory_space<vmem>>, %arg11: memref<2048xf32, #tpu.memory_space<vmem>>, %arg12: memref<2x16xi32, #tpu.memory_space<vmem>>, %arg13: memref<8x16xf32, #tpu.memory_space<vmem>>, %arg14: memref<8192xf32, #tpu.memory_space<vmem>>, %arg15: memref<!tpu.dma_semaphore, #tpu.memory_space<semaphore_mem>>) attributes {dimension_semantics = [#tpu.dimension_semantics<core_parallel>, #tpu.dimension_semantics<subcore_parallel>], iteration_bounds = array<i64: 2, 16>, scalar_prefetch = 0 : i64, scratch_operands = 9 : i64, tpu.core_type = #tpu.core_type<sc_vector_subcore>, window_params = [{transform_indices = #map}, {transform_indices = #map}, {transform_indices = #map}, {transform_indices = #map1}, {transform_indices = #map2}]} {
    %mul3A = arith.constant 24997504 : i32
    %mul3A_0 = arith.muli %arg0, %mul3A : i32
    %mul3A_1 = arith.constant 24997496 : i32
    %mul3A_2 = arith.muli %arg0, %mul3A_1 : i32
    %add3A = arith.constant 24997504 : i32
    %add3A_3 = arith.addi %add3A, %mul3A_2 : i32
    "tpu.region"() ({
      %run_scoped3A = tpu.sem_alloc : memref<!tpu.dma_semaphore, #tpu.memory_space<semaphore_mem>>
      %dma_start3A = arith.constant 0 : i32
      %dma_start3A_39 = arith.constant 0 : i32
      %dma_start3A_40 = tpu.memref_slice %arg5[%arg0, %dma_start3A, %dma_start3A_39] : memref<2x2x16xi32, #tpu.memory_space<hbm>> -> memref<1x2x16xi32, #tpu.memory_space<hbm>>
      %dma_start3A_41 = tpu.memref_squeeze %dma_start3A_40 : memref<1x2x16xi32, #tpu.memory_space<hbm>> -> memref<2x16xi32, #tpu.memory_space<hbm>>
      %dma_start3A_42 = arith.constant 0 : i32
      %dma_start3A_43 = arith.constant 0 : i32
      %dma_start3A_44 = tpu.memref_slice %arg5[%arg0, %dma_start3A_42, %dma_start3A_43] : memref<2x2x16xi32, #tpu.memory_space<hbm>> -> memref<1x2x16xi32, #tpu.memory_space<hbm>>
      %dma_start3A_45 = tpu.memref_squeeze %dma_start3A_44 : memref<1x2x16xi32, #tpu.memory_space<hbm>> -> memref<2x16xi32, #tpu.memory_space<hbm>>
      tpu.enqueue_dma source(%dma_start3A_45 : memref<2x16xi32, #tpu.memory_space<hbm>>) target(%arg12 : memref<2x16xi32, #tpu.memory_space<vmem>>) target_semaphore(%run_scoped3A : memref<!tpu.dma_semaphore, #tpu.memory_space<semaphore_mem>>)
      %dma_wait3A = arith.constant 0 : i32
      %dma_wait3A_46 = arith.constant 0 : i32
      %dma_wait3A_47 = tpu.memref_slice %arg5[%arg0, %dma_wait3A, %dma_wait3A_46] : memref<2x2x16xi32, #tpu.memory_space<hbm>> -> memref<1x2x16xi32, #tpu.memory_space<hbm>>
      %dma_wait3A_48 = tpu.memref_squeeze %dma_wait3A_47 : memref<1x2x16xi32, #tpu.memory_space<hbm>> -> memref<2x16xi32, #tpu.memory_space<hbm>>
      %dma_wait3A_49 = arith.constant 0 : i32
      %dma_wait3A_50 = arith.constant 0 : i32
      %dma_wait3A_51 = tpu.memref_slice %arg5[%arg0, %dma_wait3A_49, %dma_wait3A_50] : memref<2x2x16xi32, #tpu.memory_space<hbm>> -> memref<1x2x16xi32, #tpu.memory_space<hbm>>
      %dma_wait3A_52 = tpu.memref_squeeze %dma_wait3A_51 : memref<1x2x16xi32, #tpu.memory_space<hbm>> -> memref<2x16xi32, #tpu.memory_space<hbm>>
      tpu.wait_dma2 semaphore(%run_scoped3A : memref<!tpu.dma_semaphore, #tpu.memory_space<semaphore_mem>>) src(%dma_wait3A_52 : memref<2x16xi32, #tpu.memory_space<hbm>>) dst(%arg12 : memref<2x16xi32, #tpu.memory_space<vmem>>)
      tpu.yield
    }) : () -> ()
    %get3A = arith.constant 0 : i32
    %get3A_4 = arith.index_cast %get3A : i32 to index
    %get3A_5 = arith.constant 0 : index
    %get3A_6 = tpu.vector_load %arg12[%get3A_4, %get3A_5] {strides = array<i32>} : memref<2x16xi32, #tpu.memory_space<vmem>>, vector<1x16xi32>,
    %get3A_7 = vector.shape_cast %get3A_6 : vector<1x16xi32> to vector<16xi32>
    %get3A_8 = arith.constant 1 : i32
    %get3A_9 = arith.index_cast %get3A_8 : i32 to index
    %get3A_10 = arith.constant 0 : index
    %get3A_11 = tpu.vector_load %arg12[%get3A_9, %get3A_10] {strides = array<i32>} : memref<2x16xi32, #tpu.memory_space<vmem>>, vector<1x16xi32>,
    %get3A_12 = vector.shape_cast %get3A_11 : vector<1x16xi32> to vector<16xi32>
    "tpu.region"() ({
      %run_scoped3A = tpu.sem_alloc : memref<!tpu.dma_semaphore, #tpu.memory_space<semaphore_mem>>
      tpu.enqueue_dma source(%arg4 : memref<8x16xf32, #tpu.memory_space<hbm>>) target(%arg13 : memref<8x16xf32, #tpu.memory_space<vmem>>) target_semaphore(%run_scoped3A : memref<!tpu.dma_semaphore, #tpu.memory_space<semaphore_mem>>)
      tpu.wait_dma2 semaphore(%run_scoped3A : memref<!tpu.dma_semaphore, #tpu.memory_space<semaphore_mem>>) src(%arg4 : memref<8x16xf32, #tpu.memory_space<hbm>>) dst(%arg13 : memref<8x16xf32, #tpu.memory_space<vmem>>)
      tpu.yield
    }) : () -> ()
    %get3A_13 = arith.constant 0 : i32
    %get3A_14 = arith.index_cast %get3A_13 : i32 to index
    %get3A_15 = arith.constant 0 : index
    %get3A_16 = tpu.vector_load %arg13[%get3A_14, %get3A_15] {strides = array<i32>} : memref<8x16xf32, #tpu.memory_space<vmem>>, vector<1x16xf32>,
    %get3A_17 = vector.shape_cast %get3A_16 : vector<1x16xf32> to vector<16xf32>
    %scan3A = arith.constant 0 : i32
    %scan3A_18 = arith.constant 128 : i32
    %scan3A_19 = arith.addi %scan3A, %scan3A_18 : i32
    %scan3A_20 = arith.constant 1 : i32
    scf.for %scan3A_39 = %scan3A to %scan3A_19 step %scan3A_20  : i32 {
      %mul3A_40 = arith.constant 16 : i32
      %mul3A_41 = arith.muli %scan3A_39, %mul3A_40 : i32
      %swap3A = arith.index_cast %mul3A_41 : i32 to index
      %swap3A_42 = tpu.vector_load %arg11[%swap3A] {strides = array<i32>} : memref<2048xf32, #tpu.memory_space<vmem>>, vector<16xf32>,
      %swap3A_43 = vector.shape_cast %swap3A_42 : vector<16xf32> to vector<16xf32>
      %swap3A_44 = vector.shape_cast %get3A_17 : vector<16xf32> to vector<16xf32>
      tpu.vector_store %arg11[%swap3A], %swap3A_44 {strides = array<i32>} : memref<2048xf32, #tpu.memory_space<vmem>>, vector<16xf32>,
    }
    %scan3A_21 = arith.constant 128 : i32
    %mul3A_22 = arith.constant 80 : i32
    %mul3A_23 = arith.muli %arg1, %mul3A_22 : i32
    "tpu.region"() ({
      %run_scoped3A = tpu.sem_alloc : memref<!tpu.dma_semaphore, #tpu.memory_space<semaphore_mem>>
      %dma_start3A = arith.constant 0 : i32
      %dma_start3A_39 = tpu.memref_slice %arg2[%mul3A_23, %dma_start3A] : memref<1280x128xi32, #tpu.memory_space<hbm>> -> memref<80x128xi32, #tpu.memory_space<hbm>>
      %dma_start3A_40 = arith.constant 0 : i32
      %dma_start3A_41 = tpu.memref_slice %arg2[%mul3A_23, %dma_start3A_40] : memref<1280x128xi32, #tpu.memory_space<hbm>> -> memref<80x128xi32, #tpu.memory_space<hbm>>
      tpu.enqueue_dma source(%dma_start3A_41 : memref<80x128xi32, #tpu.memory_space<hbm>>) target(%arg8 : memref<80x128xi32, #tpu.memory_space<vmem>>) target_semaphore(%run_scoped3A : memref<!tpu.dma_semaphore, #tpu.memory_space<semaphore_mem>>)
      %dma_wait3A = arith.constant 0 : i32
      %dma_wait3A_42 = tpu.memref_slice %arg2[%mul3A_23, %dma_wait3A] : memref<1280x128xi32, #tpu.memory_space<hbm>> -> memref<80x128xi32, #tpu.memory_space<hbm>>
      %dma_wait3A_43 = arith.constant 0 : i32
      %dma_wait3A_44 = tpu.memref_slice %arg2[%mul3A_23, %dma_wait3A_43] : memref<1280x128xi32, #tpu.memory_space<hbm>> -> memref<80x128xi32, #tpu.memory_space<hbm>>
      tpu.wait_dma2 semaphore(%run_scoped3A : memref<!tpu.dma_semaphore, #tpu.memory_space<semaphore_mem>>) src(%dma_wait3A_44 : memref<80x128xi32, #tpu.memory_space<hbm>>) dst(%arg8 : memref<80x128xi32, #tpu.memory_space<vmem>>)
      tpu.yield
    }) : () -> ()
    %mul3A_24 = arith.constant 80 : i32
    %mul3A_25 = arith.muli %arg1, %mul3A_24 : i32
    "tpu.region"() ({
      %run_scoped3A = tpu.sem_alloc : memref<!tpu.dma_semaphore, #tpu.memory_space<semaphore_mem>>
      %dma_start3A = arith.constant 0 : i32
      %dma_start3A_39 = tpu.memref_slice %arg3[%mul3A_25, %dma_start3A] : memref<1280x128xf32, #tpu.memory_space<hbm>> -> memref<80x128xf32, #tpu.memory_space<hbm>>
      %dma_start3A_40 = arith.constant 0 : i32
      %dma_start3A_41 = tpu.memref_slice %arg3[%mul3A_25, %dma_start3A_40] : memref<1280x128xf32, #tpu.memory_space<hbm>> -> memref<80x128xf32, #tpu.memory_space<hbm>>
      tpu.enqueue_dma source(%dma_start3A_41 : memref<80x128xf32, #tpu.memory_space<hbm>>) target(%arg9 : memref<80x128xf32, #tpu.memory_space<vmem>>) target_semaphore(%run_scoped3A : memref<!tpu.dma_semaphore, #tpu.memory_space<semaphore_mem>>)
      %dma_wait3A = arith.constant 0 : i32
      %dma_wait3A_42 = tpu.memref_slice %arg3[%mul3A_25, %dma_wait3A] : memref<1280x128xf32, #tpu.memory_space<hbm>> -> memref<80x128xf32, #tpu.memory_space<hbm>>
      %dma_wait3A_43 = arith.constant 0 : i32
      %dma_wait3A_44 = tpu.memref_slice %arg3[%mul3A_25, %dma_wait3A_43] : memref<1280x128xf32, #tpu.memory_space<hbm>> -> memref<80x128xf32, #tpu.memory_space<hbm>>
      tpu.wait_dma2 semaphore(%run_scoped3A : memref<!tpu.dma_semaphore, #tpu.memory_space<semaphore_mem>>) src(%dma_wait3A_44 : memref<80x128xf32, #tpu.memory_space<hbm>>) dst(%arg9 : memref<80x128xf32, #tpu.memory_space<vmem>>)
      tpu.yield
    }) : () -> ()
    %broadcast_in_dim3A = arith.constant 0 : i32
    %broadcast_in_dim3A_26 = vector.broadcast %broadcast_in_dim3A : i32 to vector<16xi32>
    %broadcast_in_dim3A_27 = arith.constant 8 : i32
    %broadcast_in_dim3A_28 = vector.broadcast %broadcast_in_dim3A_27 : i32 to vector<16xi32>
    %broadcast_in_dim3A_29 = arith.constant 1310720 : i32
    %broadcast_in_dim3A_30 = vector.broadcast %broadcast_in_dim3A_29 : i32 to vector<16xi32>
    %broadcast_in_dim3A_31 = arith.constant 1310728 : i32
    %broadcast_in_dim3A_32 = vector.broadcast %broadcast_in_dim3A_31 : i32 to vector<16xi32>
    %scan3A_33 = arith.constant 0 : i32
    %scan3A_34 = arith.constant 20 : i32
    %scan3A_35 = arith.addi %scan3A_33, %scan3A_34 : i32
    %scan3A_36 = arith.constant 1 : i32
    %scan3A_37 = scf.for %scan3A_39 = %scan3A_33 to %scan3A_35 step %scan3A_36 iter_args(%scan3A_40 = %get3A_7) -> (vector<16xi32>)  : i32 {
      %mul3A_41 = arith.constant 1310720 : i32
      %mul3A_42 = arith.muli %scan3A_39, %mul3A_41 : i32
      %add3A_43 = arith.addi %mul3A_0, %mul3A_42 : i32
      %sub3A = arith.constant 1310720 : i32
      %sub3A_44 = arith.subi %add3A_3, %sub3A : i32
      %min3A = arith.minsi %add3A_43, %sub3A_44 : i32
      %sub3A_45 = arith.subi %get3A_12, %broadcast_in_dim3A_30 : vector<16xi32>
      %min3A_46 = arith.minsi %scan3A_40, %sub3A_45 : vector<16xi32>
      %scan3A_47 = arith.constant 0 : i32
      %scan3A_48 = arith.constant 40 : i32
      %scan3A_49 = arith.addi %scan3A_47, %scan3A_48 : i32
      %scan3A_50 = arith.constant 1 : i32
      scf.for %scan3A_65 = %scan3A_47 to %scan3A_49 step %scan3A_50  : i32 {
        %mul3A_66 = arith.constant 81920 : i32
        %mul3A_67 = arith.muli %arg1, %mul3A_66 : i32
        %add3A_68 = arith.constant 8 : i32
        %add3A_69 = arith.addi %add3A_68, %mul3A_67 : i32
        %mul3A_70 = arith.constant 2048 : i32
        %mul3A_71 = arith.muli %scan3A_65, %mul3A_70 : i32
        %add3A_72 = arith.addi %add3A_69, %mul3A_71 : i32
        "tpu.region"() ({
          %run_scoped3A = tpu.sem_alloc : memref<!tpu.dma_semaphore, #tpu.memory_space<semaphore_mem>>
          %dma_start3A = tpu.memref_slice %arg7[%add3A_72] : memref<1310736xf32, #tpu.memory_space<vmem_shared>> -> memref<2048xf32, #tpu.memory_space<vmem_shared>>
          %dma_start3A_73 = tpu.memref_slice %arg7[%add3A_72] : memref<1310736xf32, #tpu.memory_space<vmem_shared>> -> memref<2048xf32, #tpu.memory_space<vmem_shared>>
          tpu.enqueue_dma source(%arg11 : memref<2048xf32, #tpu.memory_space<vmem>>) target(%dma_start3A_73 : memref<2048xf32, #tpu.memory_space<vmem_shared>>) target_semaphore(%run_scoped3A : memref<!tpu.dma_semaphore, #tpu.memory_space<semaphore_mem>>)
          %dma_wait3A = tpu.memref_slice %arg7[%add3A_72] : memref<1310736xf32, #tpu.memory_space<vmem_shared>> -> memref<2048xf32, #tpu.memory_space<vmem_shared>>
          %dma_wait3A_74 = tpu.memref_slice %arg7[%add3A_72] : memref<1310736xf32, #tpu.memory_space<vmem_shared>> -> memref<2048xf32, #tpu.memory_space<vmem_shared>>
          tpu.wait_dma2 semaphore(%run_scoped3A : memref<!tpu.dma_semaphore, #tpu.memory_space<semaphore_mem>>) src(%arg11 : memref<2048xf32, #tpu.memory_space<vmem>>) dst(%dma_wait3A_74 : memref<2048xf32, #tpu.memory_space<vmem_shared>>)
          tpu.yield
        }) : () -> ()
      }
      %scan3A_51 = arith.constant 40 : i32
      %barrier3A = arith.constant 0 : index
      tpu.barrier barrier_id(%barrier3A)
      %scan3A_52 = arith.constant 0 : i32
      %scan3A_53 = arith.constant 80 : i32
      %scan3A_54 = arith.addi %scan3A_52, %scan3A_53 : i32
      %scan3A_55 = arith.constant 1 : i32
      scf.for %scan3A_65 = %scan3A_52 to %scan3A_54 step %scan3A_55  : i32 {
        %scan3A_66 = arith.constant 0 : i32
        %scan3A_67 = arith.constant 8 : i32
        %scan3A_68 = arith.addi %scan3A_66, %scan3A_67 : i32
        %scan3A_69 = arith.constant 1 : i32
        scf.for %scan3A_71 = %scan3A_66 to %scan3A_68 step %scan3A_69  : i32 {
          %mul3A_72 = arith.constant 16 : i32
          %mul3A_73 = arith.muli %scan3A_71, %mul3A_72 : i32
          %get3A_74 = arith.index_cast %scan3A_65 : i32 to index
          %get3A_75 = arith.index_cast %mul3A_73 : i32 to index
          %get3A_76 = tpu.vector_load %arg8[%get3A_74, %get3A_75] {strides = array<i32>} : memref<80x128xi32, #tpu.memory_space<vmem>>, vector<1x16xi32>,
          %get3A_77 = vector.shape_cast %get3A_76 : vector<1x16xi32> to vector<16xi32>
          %sub3A_78 = arith.subi %get3A_77, %min3A_46 : vector<16xi32>
          %add3A_79 = arith.addi %sub3A_78, %broadcast_in_dim3A_28 : vector<16xi32>
          %max3A = arith.maxsi %add3A_79, %broadcast_in_dim3A_26 : vector<16xi32>
          %min3A_80 = arith.minsi %max3A, %broadcast_in_dim3A_32 : vector<16xi32>
          %swap3A = arith.constant 0 : i32
          %swap3A_81 = arith.index_cast %swap3A : i32 to index
          %swap3A_82 = arith.index_cast %mul3A_73 : i32 to index
          %swap3A_83 = tpu.vector_load %arg10[%swap3A_81, %swap3A_82] {strides = array<i32>} : memref<1x128xi32, #tpu.memory_space<vmem>>, vector<1x16xi32>,
          %swap3A_84 = vector.shape_cast %swap3A_83 : vector<1x16xi32> to vector<16xi32>
          %swap3A_85 = vector.shape_cast %min3A_80 : vector<16xi32> to vector<1x16xi32>
          tpu.vector_store %arg10[%swap3A_81, %swap3A_82], %swap3A_85 {strides = array<i32>} : memref<1x128xi32, #tpu.memory_space<vmem>>, vector<1x16xi32>,
        }
        %scan3A_70 = arith.constant 8 : i32
        %run_scoped3A = arith.constant 0 : i32
        "tpu.region"() ({
          %run_scoped3A_71 = tpu.sem_alloc : memref<!tpu.dma_semaphore, #tpu.memory_space<semaphore_mem>>
          %dma_start3A = arith.constant 0 : i32
          %dma_start3A_72 = tpu.memref_slice %arg9[%scan3A_65, %dma_start3A] : memref<80x128xf32, #tpu.memory_space<vmem>> -> memref<1x128xf32, #tpu.memory_space<vmem>>
          %dma_start3A_73 = tpu.memref_squeeze %dma_start3A_72 : memref<1x128xf32, #tpu.memory_space<vmem>> -> memref<128xf32, #tpu.memory_space<vmem>>
          %dma_start3A_74 = arith.constant 0 : i32
          %dma_start3A_75 = tpu.memref_slice %arg10[%run_scoped3A, %dma_start3A_74] : memref<1x128xi32, #tpu.memory_space<vmem>> -> memref<1x128xi32, #tpu.memory_space<vmem>>
          %dma_start3A_76 = tpu.memref_squeeze %dma_start3A_75 : memref<1x128xi32, #tpu.memory_space<vmem>> -> memref<128xi32, #tpu.memory_space<vmem>>
          %dma_start3A_77 = arith.constant 0 : i32
          %dma_start3A_78 = tpu.memref_slice %arg7[%dma_start3A_77] : memref<1310736xf32, #tpu.memory_space<vmem_shared>> -> memref<1310736xf32, #tpu.memory_space<vmem_shared>>
          tpu.enqueue_indirect_dma source(%dma_start3A_73 : memref<128xf32, #tpu.memory_space<vmem>>) target(%dma_start3A_78 : memref<1310736xf32, #tpu.memory_space<vmem_shared>>) offsets(%dma_start3A_76 : memref<128xi32, #tpu.memory_space<vmem>>) semaphore(%run_scoped3A_71 : memref<!tpu.dma_semaphore, #tpu.memory_space<semaphore_mem>>) {add = true}
          %dma_wait3A = arith.constant 0 : i32
          %dma_wait3A_79 = tpu.memref_slice %arg9[%scan3A_65, %dma_wait3A] : memref<80x128xf32, #tpu.memory_space<vmem>> -> memref<1x128xf32, #tpu.memory_space<vmem>>
          %dma_wait3A_80 = tpu.memref_squeeze %dma_wait3A_79 : memref<1x128xf32, #tpu.memory_space<vmem>> -> memref<128xf32, #tpu.memory_space<vmem>>
          %dma_wait3A_81 = arith.constant 0 : i32
          %dma_wait3A_82 = tpu.memref_slice %arg10[%run_scoped3A, %dma_wait3A_81] : memref<1x128xi32, #tpu.memory_space<vmem>> -> memref<1x128xi32, #tpu.memory_space<vmem>>
          %dma_wait3A_83 = tpu.memref_squeeze %dma_wait3A_82 : memref<1x128xi32, #tpu.memory_space<vmem>> -> memref<128xi32, #tpu.memory_space<vmem>>
          %dma_wait3A_84 = arith.constant 0 : i32
          %dma_wait3A_85 = tpu.memref_slice %arg7[%dma_wait3A_84] : memref<1310736xf32, #tpu.memory_space<vmem_shared>> -> memref<1310736xf32, #tpu.memory_space<vmem_shared>>
          tpu.wait_indirect_dma semaphore(%run_scoped3A_71 : memref<!tpu.dma_semaphore, #tpu.memory_space<semaphore_mem>>) src(%dma_wait3A_80 : memref<128xf32, #tpu.memory_space<vmem>>) dst(%dma_wait3A_85 : memref<1310736xf32, #tpu.memory_space<vmem_shared>>)
          tpu.yield
        }) : () -> ()
      }
      %scan3A_56 = arith.constant 80 : i32
      %barrier3A_57 = arith.constant 0 : index
      tpu.barrier barrier_id(%barrier3A_57)
      %scan3A_58 = arith.constant 0 : i32
      %scan3A_59 = arith.constant 10 : i32
      %scan3A_60 = arith.addi %scan3A_58, %scan3A_59 : i32
      %scan3A_61 = arith.constant 1 : i32
      scf.for %scan3A_65 = %scan3A_58 to %scan3A_60 step %scan3A_61  : i32 {
        %mul3A_66 = arith.constant 81920 : i32
        %mul3A_67 = arith.muli %arg1, %mul3A_66 : i32
        %add3A_68 = arith.constant 8 : i32
        %add3A_69 = arith.addi %add3A_68, %mul3A_67 : i32
        %mul3A_70 = arith.constant 8192 : i32
        %mul3A_71 = arith.muli %scan3A_65, %mul3A_70 : i32
        %add3A_72 = arith.addi %add3A_69, %mul3A_71 : i32
        "tpu.region"() ({
          %run_scoped3A = tpu.sem_alloc : memref<!tpu.dma_semaphore, #tpu.memory_space<semaphore_mem>>
          %dma_start3A = tpu.memref_slice %arg7[%add3A_72] : memref<1310736xf32, #tpu.memory_space<vmem_shared>> -> memref<8192xf32, #tpu.memory_space<vmem_shared>>
          %dma_start3A_79 = tpu.memref_slice %arg7[%add3A_72] : memref<1310736xf32, #tpu.memory_space<vmem_shared>> -> memref<8192xf32, #tpu.memory_space<vmem_shared>>
          tpu.enqueue_dma source(%dma_start3A_79 : memref<8192xf32, #tpu.memory_space<vmem_shared>>) target(%arg14 : memref<8192xf32, #tpu.memory_space<vmem>>) target_semaphore(%run_scoped3A : memref<!tpu.dma_semaphore, #tpu.memory_space<semaphore_mem>>)
          %dma_wait3A = tpu.memref_slice %arg7[%add3A_72] : memref<1310736xf32, #tpu.memory_space<vmem_shared>> -> memref<8192xf32, #tpu.memory_space<vmem_shared>>
          %dma_wait3A_80 = tpu.memref_slice %arg7[%add3A_72] : memref<1310736xf32, #tpu.memory_space<vmem_shared>> -> memref<8192xf32, #tpu.memory_space<vmem_shared>>
          tpu.wait_dma2 semaphore(%run_scoped3A : memref<!tpu.dma_semaphore, #tpu.memory_space<semaphore_mem>>) src(%dma_wait3A_80 : memref<8192xf32, #tpu.memory_space<vmem_shared>>) dst(%arg14 : memref<8192xf32, #tpu.memory_space<vmem>>)
          tpu.yield
        }) : () -> ()
        %mul3A_73 = arith.constant 81920 : i32
        %mul3A_74 = arith.muli %arg1, %mul3A_73 : i32
        %add3A_75 = arith.addi %min3A, %mul3A_74 : i32
        %mul3A_76 = arith.constant 8192 : i32
        %mul3A_77 = arith.muli %scan3A_65, %mul3A_76 : i32
        %add3A_78 = arith.addi %add3A_75, %mul3A_77 : i32
        "tpu.region"() ({
          %run_scoped3A = tpu.sem_alloc : memref<!tpu.dma_semaphore, #tpu.memory_space<semaphore_mem>>
          %dma_start3A = tpu.memref_slice %arg6[%add3A_78] : memref<49995000xf32, #tpu.memory_space<hbm>> -> memref<8192xf32, #tpu.memory_space<hbm>>
          %dma_start3A_79 = tpu.memref_slice %arg6[%add3A_78] : memref<49995000xf32, #tpu.memory_space<hbm>> -> memref<8192xf32, #tpu.memory_space<hbm>>
          tpu.enqueue_dma source(%arg14 : memref<8192xf32, #tpu.memory_space<vmem>>) target(%dma_start3A_79 : memref<8192xf32, #tpu.memory_space<hbm>>) target_semaphore(%run_scoped3A : memref<!tpu.dma_semaphore, #tpu.memory_space<semaphore_mem>>)
          %dma_wait3A = tpu.memref_slice %arg6[%add3A_78] : memref<49995000xf32, #tpu.memory_space<hbm>> -> memref<8192xf32, #tpu.memory_space<hbm>>
          %dma_wait3A_80 = tpu.memref_slice %arg6[%add3A_78] : memref<49995000xf32, #tpu.memory_space<hbm>> -> memref<8192xf32, #tpu.memory_space<hbm>>
          tpu.wait_dma2 semaphore(%run_scoped3A : memref<!tpu.dma_semaphore, #tpu.memory_space<semaphore_mem>>) src(%arg14 : memref<8192xf32, #tpu.memory_space<vmem>>) dst(%dma_wait3A_80 : memref<8192xf32, #tpu.memory_space<hbm>>)
          tpu.yield
        }) : () -> ()
      }
      %scan3A_62 = arith.constant 10 : i32
      %barrier3A_63 = arith.constant 0 : index
      tpu.barrier barrier_id(%barrier3A_63)
      %add3A_64 = arith.addi %min3A_46, %broadcast_in_dim3A_30 : vector<16xi32>
      scf.yield %add3A_64 : vector<16xi32>
    }
    %scan3A_38 = arith.constant 20 : i32
    return
  }
}

#map = affine_map<(d0, d1) -> (0, 0)>
#map1 = affine_map<(d0, d1) -> (0, 0, 0)>
module attributes {stable_mosaic.version = 14 : i64} {
  func.func @_sc_layer_body(%arg0: i32, %arg1: i32, %arg2: memref<10240x128xf32, #tpu.memory_space<hbm>>, %arg3: memref<10240x128xf32, #tpu.memory_space<hbm>>, %arg4: memref<10240x128xf32, #tpu.memory_space<hbm>>, %arg5: memref<2560x64xi32, #tpu.memory_space<hbm>>, %arg6: memref<2560x64xi32, #tpu.memory_space<hbm>>, %arg7: memref<163840x128xf32, #tpu.memory_space<hbm>>, %arg8: memref<2x10240x128xf32, #tpu.memory_space<hbm>>, %arg9: memref<10240x128xf32, #tpu.memory_space<vmem_shared>>, %arg10: memref<80x64xi32, #tpu.memory_space<vmem>>, %arg11: memref<80x64xi32, #tpu.memory_space<vmem>>, %arg12: memref<64x128xf32, #tpu.memory_space<vmem>>, %arg13: memref<64x128xf32, #tpu.memory_space<vmem>>, %arg14: memref<64x128xf32, #tpu.memory_space<vmem>>, %arg15: memref<!tpu.dma_semaphore, #tpu.memory_space<semaphore_mem>>, %arg16: memref<!tpu.dma_semaphore, #tpu.memory_space<semaphore_mem>>, %arg17: memref<!tpu.dma_semaphore, #tpu.memory_space<semaphore_mem>>) attributes {dimension_semantics = [#tpu.dimension_semantics<core_parallel>, #tpu.dimension_semantics<subcore_parallel>], iteration_bounds = array<i64: 2, 16>, scalar_prefetch = 0 : i64, scratch_operands = 9 : i64, tpu.core_type = #tpu.core_type<sc_vector_subcore>, window_params = [{transform_indices = #map}, {transform_indices = #map}, {transform_indices = #map}, {transform_indices = #map}, {transform_indices = #map}, {transform_indices = #map}, {transform_indices = #map1}]} {
    %mul3A = arith.constant 16 : i32
    %mul3A_0 = arith.muli %arg0, %mul3A : i32
    %add3A = arith.addi %mul3A_0, %arg1 : i32
    %scan3A = arith.constant 0 : i32
    %scan3A_1 = arith.constant 512 : i32
    %scan3A_2 = arith.addi %scan3A, %scan3A_1 : i32
    %scan3A_3 = arith.constant 1 : i32
    scf.for %scan3A_24 = %scan3A to %scan3A_2 step %scan3A_3  : i32 {
      %jit3A = arith.constant 8 : i32
      %div3A = arith.divsi %scan3A_24, %jit3A : i32
      %sign3A = arith.constant 0 : i32
      %sign3A_25 = arith.cmpi sgt, %scan3A_24, %sign3A : i32
      %sign3A_26 = arith.extui %sign3A_25 : i1 to i32
      %sign3A_27 = arith.constant 0 : i32
      %sign3A_28 = arith.cmpi slt, %scan3A_24, %sign3A_27 : i32
      %sign3A_29 = arith.extui %sign3A_28 : i1 to i32
      %sign3A_30 = arith.subi %sign3A_26, %sign3A_29 : i32
      %sign3A_31 = arith.constant 0 : i32
      %sign3A_32 = arith.cmpi sgt, %jit3A, %sign3A_31 : i32
      %sign3A_33 = arith.extui %sign3A_32 : i1 to i32
      %sign3A_34 = arith.constant 0 : i32
      %sign3A_35 = arith.cmpi slt, %jit3A, %sign3A_34 : i32
      %sign3A_36 = arith.extui %sign3A_35 : i1 to i32
      %sign3A_37 = arith.subi %sign3A_33, %sign3A_36 : i32
      %ne3A = arith.cmpi ne, %sign3A_30, %sign3A_37 : i32
      %rem3A = arith.remsi %scan3A_24, %jit3A : i32
      %ne3A_38 = arith.constant 0 : i32
      %ne3A_39 = arith.cmpi ne, %rem3A, %ne3A_38 : i32
      %and3A = arith.andi %ne3A, %ne3A_39 : i1
      %sub3A = arith.constant 1 : i32
      %sub3A_40 = arith.subi %div3A, %sub3A : i32
      %select_n3A = arith.select %and3A, %sub3A_40, %div3A : i32
      %jit3A_41 = arith.constant 8 : i32
      %eq3A = arith.constant 0 : i32
      %eq3A_42 = arith.cmpi eq, %jit3A_41, %eq3A : i32
      %jit3A_43 = arith.constant 1 : i32
      %select_n3A_44 = arith.select %eq3A_42, %jit3A_43, %jit3A_41 : i32
      %rem3A_45 = arith.remsi %scan3A_24, %select_n3A_44 : i32
      %ne3A_46 = arith.constant 0 : i32
      %ne3A_47 = arith.cmpi ne, %rem3A_45, %ne3A_46 : i32
      %lt3A = arith.constant 0 : i32
      %lt3A_48 = arith.cmpi slt, %rem3A_45, %lt3A : i32
      %lt3A_49 = arith.constant 0 : i32
      %lt3A_50 = arith.cmpi slt, %select_n3A_44, %lt3A_49 : i32
      %ne3A_51 = arith.xori %lt3A_48, %lt3A_50 : i1
      %and3A_52 = arith.andi %ne3A_51, %ne3A_47 : i1
      %add3A_53 = arith.addi %rem3A_45, %select_n3A_44 : i32
      %select_n3A_54 = arith.select %and3A_52, %add3A_53, %rem3A_45 : i32
      %mul3A_55 = arith.constant 16 : i32
      %mul3A_56 = arith.muli %select_n3A_54, %mul3A_55 : i32
      %broadcast_in_dim3A = arith.constant 0.000000e+00 : f32
      %broadcast_in_dim3A_57 = vector.broadcast %broadcast_in_dim3A : f32 to vector<16xf32>
      %swap3A = arith.index_cast %select_n3A : i32 to index
      %swap3A_58 = arith.index_cast %mul3A_56 : i32 to index
      %swap3A_59 = tpu.vector_load %arg14[%swap3A, %swap3A_58] {strides = array<i32>} : memref<64x128xf32, #tpu.memory_space<vmem>>, vector<1x16xf32>,
      %swap3A_60 = vector.shape_cast %swap3A_59 : vector<1x16xf32> to vector<16xf32>
      %swap3A_61 = vector.shape_cast %broadcast_in_dim3A_57 : vector<16xf32> to vector<1x16xf32>
      tpu.vector_store %arg14[%swap3A, %swap3A_58], %swap3A_61 {strides = array<i32>} : memref<64x128xf32, #tpu.memory_space<vmem>>, vector<1x16xf32>,
    }
    %scan3A_4 = arith.constant 512 : i32
    %scan3A_5 = arith.constant 0 : i32
    %scan3A_6 = arith.constant 10 : i32
    %scan3A_7 = arith.addi %scan3A_5, %scan3A_6 : i32
    %scan3A_8 = arith.constant 1 : i32
    scf.for %scan3A_24 = %scan3A_5 to %scan3A_7 step %scan3A_8  : i32 {
      %mul3A_25 = arith.constant 640 : i32
      %mul3A_26 = arith.muli %arg1, %mul3A_25 : i32
      %mul3A_27 = arith.constant 64 : i32
      %mul3A_28 = arith.muli %scan3A_24, %mul3A_27 : i32
      %add3A_29 = arith.addi %mul3A_26, %mul3A_28 : i32
      "tpu.region"() ({
        %run_scoped3A = tpu.sem_alloc : memref<!tpu.dma_semaphore, #tpu.memory_space<semaphore_mem>>
        %dma_start3A = arith.constant 0 : i32
        %dma_start3A_30 = tpu.memref_slice %arg9[%add3A_29, %dma_start3A] : memref<10240x128xf32, #tpu.memory_space<vmem_shared>> -> memref<64x128xf32, #tpu.memory_space<vmem_shared>>
        %dma_start3A_31 = arith.constant 0 : i32
        %dma_start3A_32 = tpu.memref_slice %arg9[%add3A_29, %dma_start3A_31] : memref<10240x128xf32, #tpu.memory_space<vmem_shared>> -> memref<64x128xf32, #tpu.memory_space<vmem_shared>>
        tpu.enqueue_dma source(%arg14 : memref<64x128xf32, #tpu.memory_space<vmem>>) target(%dma_start3A_32 : memref<64x128xf32, #tpu.memory_space<vmem_shared>>) target_semaphore(%run_scoped3A : memref<!tpu.dma_semaphore, #tpu.memory_space<semaphore_mem>>)
        %dma_wait3A = arith.constant 0 : i32
        %dma_wait3A_33 = tpu.memref_slice %arg9[%add3A_29, %dma_wait3A] : memref<10240x128xf32, #tpu.memory_space<vmem_shared>> -> memref<64x128xf32, #tpu.memory_space<vmem_shared>>
        %dma_wait3A_34 = arith.constant 0 : i32
        %dma_wait3A_35 = tpu.memref_slice %arg9[%add3A_29, %dma_wait3A_34] : memref<10240x128xf32, #tpu.memory_space<vmem_shared>> -> memref<64x128xf32, #tpu.memory_space<vmem_shared>>
        tpu.wait_dma2 semaphore(%run_scoped3A : memref<!tpu.dma_semaphore, #tpu.memory_space<semaphore_mem>>) src(%arg14 : memref<64x128xf32, #tpu.memory_space<vmem>>) dst(%dma_wait3A_35 : memref<64x128xf32, #tpu.memory_space<vmem_shared>>)
        tpu.yield
      }) : () -> ()
    }
    %scan3A_9 = arith.constant 10 : i32
    %barrier3A = arith.constant 0 : index
    tpu.barrier barrier_id(%barrier3A)
    %mul3A_10 = arith.constant 80 : i32
    %mul3A_11 = arith.muli %add3A, %mul3A_10 : i32
    "tpu.region"() ({
      %run_scoped3A = tpu.sem_alloc : memref<!tpu.dma_semaphore, #tpu.memory_space<semaphore_mem>>
      %dma_start3A = arith.constant 0 : i32
      %dma_start3A_24 = tpu.memref_slice %arg5[%mul3A_11, %dma_start3A] : memref<2560x64xi32, #tpu.memory_space<hbm>> -> memref<80x64xi32, #tpu.memory_space<hbm>>
      %dma_start3A_25 = arith.constant 0 : i32
      %dma_start3A_26 = tpu.memref_slice %arg5[%mul3A_11, %dma_start3A_25] : memref<2560x64xi32, #tpu.memory_space<hbm>> -> memref<80x64xi32, #tpu.memory_space<hbm>>
      tpu.enqueue_dma source(%dma_start3A_26 : memref<80x64xi32, #tpu.memory_space<hbm>>) target(%arg10 : memref<80x64xi32, #tpu.memory_space<vmem>>) target_semaphore(%run_scoped3A : memref<!tpu.dma_semaphore, #tpu.memory_space<semaphore_mem>>)
      %dma_wait3A = arith.constant 0 : i32
      %dma_wait3A_27 = tpu.memref_slice %arg5[%mul3A_11, %dma_wait3A] : memref<2560x64xi32, #tpu.memory_space<hbm>> -> memref<80x64xi32, #tpu.memory_space<hbm>>
      %dma_wait3A_28 = arith.constant 0 : i32
      %dma_wait3A_29 = tpu.memref_slice %arg5[%mul3A_11, %dma_wait3A_28] : memref<2560x64xi32, #tpu.memory_space<hbm>> -> memref<80x64xi32, #tpu.memory_space<hbm>>
      tpu.wait_dma2 semaphore(%run_scoped3A : memref<!tpu.dma_semaphore, #tpu.memory_space<semaphore_mem>>) src(%dma_wait3A_29 : memref<80x64xi32, #tpu.memory_space<hbm>>) dst(%arg10 : memref<80x64xi32, #tpu.memory_space<vmem>>)
      tpu.yield
    }) : () -> ()
    %mul3A_12 = arith.constant 80 : i32
    %mul3A_13 = arith.muli %add3A, %mul3A_12 : i32
    "tpu.region"() ({
      %run_scoped3A = tpu.sem_alloc : memref<!tpu.dma_semaphore, #tpu.memory_space<semaphore_mem>>
      %dma_start3A = arith.constant 0 : i32
      %dma_start3A_24 = tpu.memref_slice %arg6[%mul3A_13, %dma_start3A] : memref<2560x64xi32, #tpu.memory_space<hbm>> -> memref<80x64xi32, #tpu.memory_space<hbm>>
      %dma_start3A_25 = arith.constant 0 : i32
      %dma_start3A_26 = tpu.memref_slice %arg6[%mul3A_13, %dma_start3A_25] : memref<2560x64xi32, #tpu.memory_space<hbm>> -> memref<80x64xi32, #tpu.memory_space<hbm>>
      tpu.enqueue_dma source(%dma_start3A_26 : memref<80x64xi32, #tpu.memory_space<hbm>>) target(%arg11 : memref<80x64xi32, #tpu.memory_space<vmem>>) target_semaphore(%run_scoped3A : memref<!tpu.dma_semaphore, #tpu.memory_space<semaphore_mem>>)
      %dma_wait3A = arith.constant 0 : i32
      %dma_wait3A_27 = tpu.memref_slice %arg6[%mul3A_13, %dma_wait3A] : memref<2560x64xi32, #tpu.memory_space<hbm>> -> memref<80x64xi32, #tpu.memory_space<hbm>>
      %dma_wait3A_28 = arith.constant 0 : i32
      %dma_wait3A_29 = tpu.memref_slice %arg6[%mul3A_13, %dma_wait3A_28] : memref<2560x64xi32, #tpu.memory_space<hbm>> -> memref<80x64xi32, #tpu.memory_space<hbm>>
      tpu.wait_dma2 semaphore(%run_scoped3A : memref<!tpu.dma_semaphore, #tpu.memory_space<semaphore_mem>>) src(%dma_wait3A_29 : memref<80x64xi32, #tpu.memory_space<hbm>>) dst(%arg11 : memref<80x64xi32, #tpu.memory_space<vmem>>)
      tpu.yield
    }) : () -> ()
    %scan3A_14 = arith.constant 0 : i32
    %scan3A_15 = arith.constant 80 : i32
    %scan3A_16 = arith.addi %scan3A_14, %scan3A_15 : i32
    %scan3A_17 = arith.constant 1 : i32
    scf.for %scan3A_24 = %scan3A_14 to %scan3A_16 step %scan3A_17  : i32 {
      %dma_start3A = arith.constant 0 : i32
      %dma_start3A_25 = tpu.memref_slice %arg10[%scan3A_24, %dma_start3A] : memref<80x64xi32, #tpu.memory_space<vmem>> -> memref<1x64xi32, #tpu.memory_space<vmem>>
      %dma_start3A_26 = tpu.memref_squeeze %dma_start3A_25 : memref<1x64xi32, #tpu.memory_space<vmem>> -> memref<64xi32, #tpu.memory_space<vmem>>
      %dma_start3A_27 = arith.constant 0 : i32
      %dma_start3A_28 = arith.constant 0 : i32
      %dma_start3A_29 = tpu.memref_slice %arg2[%dma_start3A_27, %dma_start3A_28] : memref<10240x128xf32, #tpu.memory_space<hbm>> -> memref<10240x128xf32, #tpu.memory_space<hbm>>
      tpu.enqueue_indirect_dma source(%dma_start3A_29 : memref<10240x128xf32, #tpu.memory_space<hbm>>) target(%arg12 : memref<64x128xf32, #tpu.memory_space<vmem>>) offsets(%dma_start3A_26 : memref<64xi32, #tpu.memory_space<vmem>>) semaphore(%arg15 : memref<!tpu.dma_semaphore, #tpu.memory_space<semaphore_mem>>)
      %dma_start3A_30 = arith.constant 0 : i32
      %dma_start3A_31 = tpu.memref_slice %arg11[%scan3A_24, %dma_start3A_30] : memref<80x64xi32, #tpu.memory_space<vmem>> -> memref<1x64xi32, #tpu.memory_space<vmem>>
      %dma_start3A_32 = tpu.memref_squeeze %dma_start3A_31 : memref<1x64xi32, #tpu.memory_space<vmem>> -> memref<64xi32, #tpu.memory_space<vmem>>
      %dma_start3A_33 = arith.constant 0 : i32
      %dma_start3A_34 = arith.constant 0 : i32
      %dma_start3A_35 = tpu.memref_slice %arg3[%dma_start3A_33, %dma_start3A_34] : memref<10240x128xf32, #tpu.memory_space<hbm>> -> memref<10240x128xf32, #tpu.memory_space<hbm>>
      tpu.enqueue_indirect_dma source(%dma_start3A_35 : memref<10240x128xf32, #tpu.memory_space<hbm>>) target(%arg13 : memref<64x128xf32, #tpu.memory_space<vmem>>) offsets(%dma_start3A_32 : memref<64xi32, #tpu.memory_space<vmem>>) semaphore(%arg16 : memref<!tpu.dma_semaphore, #tpu.memory_space<semaphore_mem>>)
      %dma_start3A_36 = arith.constant 0 : i32
      %dma_start3A_37 = tpu.memref_slice %arg10[%scan3A_24, %dma_start3A_36] : memref<80x64xi32, #tpu.memory_space<vmem>> -> memref<1x64xi32, #tpu.memory_space<vmem>>
      %dma_start3A_38 = tpu.memref_squeeze %dma_start3A_37 : memref<1x64xi32, #tpu.memory_space<vmem>> -> memref<64xi32, #tpu.memory_space<vmem>>
      %dma_start3A_39 = arith.constant 0 : i32
      %dma_start3A_40 = arith.constant 0 : i32
      %dma_start3A_41 = tpu.memref_slice %arg4[%dma_start3A_39, %dma_start3A_40] : memref<10240x128xf32, #tpu.memory_space<hbm>> -> memref<10240x128xf32, #tpu.memory_space<hbm>>
      tpu.enqueue_indirect_dma source(%dma_start3A_41 : memref<10240x128xf32, #tpu.memory_space<hbm>>) target(%arg14 : memref<64x128xf32, #tpu.memory_space<vmem>>) offsets(%dma_start3A_38 : memref<64xi32, #tpu.memory_space<vmem>>) semaphore(%arg17 : memref<!tpu.dma_semaphore, #tpu.memory_space<semaphore_mem>>)
      %dma_wait3A = arith.constant 0 : i32
      %dma_wait3A_42 = tpu.memref_slice %arg10[%scan3A_24, %dma_wait3A] : memref<80x64xi32, #tpu.memory_space<vmem>> -> memref<1x64xi32, #tpu.memory_space<vmem>>
      %dma_wait3A_43 = tpu.memref_squeeze %dma_wait3A_42 : memref<1x64xi32, #tpu.memory_space<vmem>> -> memref<64xi32, #tpu.memory_space<vmem>>
      %dma_wait3A_44 = arith.constant 0 : i32
      %dma_wait3A_45 = arith.constant 0 : i32
      %dma_wait3A_46 = tpu.memref_slice %arg2[%dma_wait3A_44, %dma_wait3A_45] : memref<10240x128xf32, #tpu.memory_space<hbm>> -> memref<10240x128xf32, #tpu.memory_space<hbm>>
      tpu.wait_indirect_dma semaphore(%arg15 : memref<!tpu.dma_semaphore, #tpu.memory_space<semaphore_mem>>) src(%dma_wait3A_46 : memref<10240x128xf32, #tpu.memory_space<hbm>>) dst(%arg12 : memref<64x128xf32, #tpu.memory_space<vmem>>)
      %dma_wait3A_47 = arith.constant 0 : i32
      %dma_wait3A_48 = tpu.memref_slice %arg11[%scan3A_24, %dma_wait3A_47] : memref<80x64xi32, #tpu.memory_space<vmem>> -> memref<1x64xi32, #tpu.memory_space<vmem>>
      %dma_wait3A_49 = tpu.memref_squeeze %dma_wait3A_48 : memref<1x64xi32, #tpu.memory_space<vmem>> -> memref<64xi32, #tpu.memory_space<vmem>>
      %dma_wait3A_50 = arith.constant 0 : i32
      %dma_wait3A_51 = arith.constant 0 : i32
      %dma_wait3A_52 = tpu.memref_slice %arg3[%dma_wait3A_50, %dma_wait3A_51] : memref<10240x128xf32, #tpu.memory_space<hbm>> -> memref<10240x128xf32, #tpu.memory_space<hbm>>
      tpu.wait_indirect_dma semaphore(%arg16 : memref<!tpu.dma_semaphore, #tpu.memory_space<semaphore_mem>>) src(%dma_wait3A_52 : memref<10240x128xf32, #tpu.memory_space<hbm>>) dst(%arg13 : memref<64x128xf32, #tpu.memory_space<vmem>>)
      %parallel_loop3A = arith.constant 0 : i32
      %parallel_loop3A_53 = arith.constant 512 : i32
      %parallel_loop3A_54 = arith.constant 1 : i32
      scf.for %parallel_loop3A_66 = %parallel_loop3A to %parallel_loop3A_53 step %parallel_loop3A_54  : i32 {
        %parallel_loop3A_67 = arith.constant 8 : i32
        %parallel_loop3A_68 = arith.divsi %parallel_loop3A_66, %parallel_loop3A_67 : i32
        %parallel_loop3A_69 = arith.constant 0 : i32
        %parallel_loop3A_70 = arith.cmpi sgt, %parallel_loop3A_66, %parallel_loop3A_69 : i32
        %parallel_loop3A_71 = arith.extui %parallel_loop3A_70 : i1 to i32
        %parallel_loop3A_72 = arith.constant 0 : i32
        %parallel_loop3A_73 = arith.cmpi slt, %parallel_loop3A_66, %parallel_loop3A_72 : i32
        %parallel_loop3A_74 = arith.extui %parallel_loop3A_73 : i1 to i32
        %parallel_loop3A_75 = arith.subi %parallel_loop3A_71, %parallel_loop3A_74 : i32
        %parallel_loop3A_76 = arith.constant 0 : i32
        %parallel_loop3A_77 = arith.cmpi sgt, %parallel_loop3A_67, %parallel_loop3A_76 : i32
        %parallel_loop3A_78 = arith.extui %parallel_loop3A_77 : i1 to i32
        %parallel_loop3A_79 = arith.constant 0 : i32
        %parallel_loop3A_80 = arith.cmpi slt, %parallel_loop3A_67, %parallel_loop3A_79 : i32
        %parallel_loop3A_81 = arith.extui %parallel_loop3A_80 : i1 to i32
        %parallel_loop3A_82 = arith.subi %parallel_loop3A_78, %parallel_loop3A_81 : i32
        %parallel_loop3A_83 = arith.cmpi ne, %parallel_loop3A_75, %parallel_loop3A_82 : i32
        %parallel_loop3A_84 = arith.remsi %parallel_loop3A_66, %parallel_loop3A_67 : i32
        %parallel_loop3A_85 = arith.constant 0 : i32
        %parallel_loop3A_86 = arith.cmpi ne, %parallel_loop3A_84, %parallel_loop3A_85 : i32
        %parallel_loop3A_87 = arith.andi %parallel_loop3A_83, %parallel_loop3A_86 : i1
        %parallel_loop3A_88 = arith.constant 1 : i32
        %parallel_loop3A_89 = arith.subi %parallel_loop3A_68, %parallel_loop3A_88 : i32
        %parallel_loop3A_90 = arith.select %parallel_loop3A_87, %parallel_loop3A_89, %parallel_loop3A_68 : i32
        %parallel_loop3A_91 = arith.constant 8 : i32
        %parallel_loop3A_92 = arith.constant 0 : i32
        %parallel_loop3A_93 = arith.cmpi eq, %parallel_loop3A_91, %parallel_loop3A_92 : i32
        %parallel_loop3A_94 = arith.constant 1 : i32
        %parallel_loop3A_95 = arith.select %parallel_loop3A_93, %parallel_loop3A_94, %parallel_loop3A_91 : i32
        %parallel_loop3A_96 = arith.remsi %parallel_loop3A_66, %parallel_loop3A_95 : i32
        %parallel_loop3A_97 = arith.constant 0 : i32
        %parallel_loop3A_98 = arith.cmpi ne, %parallel_loop3A_96, %parallel_loop3A_97 : i32
        %parallel_loop3A_99 = arith.constant 0 : i32
        %parallel_loop3A_100 = arith.cmpi slt, %parallel_loop3A_96, %parallel_loop3A_99 : i32
        %parallel_loop3A_101 = arith.constant 0 : i32
        %parallel_loop3A_102 = arith.cmpi slt, %parallel_loop3A_95, %parallel_loop3A_101 : i32
        %parallel_loop3A_103 = arith.xori %parallel_loop3A_100, %parallel_loop3A_102 : i1
        %parallel_loop3A_104 = arith.andi %parallel_loop3A_103, %parallel_loop3A_98 : i1
        %parallel_loop3A_105 = arith.addi %parallel_loop3A_96, %parallel_loop3A_95 : i32
        %parallel_loop3A_106 = arith.select %parallel_loop3A_104, %parallel_loop3A_105, %parallel_loop3A_96 : i32
        %parallel_loop3A_107 = arith.constant 16 : i32
        %parallel_loop3A_108 = arith.muli %parallel_loop3A_106, %parallel_loop3A_107 : i32
        %parallel_loop3A_109 = arith.index_cast %parallel_loop3A_90 : i32 to index
        %parallel_loop3A_110 = arith.index_cast %parallel_loop3A_108 : i32 to index
        %parallel_loop3A_111 = tpu.vector_load %arg12[%parallel_loop3A_109, %parallel_loop3A_110] {strides = array<i32>} : memref<64x128xf32, #tpu.memory_space<vmem>>, vector<1x16xf32>,
        %parallel_loop3A_112 = vector.shape_cast %parallel_loop3A_111 : vector<1x16xf32> to vector<16xf32>
        %parallel_loop3A_113 = arith.index_cast %parallel_loop3A_90 : i32 to index
        %parallel_loop3A_114 = arith.index_cast %parallel_loop3A_108 : i32 to index
        %parallel_loop3A_115 = tpu.vector_load %arg13[%parallel_loop3A_113, %parallel_loop3A_114] {strides = array<i32>} : memref<64x128xf32, #tpu.memory_space<vmem>>, vector<1x16xf32>,
        %parallel_loop3A_116 = vector.shape_cast %parallel_loop3A_115 : vector<1x16xf32> to vector<16xf32>
        %parallel_loop3A_117 = arith.addf %parallel_loop3A_112, %parallel_loop3A_116 : vector<16xf32>
        %parallel_loop3A_118 = arith.index_cast %parallel_loop3A_90 : i32 to index
        %parallel_loop3A_119 = arith.index_cast %parallel_loop3A_108 : i32 to index
        %parallel_loop3A_120 = tpu.vector_load %arg12[%parallel_loop3A_118, %parallel_loop3A_119] {strides = array<i32>} : memref<64x128xf32, #tpu.memory_space<vmem>>, vector<1x16xf32>,
        %parallel_loop3A_121 = vector.shape_cast %parallel_loop3A_120 : vector<1x16xf32> to vector<16xf32>
        %parallel_loop3A_122 = vector.shape_cast %parallel_loop3A_117 : vector<16xf32> to vector<1x16xf32>
        tpu.vector_store %arg12[%parallel_loop3A_118, %parallel_loop3A_119], %parallel_loop3A_122 {strides = array<i32>} : memref<64x128xf32, #tpu.memory_space<vmem>>, vector<1x16xf32>,
      } {sc.loop_unroll_factor = 8 : i64, sc.parallel_access}
      %mul3A_55 = arith.constant 5120 : i32
      %mul3A_56 = arith.muli %add3A, %mul3A_55 : i32
      %mul3A_57 = arith.constant 64 : i32
      %mul3A_58 = arith.muli %scan3A_24, %mul3A_57 : i32
      %add3A_59 = arith.addi %mul3A_56, %mul3A_58 : i32
      "tpu.region"() ({
        %run_scoped3A = tpu.sem_alloc : memref<!tpu.dma_semaphore, #tpu.memory_space<semaphore_mem>>
        %dma_start3A_66 = arith.constant 0 : i32
        %dma_start3A_67 = tpu.memref_slice %arg7[%add3A_59, %dma_start3A_66] : memref<163840x128xf32, #tpu.memory_space<hbm>> -> memref<64x128xf32, #tpu.memory_space<hbm>>
        %dma_start3A_68 = arith.constant 0 : i32
        %dma_start3A_69 = tpu.memref_slice %arg7[%add3A_59, %dma_start3A_68] : memref<163840x128xf32, #tpu.memory_space<hbm>> -> memref<64x128xf32, #tpu.memory_space<hbm>>
        tpu.enqueue_dma source(%arg12 : memref<64x128xf32, #tpu.memory_space<vmem>>) target(%dma_start3A_69 : memref<64x128xf32, #tpu.memory_space<hbm>>) target_semaphore(%run_scoped3A : memref<!tpu.dma_semaphore, #tpu.memory_space<semaphore_mem>>)
        %dma_wait3A_70 = arith.constant 0 : i32
        %dma_wait3A_71 = tpu.memref_slice %arg7[%add3A_59, %dma_wait3A_70] : memref<163840x128xf32, #tpu.memory_space<hbm>> -> memref<64x128xf32, #tpu.memory_space<hbm>>
        %dma_wait3A_72 = arith.constant 0 : i32
        %dma_wait3A_73 = tpu.memref_slice %arg7[%add3A_59, %dma_wait3A_72] : memref<163840x128xf32, #tpu.memory_space<hbm>> -> memref<64x128xf32, #tpu.memory_space<hbm>>
        tpu.wait_dma2 semaphore(%run_scoped3A : memref<!tpu.dma_semaphore, #tpu.memory_space<semaphore_mem>>) src(%arg12 : memref<64x128xf32, #tpu.memory_space<vmem>>) dst(%dma_wait3A_73 : memref<64x128xf32, #tpu.memory_space<hbm>>)
        tpu.yield
      }) : () -> ()
      %dma_wait3A_60 = arith.constant 0 : i32
      %dma_wait3A_61 = tpu.memref_slice %arg10[%scan3A_24, %dma_wait3A_60] : memref<80x64xi32, #tpu.memory_space<vmem>> -> memref<1x64xi32, #tpu.memory_space<vmem>>
      %dma_wait3A_62 = tpu.memref_squeeze %dma_wait3A_61 : memref<1x64xi32, #tpu.memory_space<vmem>> -> memref<64xi32, #tpu.memory_space<vmem>>
      %dma_wait3A_63 = arith.constant 0 : i32
      %dma_wait3A_64 = arith.constant 0 : i32
      %dma_wait3A_65 = tpu.memref_slice %arg4[%dma_wait3A_63, %dma_wait3A_64] : memref<10240x128xf32, #tpu.memory_space<hbm>> -> memref<10240x128xf32, #tpu.memory_space<hbm>>
      tpu.wait_indirect_dma semaphore(%arg17 : memref<!tpu.dma_semaphore, #tpu.memory_space<semaphore_mem>>) src(%dma_wait3A_65 : memref<10240x128xf32, #tpu.memory_space<hbm>>) dst(%arg14 : memref<64x128xf32, #tpu.memory_space<vmem>>)
      "tpu.region"() ({
        %run_scoped3A = tpu.sem_alloc : memref<!tpu.dma_semaphore, #tpu.memory_space<semaphore_mem>>
        %dma_start3A_66 = arith.constant 0 : i32
        %dma_start3A_67 = tpu.memref_slice %arg11[%scan3A_24, %dma_start3A_66] : memref<80x64xi32, #tpu.memory_space<vmem>> -> memref<1x64xi32, #tpu.memory_space<vmem>>
        %dma_start3A_68 = tpu.memref_squeeze %dma_start3A_67 : memref<1x64xi32, #tpu.memory_space<vmem>> -> memref<64xi32, #tpu.memory_space<vmem>>
        %dma_start3A_69 = arith.constant 0 : i32
        %dma_start3A_70 = arith.constant 0 : i32
        %dma_start3A_71 = tpu.memref_slice %arg9[%dma_start3A_69, %dma_start3A_70] : memref<10240x128xf32, #tpu.memory_space<vmem_shared>> -> memref<10240x128xf32, #tpu.memory_space<vmem_shared>>
        tpu.enqueue_indirect_dma source(%arg14 : memref<64x128xf32, #tpu.memory_space<vmem>>) target(%dma_start3A_71 : memref<10240x128xf32, #tpu.memory_space<vmem_shared>>) offsets(%dma_start3A_68 : memref<64xi32, #tpu.memory_space<vmem>>) semaphore(%run_scoped3A : memref<!tpu.dma_semaphore, #tpu.memory_space<semaphore_mem>>) {add = true}
        %dma_wait3A_72 = arith.constant 0 : i32
        %dma_wait3A_73 = tpu.memref_slice %arg11[%scan3A_24, %dma_wait3A_72] : memref<80x64xi32, #tpu.memory_space<vmem>> -> memref<1x64xi32, #tpu.memory_space<vmem>>
        %dma_wait3A_74 = tpu.memref_squeeze %dma_wait3A_73 : memref<1x64xi32, #tpu.memory_space<vmem>> -> memref<64xi32, #tpu.memory_space<vmem>>
        %dma_wait3A_75 = arith.constant 0 : i32
        %dma_wait3A_76 = arith.constant 0 : i32
        %dma_wait3A_77 = tpu.memref_slice %arg9[%dma_wait3A_75, %dma_wait3A_76] : memref<10240x128xf32, #tpu.memory_space<vmem_shared>> -> memref<10240x128xf32, #tpu.memory_space<vmem_shared>>
        tpu.wait_indirect_dma semaphore(%run_scoped3A : memref<!tpu.dma_semaphore, #tpu.memory_space<semaphore_mem>>) src(%arg14 : memref<64x128xf32, #tpu.memory_space<vmem>>) dst(%dma_wait3A_77 : memref<10240x128xf32, #tpu.memory_space<vmem_shared>>)
        tpu.yield
      }) : () -> ()
    }
    %scan3A_18 = arith.constant 80 : i32
    %barrier3A_19 = arith.constant 0 : index
    tpu.barrier barrier_id(%barrier3A_19)
    %mul3A_20 = arith.constant 640 : i32
    %mul3A_21 = arith.muli %arg1, %mul3A_20 : i32
    %mul3A_22 = arith.constant 640 : i32
    %mul3A_23 = arith.muli %arg1, %mul3A_22 : i32
    "tpu.region"() ({
      %run_scoped3A = tpu.sem_alloc : memref<!tpu.dma_semaphore, #tpu.memory_space<semaphore_mem>>
      %dma_start3A = arith.constant 0 : i32
      %dma_start3A_24 = tpu.memref_slice %arg8[%arg0, %mul3A_23, %dma_start3A] : memref<2x10240x128xf32, #tpu.memory_space<hbm>> -> memref<1x640x128xf32, #tpu.memory_space<hbm>>
      %dma_start3A_25 = tpu.memref_squeeze %dma_start3A_24 : memref<1x640x128xf32, #tpu.memory_space<hbm>> -> memref<640x128xf32, #tpu.memory_space<hbm>>
      %dma_start3A_26 = arith.constant 0 : i32
      %dma_start3A_27 = tpu.memref_slice %arg9[%mul3A_21, %dma_start3A_26] : memref<10240x128xf32, #tpu.memory_space<vmem_shared>> -> memref<640x128xf32, #tpu.memory_space<vmem_shared>>
      tpu.enqueue_dma source(%dma_start3A_27 : memref<640x128xf32, #tpu.memory_space<vmem_shared>>) target(%dma_start3A_25 : memref<640x128xf32, #tpu.memory_space<hbm>>) target_semaphore(%run_scoped3A : memref<!tpu.dma_semaphore, #tpu.memory_space<semaphore_mem>>)
      %dma_wait3A = arith.constant 0 : i32
      %dma_wait3A_28 = tpu.memref_slice %arg8[%arg0, %mul3A_23, %dma_wait3A] : memref<2x10240x128xf32, #tpu.memory_space<hbm>> -> memref<1x640x128xf32, #tpu.memory_space<hbm>>
      %dma_wait3A_29 = tpu.memref_squeeze %dma_wait3A_28 : memref<1x640x128xf32, #tpu.memory_space<hbm>> -> memref<640x128xf32, #tpu.memory_space<hbm>>
      %dma_wait3A_30 = arith.constant 0 : i32
      %dma_wait3A_31 = tpu.memref_slice %arg9[%mul3A_21, %dma_wait3A_30] : memref<10240x128xf32, #tpu.memory_space<vmem_shared>> -> memref<640x128xf32, #tpu.memory_space<vmem_shared>>
      tpu.wait_dma2 semaphore(%run_scoped3A : memref<!tpu.dma_semaphore, #tpu.memory_space<semaphore_mem>>) src(%dma_wait3A_31 : memref<640x128xf32, #tpu.memory_space<vmem_shared>>) dst(%dma_wait3A_29 : memref<640x128xf32, #tpu.memory_space<hbm>>)
      tpu.yield
    }) : () -> ()
    return
  }
}

module attributes {stable_mosaic.version = 14 : i64} {
  func.func @_n_body(%arg0: i32, %arg1: memref<2500x128xi32, #tpu.memory_space<vmem>>, %arg2: memref<1x1xi32, #tpu.memory_space<smem>>) attributes {dimension_semantics = [#tpu.dimension_semantics<arbitrary>], iteration_bounds = array<i64: 1>, scalar_prefetch = 0 : i64, scratch_operands = 0 : i64, tpu.core_type = #tpu.core_type<tc>, window_params = [{pipeline_mode = #tpu.pipeline_mode<synchronous>, transform_indices = @transform_0, window_bounds = array<i64: 2500, 128>}, {transform_indices = @transform_1, window_bounds = array<i64: 1, 1>}]} {
    %eq3A = arith.constant 0 : i32
    %eq3A_0 = arith.cmpi eq, %arg0, %eq3A : i32
    %convert_element_type3A = arith.extui %eq3A_0 : i1 to i32
    %cond3A = arith.constant 0 : i32
    %cond3A_1 = arith.cmpi ne, %convert_element_type3A, %cond3A : i32
    scf.if %cond3A_1 {
      %swap3A_14 = arith.constant 0 : i32
      %swap3A_15 = arith.constant 0 : index
      %swap3A_16 = arith.constant 0 : index
      %swap3A_17 = memref.load %arg2[%swap3A_15, %swap3A_16] : memref<1x1xi32, #tpu.memory_space<smem>>
      memref.store %swap3A_14, %arg2[%swap3A_15, %swap3A_16] : memref<1x1xi32, #tpu.memory_space<smem>>
    } else {
    }
    %get3A = arith.constant 0 : index
    %get3A_2 = arith.constant 0 : index
    %get3A_3 = vector.load %arg1[%get3A, %get3A_2] : memref<2500x128xi32, #tpu.memory_space<vmem>>, vector<2500x128xi32>
    %reduce_max3A = vector.shape_cast %get3A_3 : vector<2500x128xi32> to vector<1x2500x128xi32>
    %reduce_max3A_4 = arith.constant dense<-2147483648> : vector<1xi32>
    %reduce_max3A_5 = vector.multi_reduction <maxsi>, %reduce_max3A, %reduce_max3A_4 [1, 2] : vector<1x2500x128xi32> to vector<1xi32>
    %reduce_max3A_6 = vector.shape_cast %reduce_max3A_5 : vector<1xi32> to vector<1x1x1xi32>
    %reduce_max3A_7 = vector.extract %reduce_max3A_6[0, 0, 0] : i32 from vector<1x1x1xi32>
    %get3A_8 = arith.constant 0 : index
    %get3A_9 = arith.constant 0 : index
    %get3A_10 = memref.load %arg2[%get3A_8, %get3A_9] : memref<1x1xi32, #tpu.memory_space<smem>>
    %add3A = arith.constant 1 : i32
    %add3A_11 = arith.addi %reduce_max3A_7, %add3A : i32
    %max3A = arith.maxsi %get3A_10, %add3A_11 : i32
    %swap3A = arith.constant 0 : index
    %swap3A_12 = arith.constant 0 : index
    %swap3A_13 = memref.load %arg2[%swap3A, %swap3A_12] : memref<1x1xi32, #tpu.memory_space<smem>>
    memref.store %max3A, %arg2[%swap3A, %swap3A_12] : memref<1x1xi32, #tpu.memory_space<smem>>
    return
  }
  func.func @transform_0(%arg0: i32) -> (i32, i32) {
    %c0_i32 = arith.constant 0 : i32
    %c0_i32_0 = arith.constant 0 : i32
    %c0_i32_1 = arith.constant 0 : i32
    return %c0_i32, %c0_i32_0 : i32, i32
  }
  func.func @transform_1(%arg0: i32) -> (i32, i32) {
    %c0_i32 = arith.constant 0 : i32
    %c0_i32_0 = arith.constant 0 : i32
    %c0_i32_1 = arith.constant 0 : i32
    return %c0_i32, %c0_i32_0 : i32, i32
  }
}

module attributes {stable_mosaic.version = 14 : i64} {
  func.func @_prep1_body(%arg0: memref<1x1xi32, #tpu.memory_space<smem>>, %arg1: memref<10000x128xf32, #tpu.memory_space<vmem>>, %arg2: memref<128x128xf32, #tpu.memory_space<vmem>>, %arg3: memref<256x128xf32, #tpu.memory_space<vmem>>, %arg4: memref<256x128xf32, #tpu.memory_space<vmem>>, %arg5: memref<3x128xf32, #tpu.memory_space<vmem>>, %arg6: memref<128xf32, #tpu.memory_space<vmem>>, %arg7: memref<128x128xf32, #tpu.memory_space<vmem>>, %arg8: memref<128xf32, #tpu.memory_space<vmem>>, %arg9: memref<128xf32, #tpu.memory_space<vmem>>, %arg10: memref<128xf32, #tpu.memory_space<vmem>>, %arg11: memref<128x128xf32, #tpu.memory_space<vmem>>, %arg12: memref<128xf32, #tpu.memory_space<vmem>>, %arg13: memref<128xf32, #tpu.memory_space<vmem>>, %arg14: memref<256x128xf32, #tpu.memory_space<vmem>>, %arg15: memref<128xf32, #tpu.memory_space<vmem>>, %arg16: memref<10240x128xf32, #tpu.memory_space<vmem>>, %arg17: memref<10240x128xf32, #tpu.memory_space<vmem>>, %arg18: memref<10240x128xf32, #tpu.memory_space<vmem>>, %arg19: memref<3x128xf32, #tpu.memory_space<vmem>>, %arg20: memref<1x128xf32, #tpu.memory_space<vmem>>, %arg21: memref<128x128xf32, #tpu.memory_space<vmem>>, %arg22: memref<1x128xf32, #tpu.memory_space<vmem>>) attributes {dimension_semantics = [], scalar_prefetch = 0 : i64, scratch_operands = 0 : i64, tpu.core_type = #tpu.core_type<tc>} {
    %get3A = arith.constant 0 : index
    %get3A_0 = arith.constant 0 : index
    %get3A_1 = memref.load %arg0[%get3A, %get3A_0] : memref<1x1xi32, #tpu.memory_space<smem>>
    %iota3A = tpu.iota {dimensions = array<i32: 0>} : vector<10000x1xi32>
    %lt3A = vector.broadcast %get3A_1 : i32 to vector<10000x1xi32>
    %lt3A_2 = arith.cmpi slt, %iota3A, %lt3A : vector<10000x1xi32>
    %get3A_3 = arith.constant 0 : index
    %get3A_4 = arith.constant 0 : index
    %get3A_5 = vector.load %arg1[%get3A_3, %get3A_4] : memref<10000x128xf32, #tpu.memory_space<vmem>>, vector<10000x128xf32>
    %jit3A = arith.constant 0.000000e+00 : f32
    %broadcast_in_dim3A = vector.shape_cast %lt3A_2 : vector<10000x1xi1> to vector<10000x1xi1>
    %broadcast_in_dim3A_6 = vector.broadcast %broadcast_in_dim3A : vector<10000x1xi1> to vector<10000x128xi1>
    %broadcast_in_dim3A_7 = vector.broadcast %jit3A : f32 to vector<10000x128xf32>
    %select_n3A = arith.select %broadcast_in_dim3A_6, %get3A_5, %broadcast_in_dim3A_7 : vector<10000x128xi1>, vector<10000x128xf32>
    %broadcast_in_dim3A_8 = arith.constant 0.000000e+00 : f32
    %broadcast_in_dim3A_9 = vector.broadcast %broadcast_in_dim3A_8 : f32 to vector<240x128xf32>
    %get3A_10 = arith.constant 0 : index
    %get3A_11 = arith.constant 0 : index
    %get3A_12 = vector.load %arg3[%get3A_10, %get3A_11] : memref<256x128xf32, #tpu.memory_space<vmem>>, vector<128x128xf32>
    %get3A_13 = arith.constant 0 : index
    %get3A_14 = arith.constant 0 : index
    %get3A_15 = vector.load %arg4[%get3A_13, %get3A_14] : memref<256x128xf32, #tpu.memory_space<vmem>>, vector<128x128xf32>
    %dot_general3A = arith.constant dense<0.000000e+00> : vector<128x128xf32>
    %dot_general3A_16 = tpu.matmul %get3A_12, %get3A_15, %dot_general3A {dimension_numbers = #tpu.dot_dimension_numbers<[1], [0], [0], [1], [0, 0, 1, 1], [], []>, transpose_lhs_hint = false} : vector<128x128xf32>, vector<128x128xf32>, vector<128x128xf32> -> vector<128x128xf32>
    %dot_general3A_17 = arith.constant dense<0.000000e+00> : vector<10000x128xf32>
    %dot_general3A_18 = tpu.matmul %select_n3A, %dot_general3A_16, %dot_general3A_17 {dimension_numbers = #tpu.dot_dimension_numbers<[1], [0], [0], [1], [0, 0, 1, 1], [], []>, transpose_lhs_hint = false} : vector<10000x128xf32>, vector<128x128xf32>, vector<10000x128xf32> -> vector<10000x128xf32>
    %swap3A = arith.constant 0 : index
    %swap3A_19 = arith.constant 0 : index
    %swap3A_20 = vector.load %arg16[%swap3A, %swap3A_19] : memref<10240x128xf32, #tpu.memory_space<vmem>>, vector<10000x128xf32>
    tpu.vector_store %arg16[%swap3A, %swap3A_19], %dot_general3A_18 {strides = array<i32>} : memref<10240x128xf32, #tpu.memory_space<vmem>>, vector<10000x128xf32>,
    %swap3A_21 = arith.constant 10000 : index
    %swap3A_22 = arith.constant 0 : index
    %swap3A_23 = vector.load %arg16[%swap3A_21, %swap3A_22] : memref<10240x128xf32, #tpu.memory_space<vmem>>, vector<240x128xf32>
    tpu.vector_store %arg16[%swap3A_21, %swap3A_22], %broadcast_in_dim3A_9 {strides = array<i32>} : memref<10240x128xf32, #tpu.memory_space<vmem>>, vector<240x128xf32>,
    %get3A_24 = arith.constant 128 : index
    %get3A_25 = arith.constant 0 : index
    %get3A_26 = vector.load %arg3[%get3A_24, %get3A_25] : memref<256x128xf32, #tpu.memory_space<vmem>>, vector<128x128xf32>
    %get3A_27 = arith.constant 0 : index
    %get3A_28 = arith.constant 0 : index
    %get3A_29 = vector.load %arg4[%get3A_27, %get3A_28] : memref<256x128xf32, #tpu.memory_space<vmem>>, vector<128x128xf32>
    %dot_general3A_30 = arith.constant dense<0.000000e+00> : vector<128x128xf32>
    %dot_general3A_31 = tpu.matmul %get3A_26, %get3A_29, %dot_general3A_30 {dimension_numbers = #tpu.dot_dimension_numbers<[1], [0], [0], [1], [0, 0, 1, 1], [], []>, transpose_lhs_hint = false} : vector<128x128xf32>, vector<128x128xf32>, vector<128x128xf32> -> vector<128x128xf32>
    %dot_general3A_32 = arith.constant dense<0.000000e+00> : vector<10000x128xf32>
    %dot_general3A_33 = tpu.matmul %select_n3A, %dot_general3A_31, %dot_general3A_32 {dimension_numbers = #tpu.dot_dimension_numbers<[1], [0], [0], [1], [0, 0, 1, 1], [], []>, transpose_lhs_hint = false} : vector<10000x128xf32>, vector<128x128xf32>, vector<10000x128xf32> -> vector<10000x128xf32>
    %swap3A_34 = arith.constant 0 : index
    %swap3A_35 = arith.constant 0 : index
    %swap3A_36 = vector.load %arg17[%swap3A_34, %swap3A_35] : memref<10240x128xf32, #tpu.memory_space<vmem>>, vector<10000x128xf32>
    tpu.vector_store %arg17[%swap3A_34, %swap3A_35], %dot_general3A_33 {strides = array<i32>} : memref<10240x128xf32, #tpu.memory_space<vmem>>, vector<10000x128xf32>,
    %swap3A_37 = arith.constant 10000 : index
    %swap3A_38 = arith.constant 0 : index
    %swap3A_39 = vector.load %arg17[%swap3A_37, %swap3A_38] : memref<10240x128xf32, #tpu.memory_space<vmem>>, vector<240x128xf32>
    tpu.vector_store %arg17[%swap3A_37, %swap3A_38], %broadcast_in_dim3A_9 {strides = array<i32>} : memref<10240x128xf32, #tpu.memory_space<vmem>>, vector<240x128xf32>,
    %get3A_40 = arith.constant 0 : index
    %get3A_41 = arith.constant 0 : index
    %get3A_42 = vector.load %arg2[%get3A_40, %get3A_41] : memref<128x128xf32, #tpu.memory_space<vmem>>, vector<128x128xf32>
    %dot_general3A_43 = arith.constant dense<0.000000e+00> : vector<10000x128xf32>
    %dot_general3A_44 = tpu.matmul %select_n3A, %get3A_42, %dot_general3A_43 {dimension_numbers = #tpu.dot_dimension_numbers<[1], [0], [0], [1], [0, 0, 1, 1], [], []>, transpose_lhs_hint = false} : vector<10000x128xf32>, vector<128x128xf32>, vector<10000x128xf32> -> vector<10000x128xf32>
    %swap3A_45 = arith.constant 0 : index
    %swap3A_46 = arith.constant 0 : index
    %swap3A_47 = vector.load %arg18[%swap3A_45, %swap3A_46] : memref<10240x128xf32, #tpu.memory_space<vmem>>, vector<10000x128xf32>
    tpu.vector_store %arg18[%swap3A_45, %swap3A_46], %dot_general3A_44 {strides = array<i32>} : memref<10240x128xf32, #tpu.memory_space<vmem>>, vector<10000x128xf32>,
    %swap3A_48 = arith.constant 10000 : index
    %swap3A_49 = arith.constant 0 : index
    %swap3A_50 = vector.load %arg18[%swap3A_48, %swap3A_49] : memref<10240x128xf32, #tpu.memory_space<vmem>>, vector<240x128xf32>
    tpu.vector_store %arg18[%swap3A_48, %swap3A_49], %broadcast_in_dim3A_9 {strides = array<i32>} : memref<10240x128xf32, #tpu.memory_space<vmem>>, vector<240x128xf32>,
    %get3A_51 = arith.constant 128 : index
    %get3A_52 = arith.constant 0 : index
    %get3A_53 = vector.load %arg4[%get3A_51, %get3A_52] : memref<256x128xf32, #tpu.memory_space<vmem>>, vector<128x128xf32>
    %get3A_54 = arith.constant 0 : index
    %get3A_55 = arith.constant 0 : index
    %get3A_56 = vector.load %arg5[%get3A_54, %get3A_55] : memref<3x128xf32, #tpu.memory_space<vmem>>, vector<3x128xf32>
    %get3A_57 = arith.constant 0 : index
    %get3A_58 = arith.constant 0 : index
    %get3A_59 = vector.load %arg7[%get3A_57, %get3A_58] : memref<128x128xf32, #tpu.memory_space<vmem>>, vector<128x128xf32>
    %dot_general3A_60 = arith.constant dense<0.000000e+00> : vector<128x128xf32>
    %dot_general3A_61 = tpu.matmul %get3A_59, %get3A_53, %dot_general3A_60 {dimension_numbers = #tpu.dot_dimension_numbers<[1], [0], [0], [1], [0, 0, 1, 1], [], []>, transpose_lhs_hint = false} : vector<128x128xf32>, vector<128x128xf32>, vector<128x128xf32> -> vector<128x128xf32>
    %dot_general3A_62 = arith.constant dense<0.000000e+00> : vector<3x128xf32>
    %dot_general3A_63 = tpu.matmul %get3A_56, %dot_general3A_61, %dot_general3A_62 {dimension_numbers = #tpu.dot_dimension_numbers<[1], [0], [0], [1], [0, 0, 1, 1], [], []>, transpose_lhs_hint = false} : vector<3x128xf32>, vector<128x128xf32>, vector<3x128xf32> -> vector<3x128xf32>
    %swap3A_64 = arith.constant 0 : index
    %swap3A_65 = arith.constant 0 : index
    %swap3A_66 = vector.load %arg19[%swap3A_64, %swap3A_65] : memref<3x128xf32, #tpu.memory_space<vmem>>, vector<3x128xf32>
    tpu.vector_store %arg19[%swap3A_64, %swap3A_65], %dot_general3A_63 {strides = array<i32>} : memref<3x128xf32, #tpu.memory_space<vmem>>, vector<3x128xf32>,
    %get3A_67 = arith.constant 0 : index
    %get3A_68 = vector.load %arg9[%get3A_67] : memref<128xf32, #tpu.memory_space<vmem>>, vector<128xf32>
    %reshape3A = vector.shape_cast %get3A_68 : vector<128xf32> to vector<1x128xf32>
    %get3A_69 = arith.constant 0 : index
    %get3A_70 = arith.constant 0 : index
    %get3A_71 = vector.load %arg4[%get3A_69, %get3A_70] : memref<256x128xf32, #tpu.memory_space<vmem>>, vector<128x128xf32>
    %dot_general3A_72 = arith.constant dense<0.000000e+00> : vector<1x128xf32>
    %dot_general3A_73 = tpu.matmul %reshape3A, %get3A_71, %dot_general3A_72 {dimension_numbers = #tpu.dot_dimension_numbers<[1], [0], [0], [1], [0, 0, 1, 1], [], []>, transpose_lhs_hint = false} : vector<1x128xf32>, vector<128x128xf32>, vector<1x128xf32> -> vector<1x128xf32>
    %get3A_74 = arith.constant 0 : index
    %get3A_75 = vector.load %arg6[%get3A_74] : memref<128xf32, #tpu.memory_space<vmem>>, vector<128xf32>
    %reshape3A_76 = vector.shape_cast %get3A_75 : vector<128xf32> to vector<1x128xf32>
    %get3A_77 = arith.constant 0 : index
    %get3A_78 = arith.constant 0 : index
    %get3A_79 = vector.load %arg7[%get3A_77, %get3A_78] : memref<128x128xf32, #tpu.memory_space<vmem>>, vector<128x128xf32>
    %dot_general3A_80 = arith.constant dense<0.000000e+00> : vector<1x128xf32>
    %dot_general3A_81 = tpu.matmul %reshape3A_76, %get3A_79, %dot_general3A_80 {dimension_numbers = #tpu.dot_dimension_numbers<[1], [0], [0], [1], [0, 0, 1, 1], [], []>, transpose_lhs_hint = false} : vector<1x128xf32>, vector<128x128xf32>, vector<1x128xf32> -> vector<1x128xf32>
    %get3A_82 = arith.constant 0 : index
    %get3A_83 = vector.load %arg8[%get3A_82] : memref<128xf32, #tpu.memory_space<vmem>>, vector<128xf32>
    %reshape3A_84 = vector.shape_cast %get3A_83 : vector<128xf32> to vector<1x128xf32>
    %add3A = arith.addf %dot_general3A_81, %reshape3A_84 : vector<1x128xf32>
    %dot_general3A_85 = arith.constant dense<0.000000e+00> : vector<1x128xf32>
    %dot_general3A_86 = tpu.matmul %add3A, %get3A_53, %dot_general3A_85 {dimension_numbers = #tpu.dot_dimension_numbers<[1], [0], [0], [1], [0, 0, 1, 1], [], []>, transpose_lhs_hint = false} : vector<1x128xf32>, vector<128x128xf32>, vector<1x128xf32> -> vector<1x128xf32>
    %add3A_87 = arith.addf %dot_general3A_73, %dot_general3A_86 : vector<1x128xf32>
    %get3A_88 = arith.constant 0 : index
    %get3A_89 = vector.load %arg10[%get3A_88] : memref<128xf32, #tpu.memory_space<vmem>>, vector<128xf32>
    %reshape3A_90 = vector.shape_cast %get3A_89 : vector<128xf32> to vector<1x128xf32>
    %add3A_91 = arith.addf %add3A_87, %reshape3A_90 : vector<1x128xf32>
    %swap3A_92 = arith.constant 0 : index
    %swap3A_93 = arith.constant 0 : index
    %swap3A_94 = vector.load %arg20[%swap3A_92, %swap3A_93] : memref<1x128xf32, #tpu.memory_space<vmem>>, vector<1x128xf32>
    tpu.vector_store %arg20[%swap3A_92, %swap3A_93], %add3A_91 {strides = array<i32>} : memref<1x128xf32, #tpu.memory_space<vmem>>, vector<1x128xf32>,
    %get3A_95 = arith.constant 0 : index
    %get3A_96 = arith.constant 0 : index
    %get3A_97 = vector.load %arg11[%get3A_95, %get3A_96] : memref<128x128xf32, #tpu.memory_space<vmem>>, vector<128x128xf32>
    %get3A_98 = arith.constant 128 : index
    %get3A_99 = arith.constant 0 : index
    %get3A_100 = vector.load %arg14[%get3A_98, %get3A_99] : memref<256x128xf32, #tpu.memory_space<vmem>>, vector<128x128xf32>
    %dot_general3A_101 = arith.constant dense<0.000000e+00> : vector<128x128xf32>
    %dot_general3A_102 = tpu.matmul %get3A_97, %get3A_100, %dot_general3A_101 {dimension_numbers = #tpu.dot_dimension_numbers<[1], [0], [0], [1], [0, 0, 1, 1], [], []>, transpose_lhs_hint = false} : vector<128x128xf32>, vector<128x128xf32>, vector<128x128xf32> -> vector<128x128xf32>
    %swap3A_103 = arith.constant 0 : index
    %swap3A_104 = arith.constant 0 : index
    %swap3A_105 = vector.load %arg21[%swap3A_103, %swap3A_104] : memref<128x128xf32, #tpu.memory_space<vmem>>, vector<128x128xf32>
    tpu.vector_store %arg21[%swap3A_103, %swap3A_104], %dot_general3A_102 {strides = array<i32>} : memref<128x128xf32, #tpu.memory_space<vmem>>, vector<128x128xf32>,
    %get3A_106 = arith.constant 0 : index
    %get3A_107 = vector.load %arg13[%get3A_106] : memref<128xf32, #tpu.memory_space<vmem>>, vector<128xf32>
    %reshape3A_108 = vector.shape_cast %get3A_107 : vector<128xf32> to vector<1x128xf32>
    %get3A_109 = arith.constant 0 : index
    %get3A_110 = arith.constant 0 : index
    %get3A_111 = vector.load %arg14[%get3A_109, %get3A_110] : memref<256x128xf32, #tpu.memory_space<vmem>>, vector<128x128xf32>
    %dot_general3A_112 = arith.constant dense<0.000000e+00> : vector<1x128xf32>
    %dot_general3A_113 = tpu.matmul %reshape3A_108, %get3A_111, %dot_general3A_112 {dimension_numbers = #tpu.dot_dimension_numbers<[1], [0], [0], [1], [0, 0, 1, 1], [], []>, transpose_lhs_hint = false} : vector<1x128xf32>, vector<128x128xf32>, vector<1x128xf32> -> vector<1x128xf32>
    %get3A_114 = arith.constant 0 : index
    %get3A_115 = vector.load %arg12[%get3A_114] : memref<128xf32, #tpu.memory_space<vmem>>, vector<128xf32>
    %reshape3A_116 = vector.shape_cast %get3A_115 : vector<128xf32> to vector<1x128xf32>
    %get3A_117 = arith.constant 128 : index
    %get3A_118 = arith.constant 0 : index
    %get3A_119 = vector.load %arg14[%get3A_117, %get3A_118] : memref<256x128xf32, #tpu.memory_space<vmem>>, vector<128x128xf32>
    %dot_general3A_120 = arith.constant dense<0.000000e+00> : vector<1x128xf32>
    %dot_general3A_121 = tpu.matmul %reshape3A_116, %get3A_119, %dot_general3A_120 {dimension_numbers = #tpu.dot_dimension_numbers<[1], [0], [0], [1], [0, 0, 1, 1], [], []>, transpose_lhs_hint = false} : vector<1x128xf32>, vector<128x128xf32>, vector<1x128xf32> -> vector<1x128xf32>
    %add3A_122 = arith.addf %dot_general3A_113, %dot_general3A_121 : vector<1x128xf32>
    %get3A_123 = arith.constant 0 : index
    %get3A_124 = vector.load %arg15[%get3A_123] : memref<128xf32, #tpu.memory_space<vmem>>, vector<128xf32>
    %reshape3A_125 = vector.shape_cast %get3A_124 : vector<128xf32> to vector<1x128xf32>
    %add3A_126 = arith.addf %add3A_122, %reshape3A_125 : vector<1x128xf32>
    %swap3A_127 = arith.constant 0 : index
    %swap3A_128 = arith.constant 0 : index
    %swap3A_129 = vector.load %arg22[%swap3A_127, %swap3A_128] : memref<1x128xf32, #tpu.memory_space<vmem>>, vector<1x128xf32>
    tpu.vector_store %arg22[%swap3A_127, %swap3A_128], %add3A_126 {strides = array<i32>} : memref<1x128xf32, #tpu.memory_space<vmem>>, vector<1x128xf32>,
    return
  }
}

module attributes {stable_mosaic.version = 14 : i64} {
  func.func @_dis_body(%arg0: memref<2x10240xf32, #tpu.memory_space<vmem>>, %arg1: memref<10240x128xf32, #tpu.memory_space<vmem>>, %arg2: memref<10240x1xf32, #tpu.memory_space<vmem>>, %arg3: memref<10240x128xf32, #tpu.memory_space<vmem>>) attributes {dimension_semantics = [], scalar_prefetch = 0 : i64, scratch_operands = 0 : i64, tpu.core_type = #tpu.core_type<tc>} {
    %get3A = arith.constant 0 : index
    %get3A_0 = arith.constant 0 : index
    %get3A_1 = vector.load %arg0[%get3A, %get3A_0] : memref<2x10240xf32, #tpu.memory_space<vmem>>, vector<1x10240xf32>
    %get3A_2 = vector.shape_cast %get3A_1 : vector<1x10240xf32> to vector<10240xf32>
    %get3A_3 = arith.constant 1 : index
    %get3A_4 = arith.constant 0 : index
    %get3A_5 = vector.load %arg0[%get3A_3, %get3A_4] : memref<2x10240xf32, #tpu.memory_space<vmem>>, vector<1x10240xf32>
    %get3A_6 = vector.shape_cast %get3A_5 : vector<1x10240xf32> to vector<10240xf32>
    %add3A = arith.addf %get3A_2, %get3A_6 : vector<10240xf32>
    %add3A_7 = arith.constant 1.000000e+00 : f32
    %add3A_8 = vector.broadcast %add3A_7 : f32 to vector<10240xf32>
    %add3A_9 = arith.addf %add3A, %add3A_8 : vector<10240xf32>
    %rsqrt3A = math.rsqrt %add3A_9 : vector<10240xf32>
    %reshape3A = vector.shape_cast %rsqrt3A : vector<10240xf32> to vector<10240x1xf32>
    %swap3A = arith.constant 0 : index
    %swap3A_10 = arith.constant 0 : index
    %swap3A_11 = vector.load %arg2[%swap3A, %swap3A_10] : memref<10240x1xf32, #tpu.memory_space<vmem>>, vector<10240x1xf32>
    tpu.vector_store %arg2[%swap3A, %swap3A_10], %reshape3A {strides = array<i32>} : memref<10240x1xf32, #tpu.memory_space<vmem>>, vector<10240x1xf32>,
    %get3A_12 = arith.constant 0 : index
    %get3A_13 = arith.constant 0 : index
    %get3A_14 = vector.load %arg1[%get3A_12, %get3A_13] : memref<10240x128xf32, #tpu.memory_space<vmem>>, vector<10240x128xf32>
    %mul3A = vector.broadcast %reshape3A : vector<10240x1xf32> to vector<10240x128xf32>
    %mul3A_15 = arith.mulf %get3A_14, %mul3A : vector<10240x128xf32>
    %swap3A_16 = arith.constant 0 : index
    %swap3A_17 = arith.constant 0 : index
    %swap3A_18 = vector.load %arg3[%swap3A_16, %swap3A_17] : memref<10240x128xf32, #tpu.memory_space<vmem>>, vector<10240x128xf32>
    tpu.vector_store %arg3[%swap3A_16, %swap3A_17], %mul3A_15 {strides = array<i32>} : memref<10240x128xf32, #tpu.memory_space<vmem>>, vector<10240x128xf32>,
    return
  }
}

module attributes {stable_mosaic.version = 14 : i64} {
  func.func @_layer2_body(%arg0: memref<1x1xi32, #tpu.memory_space<smem>>, %arg1: memref<2x10240x128xf32, #tpu.memory_space<vmem>>, %arg2: memref<10240x128xf32, #tpu.memory_space<vmem>>, %arg3: memref<10240x1xf32, #tpu.memory_space<vmem>>, %arg4: memref<128xf32, #tpu.memory_space<vmem>>, %arg5: memref<128xf32, #tpu.memory_space<vmem>>, %arg6: memref<128xf32, #tpu.memory_space<vmem>>, %arg7: memref<128x128xf32, #tpu.memory_space<vmem>>, %arg8: memref<256x128xf32, #tpu.memory_space<vmem>>, %arg9: memref<256x128xf32, #tpu.memory_space<vmem>>, %arg10: memref<10240x128xf32, #tpu.memory_space<vmem>>, %arg11: memref<10240x128xf32, #tpu.memory_space<vmem>>, %arg12: memref<10240x128xf32, #tpu.memory_space<vmem>>) attributes {dimension_semantics = [], scalar_prefetch = 0 : i64, scratch_operands = 0 : i64, tpu.core_type = #tpu.core_type<tc>} {
    %get3A = arith.constant 0 : index
    %get3A_0 = arith.constant 0 : index
    %get3A_1 = memref.load %arg0[%get3A, %get3A_0] : memref<1x1xi32, #tpu.memory_space<smem>>
    %get3A_2 = arith.constant 0 : index
    %get3A_3 = arith.constant 0 : index
    %get3A_4 = arith.constant 0 : index
    %get3A_5 = vector.load %arg1[%get3A_2, %get3A_3, %get3A_4] : memref<2x10240x128xf32, #tpu.memory_space<vmem>>, vector<2x10240x128xf32>
    %get3A_6 = arith.constant 0 : index
    %get3A_7 = arith.constant 0 : index
    %get3A_8 = vector.load %arg2[%get3A_6, %get3A_7] : memref<10240x128xf32, #tpu.memory_space<vmem>>, vector<10240x128xf32>
    %get3A_9 = arith.constant 0 : index
    %get3A_10 = arith.constant 0 : index
    %get3A_11 = vector.load %arg3[%get3A_9, %get3A_10] : memref<10240x1xf32, #tpu.memory_space<vmem>>, vector<10240x1xf32>
    %get3A_12 = arith.constant 0 : index
    %get3A_13 = vector.load %arg4[%get3A_12] : memref<128xf32, #tpu.memory_space<vmem>>, vector<128xf32>
    %get3A_14 = arith.constant 0 : index
    %get3A_15 = vector.load %arg5[%get3A_14] : memref<128xf32, #tpu.memory_space<vmem>>, vector<128xf32>
    %get3A_16 = arith.constant 0 : index
    %get3A_17 = vector.load %arg6[%get3A_16] : memref<128xf32, #tpu.memory_space<vmem>>, vector<128xf32>
    %slice3A = vector.extract_strided_slice %get3A_5 {offsets = [0, 0, 0], sizes = [1, 10240, 128], strides = [1, 1, 1]} : vector<2x10240x128xf32> to vector<1x10240x128xf32>
    %squeeze3A = vector.shape_cast %slice3A : vector<1x10240x128xf32> to vector<10240x128xf32>
    %slice3A_18 = vector.extract_strided_slice %get3A_5 {offsets = [1, 0, 0], sizes = [1, 10240, 128], strides = [1, 1, 1]} : vector<2x10240x128xf32> to vector<1x10240x128xf32>
    %squeeze3A_19 = vector.shape_cast %slice3A_18 : vector<1x10240x128xf32> to vector<10240x128xf32>
    %add3A = arith.addf %squeeze3A, %squeeze3A_19 : vector<10240x128xf32>
    %add3A_20 = arith.addf %add3A, %get3A_8 : vector<10240x128xf32>
    %mul3A = vector.broadcast %get3A_11 : vector<10240x1xf32> to vector<10240x128xf32>
    %mul3A_21 = arith.mulf %mul3A, %add3A_20 : vector<10240x128xf32>
    %broadcast_in_dim3A = vector.shape_cast %get3A_13 : vector<128xf32> to vector<1x128xf32>
    %add3A_22 = vector.broadcast %broadcast_in_dim3A : vector<1x128xf32> to vector<10240x128xf32>
    %add3A_23 = arith.addf %mul3A_21, %add3A_22 : vector<10240x128xf32>
    %iota3A = tpu.iota {dimensions = array<i32: 0>} : vector<10240x1xi32>
    %lt3A = vector.broadcast %get3A_1 : i32 to vector<10240x1xi32>
    %lt3A_24 = arith.cmpi slt, %iota3A, %lt3A : vector<10240x1xi32>
    %convert_element_type3A = arith.sitofp %get3A_1 : i32 to f32
    %jit3A = arith.constant 0.000000e+00 : f32
    %broadcast_in_dim3A_25 = vector.shape_cast %lt3A_24 : vector<10240x1xi1> to vector<10240x1xi1>
    %broadcast_in_dim3A_26 = vector.broadcast %broadcast_in_dim3A_25 : vector<10240x1xi1> to vector<10240x128xi1>
    %broadcast_in_dim3A_27 = vector.broadcast %jit3A : f32 to vector<10240x128xf32>
    %select_n3A = arith.select %broadcast_in_dim3A_26, %add3A_23, %broadcast_in_dim3A_27 : vector<10240x128xi1>, vector<10240x128xf32>
    %reduce_sum3A = arith.constant dense<0.000000e+00> : vector<128xf32>
    %reduce_sum3A_28 = vector.multi_reduction <add>, %select_n3A, %reduce_sum3A [0] : vector<10240x128xf32> to vector<128xf32>
    %broadcast_in_dim3A_29 = vector.shape_cast %reduce_sum3A_28 : vector<128xf32> to vector<1x128xf32>
    %div3A = vector.broadcast %convert_element_type3A : f32 to vector<1x128xf32>
    %div3A_30 = arith.divf %broadcast_in_dim3A_29, %div3A : vector<1x128xf32>
    %sub3A = vector.broadcast %div3A_30 : vector<1x128xf32> to vector<10240x128xf32>
    %sub3A_31 = arith.subf %add3A_23, %sub3A : vector<10240x128xf32>
    %jit3A_32 = arith.constant 0.000000e+00 : f32
    %broadcast_in_dim3A_33 = vector.shape_cast %lt3A_24 : vector<10240x1xi1> to vector<10240x1xi1>
    %broadcast_in_dim3A_34 = vector.broadcast %broadcast_in_dim3A_33 : vector<10240x1xi1> to vector<10240x128xi1>
    %broadcast_in_dim3A_35 = vector.broadcast %jit3A_32 : f32 to vector<10240x128xf32>
    %select_n3A_36 = arith.select %broadcast_in_dim3A_34, %sub3A_31, %broadcast_in_dim3A_35 : vector<10240x128xi1>, vector<10240x128xf32>
    %mul3A_37 = arith.mulf %select_n3A_36, %select_n3A_36 : vector<10240x128xf32>
    %reduce_sum3A_38 = arith.constant dense<0.000000e+00> : vector<128xf32>
    %reduce_sum3A_39 = vector.multi_reduction <add>, %mul3A_37, %reduce_sum3A_38 [0] : vector<10240x128xf32> to vector<128xf32>
    %broadcast_in_dim3A_40 = vector.shape_cast %reduce_sum3A_39 : vector<128xf32> to vector<1x128xf32>
    %div3A_41 = vector.broadcast %convert_element_type3A : f32 to vector<1x128xf32>
    %div3A_42 = arith.divf %broadcast_in_dim3A_40, %div3A_41 : vector<1x128xf32>
    %broadcast_in_dim3A_43 = vector.shape_cast %get3A_15 : vector<128xf32> to vector<1x128xf32>
    %sub3A_44 = vector.broadcast %div3A_30 : vector<1x128xf32> to vector<10240x128xf32>
    %sub3A_45 = arith.subf %add3A_23, %sub3A_44 : vector<10240x128xf32>
    %mul3A_46 = vector.broadcast %broadcast_in_dim3A_43 : vector<1x128xf32> to vector<10240x128xf32>
    %mul3A_47 = arith.mulf %mul3A_46, %sub3A_45 : vector<10240x128xf32>
    %add3A_48 = arith.constant 9.99999974E-6 : f32
    %add3A_49 = vector.broadcast %add3A_48 : f32 to vector<1x128xf32>
    %add3A_50 = arith.addf %div3A_42, %add3A_49 : vector<1x128xf32>
    %rsqrt3A = math.rsqrt %add3A_50 : vector<1x128xf32>
    %mul3A_51 = vector.broadcast %rsqrt3A : vector<1x128xf32> to vector<10240x128xf32>
    %mul3A_52 = arith.mulf %mul3A_47, %mul3A_51 : vector<10240x128xf32>
    %broadcast_in_dim3A_53 = vector.shape_cast %get3A_17 : vector<128xf32> to vector<1x128xf32>
    %add3A_54 = vector.broadcast %broadcast_in_dim3A_53 : vector<1x128xf32> to vector<10240x128xf32>
    %add3A_55 = arith.addf %mul3A_52, %add3A_54 : vector<10240x128xf32>
    %max3A = arith.constant 0.000000e+00 : f32
    %max3A_56 = vector.broadcast %max3A : f32 to vector<10240x128xf32>
    %max3A_57 = arith.maximumf %add3A_55, %max3A_56 : vector<10240x128xf32>
    %jit3A_58 = arith.constant 0.000000e+00 : f32
    %broadcast_in_dim3A_59 = vector.shape_cast %lt3A_24 : vector<10240x1xi1> to vector<10240x1xi1>
    %broadcast_in_dim3A_60 = vector.broadcast %broadcast_in_dim3A_59 : vector<10240x1xi1> to vector<10240x128xi1>
    %broadcast_in_dim3A_61 = vector.broadcast %jit3A_58 : f32 to vector<10240x128xf32>
    %select_n3A_62 = arith.select %broadcast_in_dim3A_60, %max3A_57, %broadcast_in_dim3A_61 : vector<10240x128xi1>, vector<10240x128xf32>
    %get3A_63 = arith.constant 0 : index
    %get3A_64 = arith.constant 0 : index
    %get3A_65 = vector.load %arg8[%get3A_63, %get3A_64] : memref<256x128xf32, #tpu.memory_space<vmem>>, vector<128x128xf32>
    %get3A_66 = arith.constant 0 : index
    %get3A_67 = arith.constant 0 : index
    %get3A_68 = vector.load %arg9[%get3A_66, %get3A_67] : memref<256x128xf32, #tpu.memory_space<vmem>>, vector<128x128xf32>
    %dot_general3A = arith.constant dense<0.000000e+00> : vector<128x128xf32>
    %dot_general3A_69 = tpu.matmul %get3A_65, %get3A_68, %dot_general3A {dimension_numbers = #tpu.dot_dimension_numbers<[1], [0], [0], [1], [0, 0, 1, 1], [], []>, transpose_lhs_hint = false} : vector<128x128xf32>, vector<128x128xf32>, vector<128x128xf32> -> vector<128x128xf32>
    %dot_general3A_70 = arith.constant dense<0.000000e+00> : vector<10240x128xf32>
    %dot_general3A_71 = tpu.matmul %select_n3A_62, %dot_general3A_69, %dot_general3A_70 {dimension_numbers = #tpu.dot_dimension_numbers<[1], [0], [0], [1], [0, 0, 1, 1], [], []>, transpose_lhs_hint = false} : vector<10240x128xf32>, vector<128x128xf32>, vector<10240x128xf32> -> vector<10240x128xf32>
    %swap3A = arith.constant 0 : index
    %swap3A_72 = arith.constant 0 : index
    %swap3A_73 = vector.load %arg10[%swap3A, %swap3A_72] : memref<10240x128xf32, #tpu.memory_space<vmem>>, vector<10240x128xf32>
    tpu.vector_store %arg10[%swap3A, %swap3A_72], %dot_general3A_71 {strides = array<i32>} : memref<10240x128xf32, #tpu.memory_space<vmem>>, vector<10240x128xf32>,
    %get3A_74 = arith.constant 128 : index
    %get3A_75 = arith.constant 0 : index
    %get3A_76 = vector.load %arg8[%get3A_74, %get3A_75] : memref<256x128xf32, #tpu.memory_space<vmem>>, vector<128x128xf32>
    %get3A_77 = arith.constant 0 : index
    %get3A_78 = arith.constant 0 : index
    %get3A_79 = vector.load %arg9[%get3A_77, %get3A_78] : memref<256x128xf32, #tpu.memory_space<vmem>>, vector<128x128xf32>
    %dot_general3A_80 = arith.constant dense<0.000000e+00> : vector<128x128xf32>
    %dot_general3A_81 = tpu.matmul %get3A_76, %get3A_79, %dot_general3A_80 {dimension_numbers = #tpu.dot_dimension_numbers<[1], [0], [0], [1], [0, 0, 1, 1], [], []>, transpose_lhs_hint = false} : vector<128x128xf32>, vector<128x128xf32>, vector<128x128xf32> -> vector<128x128xf32>
    %dot_general3A_82 = arith.constant dense<0.000000e+00> : vector<10240x128xf32>
    %dot_general3A_83 = tpu.matmul %select_n3A_62, %dot_general3A_81, %dot_general3A_82 {dimension_numbers = #tpu.dot_dimension_numbers<[1], [0], [0], [1], [0, 0, 1, 1], [], []>, transpose_lhs_hint = false} : vector<10240x128xf32>, vector<128x128xf32>, vector<10240x128xf32> -> vector<10240x128xf32>
    %swap3A_84 = arith.constant 0 : index
    %swap3A_85 = arith.constant 0 : index
    %swap3A_86 = vector.load %arg11[%swap3A_84, %swap3A_85] : memref<10240x128xf32, #tpu.memory_space<vmem>>, vector<10240x128xf32>
    tpu.vector_store %arg11[%swap3A_84, %swap3A_85], %dot_general3A_83 {strides = array<i32>} : memref<10240x128xf32, #tpu.memory_space<vmem>>, vector<10240x128xf32>,
    %get3A_87 = arith.constant 0 : index
    %get3A_88 = arith.constant 0 : index
    %get3A_89 = vector.load %arg7[%get3A_87, %get3A_88] : memref<128x128xf32, #tpu.memory_space<vmem>>, vector<128x128xf32>
    %dot_general3A_90 = arith.constant dense<0.000000e+00> : vector<10240x128xf32>
    %dot_general3A_91 = tpu.matmul %select_n3A_62, %get3A_89, %dot_general3A_90 {dimension_numbers = #tpu.dot_dimension_numbers<[1], [0], [0], [1], [0, 0, 1, 1], [], []>, transpose_lhs_hint = false} : vector<10240x128xf32>, vector<128x128xf32>, vector<10240x128xf32> -> vector<10240x128xf32>
    %get3A_92 = arith.constant 0 : index
    %get3A_93 = arith.constant 0 : index
    %get3A_94 = vector.load %arg3[%get3A_92, %get3A_93] : memref<10240x1xf32, #tpu.memory_space<vmem>>, vector<10240x1xf32>
    %mul3A_95 = vector.broadcast %get3A_94 : vector<10240x1xf32> to vector<10240x128xf32>
    %mul3A_96 = arith.mulf %dot_general3A_91, %mul3A_95 : vector<10240x128xf32>
    %swap3A_97 = arith.constant 0 : index
    %swap3A_98 = arith.constant 0 : index
    %swap3A_99 = vector.load %arg12[%swap3A_97, %swap3A_98] : memref<10240x128xf32, #tpu.memory_space<vmem>>, vector<10240x128xf32>
    tpu.vector_store %arg12[%swap3A_97, %swap3A_98], %mul3A_96 {strides = array<i32>} : memref<10240x128xf32, #tpu.memory_space<vmem>>, vector<10240x128xf32>,
    return
  }
}

module attributes {stable_mosaic.version = 14 : i64} {
  func.func @_stats1_body(%arg0: i32, %arg1: memref<2048x128xf32, #tpu.memory_space<vmem>>, %arg2: memref<3x2048xf32, #tpu.memory_space<vmem>>, %arg3: memref<3x128xf32, #tpu.memory_space<vmem>>, %arg4: memref<1x128xf32, #tpu.memory_space<vmem>>, %arg5: memref<2x128xf32, #tpu.memory_space<vmem>>) attributes {dimension_semantics = [#tpu.dimension_semantics<arbitrary>], iteration_bounds = array<i64: 80>, scalar_prefetch = 0 : i64, scratch_operands = 0 : i64, tpu.core_type = #tpu.core_type<tc>, window_params = [{transform_indices = @transform_0, window_bounds = array<i64: 2048, 128>}, {transform_indices = @transform_1, window_bounds = array<i64: 3, 2048>}, {pipeline_mode = #tpu.pipeline_mode<synchronous>, transform_indices = @transform_2, window_bounds = array<i64: 3, 128>}, {pipeline_mode = #tpu.pipeline_mode<synchronous>, transform_indices = @transform_3, window_bounds = array<i64: 1, 128>}, {pipeline_mode = #tpu.pipeline_mode<synchronous>, transform_indices = @transform_4, window_bounds = array<i64: 2, 128>}]} {
    %eq3A = arith.constant 0 : i32
    %eq3A_0 = arith.cmpi eq, %arg0, %eq3A : i32
    %convert_element_type3A = arith.extui %eq3A_0 : i1 to i32
    %cond3A = arith.constant 0 : i32
    %cond3A_1 = arith.cmpi ne, %convert_element_type3A, %cond3A : i32
    scf.if %cond3A_1 {
      %broadcast_in_dim3A_35 = arith.constant 0.000000e+00 : f32
      %broadcast_in_dim3A_36 = vector.broadcast %broadcast_in_dim3A_35 : f32 to vector<2x128xf32>
      %swap3A_37 = arith.constant 0 : index
      %swap3A_38 = arith.constant 0 : index
      %swap3A_39 = vector.load %arg5[%swap3A_37, %swap3A_38] : memref<2x128xf32, #tpu.memory_space<vmem>>, vector<2x128xf32>
      tpu.vector_store %arg5[%swap3A_37, %swap3A_38], %broadcast_in_dim3A_36 {strides = array<i32>} : memref<2x128xf32, #tpu.memory_space<vmem>>, vector<2x128xf32>,
    } else {
    }
    %get3A = arith.constant 0 : index
    %get3A_2 = arith.constant 0 : index
    %get3A_3 = vector.load %arg1[%get3A, %get3A_2] : memref<2048x128xf32, #tpu.memory_space<vmem>>, vector<2048x128xf32>
    %get3A_4 = arith.constant 0 : index
    %get3A_5 = arith.constant 0 : index
    %get3A_6 = vector.load %arg2[%get3A_4, %get3A_5] : memref<3x2048xf32, #tpu.memory_space<vmem>>, vector<3x2048xf32>
    %get3A_7 = arith.constant 0 : index
    %get3A_8 = arith.constant 0 : index
    %get3A_9 = vector.load %arg3[%get3A_7, %get3A_8] : memref<3x128xf32, #tpu.memory_space<vmem>>, vector<3x128xf32>
    %get3A_10 = arith.constant 0 : index
    %get3A_11 = arith.constant 0 : index
    %get3A_12 = vector.load %arg4[%get3A_10, %get3A_11] : memref<1x128xf32, #tpu.memory_space<vmem>>, vector<1x128xf32>
    %dot_general3A = arith.constant dense<0.000000e+00> : vector<2048x128xf32>
    %dot_general3A_13 = tpu.matmul %get3A_6, %get3A_9, %dot_general3A {dimension_numbers = #tpu.dot_dimension_numbers<[0], [0], [1], [1], [0, 1, 1, 1], [], []>, transpose_lhs_hint = false} : vector<3x2048xf32>, vector<3x128xf32>, vector<2048x128xf32> -> vector<2048x128xf32>
    %add3A = arith.addf %get3A_3, %dot_general3A_13 : vector<2048x128xf32>
    %add3A_14 = vector.broadcast %get3A_12 : vector<1x128xf32> to vector<2048x128xf32>
    %add3A_15 = arith.addf %add3A, %add3A_14 : vector<2048x128xf32>
    %mul3A = arith.constant 2048 : i32
    %mul3A_16 = arith.muli %arg0, %mul3A : i32
    %iota3A = tpu.iota {dimensions = array<i32: 0>} : vector<2048x1xi32>
    %add3A_17 = vector.broadcast %mul3A_16 : i32 to vector<2048x1xi32>
    %add3A_18 = arith.addi %add3A_17, %iota3A : vector<2048x1xi32>
    %lt3A = arith.constant 160000 : i32
    %lt3A_19 = vector.broadcast %lt3A : i32 to vector<2048x1xi32>
    %lt3A_20 = arith.cmpi slt, %add3A_18, %lt3A_19 : vector<2048x1xi32>
    %jit3A = arith.constant 0.000000e+00 : f32
    %broadcast_in_dim3A = vector.shape_cast %lt3A_20 : vector<2048x1xi1> to vector<2048x1xi1>
    %broadcast_in_dim3A_21 = vector.broadcast %broadcast_in_dim3A : vector<2048x1xi1> to vector<2048x128xi1>
    %broadcast_in_dim3A_22 = vector.broadcast %jit3A : f32 to vector<2048x128xf32>
    %select_n3A = arith.select %broadcast_in_dim3A_21, %add3A_15, %broadcast_in_dim3A_22 : vector<2048x128xi1>, vector<2048x128xf32>
    %reduce_sum3A = arith.constant dense<0.000000e+00> : vector<128xf32>
    %reduce_sum3A_23 = vector.multi_reduction <add>, %select_n3A, %reduce_sum3A [0] : vector<2048x128xf32> to vector<128xf32>
    %mul3A_24 = arith.mulf %select_n3A, %select_n3A : vector<2048x128xf32>
    %reduce_sum3A_25 = arith.constant dense<0.000000e+00> : vector<128xf32>
    %reduce_sum3A_26 = vector.multi_reduction <add>, %mul3A_24, %reduce_sum3A_25 [0] : vector<2048x128xf32> to vector<128xf32>
    %get3A_27 = arith.constant 0 : index
    %get3A_28 = arith.constant 0 : index
    %get3A_29 = vector.load %arg5[%get3A_27, %get3A_28] : memref<2x128xf32, #tpu.memory_space<vmem>>, vector<2x128xf32>
    %stack3A = vector.shape_cast %reduce_sum3A_23 : vector<128xf32> to vector<1x128xf32>
    %stack3A_30 = vector.shape_cast %reduce_sum3A_26 : vector<128xf32> to vector<1x128xf32>
    %stack3A_31 = tpu.concatenate %stack3A, %stack3A_30 in 0 : vector<1x128xf32>, vector<1x128xf32> -> vector<2x128xf32>
    %add3A_32 = arith.addf %get3A_29, %stack3A_31 : vector<2x128xf32>
    %swap3A = arith.constant 0 : index
    %swap3A_33 = arith.constant 0 : index
    %swap3A_34 = vector.load %arg5[%swap3A, %swap3A_33] : memref<2x128xf32, #tpu.memory_space<vmem>>, vector<2x128xf32>
    tpu.vector_store %arg5[%swap3A, %swap3A_33], %add3A_32 {strides = array<i32>} : memref<2x128xf32, #tpu.memory_space<vmem>>, vector<2x128xf32>,
    return
  }
  func.func @transform_0(%arg0: i32) -> (i32, i32) {
    %c0_i32 = arith.constant 0 : i32
    %c0_i32_0 = arith.constant 0 : i32
    return %arg0, %c0_i32 : i32, i32
  }
  func.func @transform_1(%arg0: i32) -> (i32, i32) {
    %c0_i32 = arith.constant 0 : i32
    %c0_i32_0 = arith.constant 0 : i32
    return %c0_i32, %arg0 : i32, i32
  }
  func.func @transform_2(%arg0: i32) -> (i32, i32) {
    %c0_i32 = arith.constant 0 : i32
    %c0_i32_0 = arith.constant 0 : i32
    %c0_i32_1 = arith.constant 0 : i32
    return %c0_i32, %c0_i32_0 : i32, i32
  }
  func.func @transform_3(%arg0: i32) -> (i32, i32) {
    %c0_i32 = arith.constant 0 : i32
    %c0_i32_0 = arith.constant 0 : i32
    %c0_i32_1 = arith.constant 0 : i32
    return %c0_i32, %c0_i32_0 : i32, i32
  }
  func.func @transform_4(%arg0: i32) -> (i32, i32) {
    %c0_i32 = arith.constant 0 : i32
    %c0_i32_0 = arith.constant 0 : i32
    %c0_i32_1 = arith.constant 0 : i32
    return %c0_i32, %c0_i32_0 : i32, i32
  }
}

module attributes {stable_mosaic.version = 14 : i64} {
  func.func @_z2_body(%arg0: i32, %arg1: memref<2048x128xf32, #tpu.memory_space<vmem>>, %arg2: memref<3x2048xf32, #tpu.memory_space<vmem>>, %arg3: memref<3x128xf32, #tpu.memory_space<vmem>>, %arg4: memref<1x128xf32, #tpu.memory_space<vmem>>, %arg5: memref<2x128xf32, #tpu.memory_space<vmem>>, %arg6: memref<128xf32, #tpu.memory_space<vmem>>, %arg7: memref<128xf32, #tpu.memory_space<vmem>>, %arg8: memref<2048x128xf32, #tpu.memory_space<vmem>>, %arg9: memref<128x128xf32, #tpu.memory_space<vmem>>, %arg10: memref<1x128xf32, #tpu.memory_space<vmem>>, %arg11: memref<2048x128xf32, #tpu.memory_space<vmem>>, %arg12: memref<2x128xf32, #tpu.memory_space<vmem>>) attributes {dimension_semantics = [#tpu.dimension_semantics<arbitrary>], iteration_bounds = array<i64: 80>, scalar_prefetch = 0 : i64, scratch_operands = 0 : i64, tpu.core_type = #tpu.core_type<tc>, window_params = [{transform_indices = @transform_0, window_bounds = array<i64: 2048, 128>}, {transform_indices = @transform_1, window_bounds = array<i64: 3, 2048>}, {pipeline_mode = #tpu.pipeline_mode<synchronous>, transform_indices = @transform_2, window_bounds = array<i64: 3, 128>}, {pipeline_mode = #tpu.pipeline_mode<synchronous>, transform_indices = @transform_3, window_bounds = array<i64: 1, 128>}, {pipeline_mode = #tpu.pipeline_mode<synchronous>, transform_indices = @transform_4, window_bounds = array<i64: 2, 128>}, {pipeline_mode = #tpu.pipeline_mode<synchronous>, transform_indices = @transform_5, window_bounds = array<i64: 128>}, {pipeline_mode = #tpu.pipeline_mode<synchronous>, transform_indices = @transform_6, window_bounds = array<i64: 128>}, {transform_indices = @transform_7, window_bounds = array<i64: 2048, 128>}, {pipeline_mode = #tpu.pipeline_mode<synchronous>, transform_indices = @transform_8, window_bounds = array<i64: 128, 128>}, {pipeline_mode = #tpu.pipeline_mode<synchronous>, transform_indices = @transform_9, window_bounds = array<i64: 1, 128>}, {transform_indices = @transform_10, window_bounds = array<i64: 2048, 128>}, {pipeline_mode = #tpu.pipeline_mode<synchronous>, transform_indices = @transform_11, window_bounds = array<i64: 2, 128>}]} {
    %eq3A = arith.constant 0 : i32
    %eq3A_0 = arith.cmpi eq, %arg0, %eq3A : i32
    %convert_element_type3A = arith.extui %eq3A_0 : i1 to i32
    %cond3A = arith.constant 0 : i32
    %cond3A_1 = arith.cmpi ne, %convert_element_type3A, %cond3A : i32
    scf.if %cond3A_1 {
      %broadcast_in_dim3A_81 = arith.constant 0.000000e+00 : f32
      %broadcast_in_dim3A_82 = vector.broadcast %broadcast_in_dim3A_81 : f32 to vector<2x128xf32>
      %swap3A_83 = arith.constant 0 : index
      %swap3A_84 = arith.constant 0 : index
      %swap3A_85 = vector.load %arg12[%swap3A_83, %swap3A_84] : memref<2x128xf32, #tpu.memory_space<vmem>>, vector<2x128xf32>
      tpu.vector_store %arg12[%swap3A_83, %swap3A_84], %broadcast_in_dim3A_82 {strides = array<i32>} : memref<2x128xf32, #tpu.memory_space<vmem>>, vector<2x128xf32>,
    } else {
    }
    %get3A = arith.constant 0 : index
    %get3A_2 = arith.constant 0 : index
    %get3A_3 = vector.load %arg1[%get3A, %get3A_2] : memref<2048x128xf32, #tpu.memory_space<vmem>>, vector<2048x128xf32>
    %get3A_4 = arith.constant 0 : index
    %get3A_5 = arith.constant 0 : index
    %get3A_6 = vector.load %arg2[%get3A_4, %get3A_5] : memref<3x2048xf32, #tpu.memory_space<vmem>>, vector<3x2048xf32>
    %get3A_7 = arith.constant 0 : index
    %get3A_8 = arith.constant 0 : index
    %get3A_9 = vector.load %arg3[%get3A_7, %get3A_8] : memref<3x128xf32, #tpu.memory_space<vmem>>, vector<3x128xf32>
    %get3A_10 = arith.constant 0 : index
    %get3A_11 = arith.constant 0 : index
    %get3A_12 = vector.load %arg4[%get3A_10, %get3A_11] : memref<1x128xf32, #tpu.memory_space<vmem>>, vector<1x128xf32>
    %dot_general3A = arith.constant dense<0.000000e+00> : vector<2048x128xf32>
    %dot_general3A_13 = tpu.matmul %get3A_6, %get3A_9, %dot_general3A {dimension_numbers = #tpu.dot_dimension_numbers<[0], [0], [1], [1], [0, 1, 1, 1], [], []>, transpose_lhs_hint = false} : vector<3x2048xf32>, vector<3x128xf32>, vector<2048x128xf32> -> vector<2048x128xf32>
    %add3A = arith.addf %get3A_3, %dot_general3A_13 : vector<2048x128xf32>
    %add3A_14 = vector.broadcast %get3A_12 : vector<1x128xf32> to vector<2048x128xf32>
    %add3A_15 = arith.addf %add3A, %add3A_14 : vector<2048x128xf32>
    %get3A_16 = arith.constant 0 : index
    %get3A_17 = arith.constant 0 : index
    %get3A_18 = vector.load %arg5[%get3A_16, %get3A_17] : memref<2x128xf32, #tpu.memory_space<vmem>>, vector<2x128xf32>
    %get3A_19 = arith.constant 0 : index
    %get3A_20 = vector.load %arg6[%get3A_19] : memref<128xf32, #tpu.memory_space<vmem>>, vector<128xf32>
    %get3A_21 = arith.constant 0 : index
    %get3A_22 = vector.load %arg7[%get3A_21] : memref<128xf32, #tpu.memory_space<vmem>>, vector<128xf32>
    %slice3A = vector.extract_strided_slice %get3A_18 {offsets = [0, 0], sizes = [1, 128], strides = [1, 1]} : vector<2x128xf32> to vector<1x128xf32>
    %squeeze3A = vector.shape_cast %slice3A : vector<1x128xf32> to vector<128xf32>
    %div3A = arith.constant 1.600000e+05 : f32
    %div3A_23 = vector.broadcast %div3A : f32 to vector<128xf32>
    %div3A_24 = arith.divf %squeeze3A, %div3A_23 : vector<128xf32>
    %slice3A_25 = vector.extract_strided_slice %get3A_18 {offsets = [1, 0], sizes = [1, 128], strides = [1, 1]} : vector<2x128xf32> to vector<1x128xf32>
    %squeeze3A_26 = vector.shape_cast %slice3A_25 : vector<1x128xf32> to vector<128xf32>
    %div3A_27 = arith.constant 1.600000e+05 : f32
    %div3A_28 = vector.broadcast %div3A_27 : f32 to vector<128xf32>
    %div3A_29 = arith.divf %squeeze3A_26, %div3A_28 : vector<128xf32>
    %mul3A = arith.mulf %div3A_24, %div3A_24 : vector<128xf32>
    %sub3A = arith.subf %div3A_29, %mul3A : vector<128xf32>
    %add3A_30 = arith.constant 9.99999974E-6 : f32
    %add3A_31 = vector.broadcast %add3A_30 : f32 to vector<128xf32>
    %add3A_32 = arith.addf %sub3A, %add3A_31 : vector<128xf32>
    %rsqrt3A = math.rsqrt %add3A_32 : vector<128xf32>
    %mul3A_33 = arith.mulf %get3A_20, %rsqrt3A : vector<128xf32>
    %mul3A_34 = arith.mulf %div3A_24, %mul3A_33 : vector<128xf32>
    %sub3A_35 = arith.subf %get3A_22, %mul3A_34 : vector<128xf32>
    %broadcast_in_dim3A = vector.shape_cast %mul3A_33 : vector<128xf32> to vector<1x128xf32>
    %mul3A_36 = vector.broadcast %broadcast_in_dim3A : vector<1x128xf32> to vector<2048x128xf32>
    %mul3A_37 = arith.mulf %add3A_15, %mul3A_36 : vector<2048x128xf32>
    %broadcast_in_dim3A_38 = vector.shape_cast %sub3A_35 : vector<128xf32> to vector<1x128xf32>
    %add3A_39 = vector.broadcast %broadcast_in_dim3A_38 : vector<1x128xf32> to vector<2048x128xf32>
    %add3A_40 = arith.addf %mul3A_37, %add3A_39 : vector<2048x128xf32>
    %max3A = arith.constant 0.000000e+00 : f32
    %max3A_41 = vector.broadcast %max3A : f32 to vector<2048x128xf32>
    %max3A_42 = arith.maximumf %add3A_40, %max3A_41 : vector<2048x128xf32>
    %get3A_43 = arith.constant 0 : index
    %get3A_44 = arith.constant 0 : index
    %get3A_45 = vector.load %arg9[%get3A_43, %get3A_44] : memref<128x128xf32, #tpu.memory_space<vmem>>, vector<128x128xf32>
    %dot_general3A_46 = arith.constant dense<0.000000e+00> : vector<2048x128xf32>
    %dot_general3A_47 = tpu.matmul %max3A_42, %get3A_45, %dot_general3A_46 {dimension_numbers = #tpu.dot_dimension_numbers<[1], [0], [0], [1], [0, 0, 1, 1], [], []>, transpose_lhs_hint = false} : vector<2048x128xf32>, vector<128x128xf32>, vector<2048x128xf32> -> vector<2048x128xf32>
    %get3A_48 = arith.constant 0 : index
    %get3A_49 = arith.constant 0 : index
    %get3A_50 = vector.load %arg8[%get3A_48, %get3A_49] : memref<2048x128xf32, #tpu.memory_space<vmem>>, vector<2048x128xf32>
    %add3A_51 = arith.addf %dot_general3A_47, %get3A_50 : vector<2048x128xf32>
    %get3A_52 = arith.constant 0 : index
    %get3A_53 = arith.constant 0 : index
    %get3A_54 = vector.load %arg10[%get3A_52, %get3A_53] : memref<1x128xf32, #tpu.memory_space<vmem>>, vector<1x128xf32>
    %add3A_55 = vector.broadcast %get3A_54 : vector<1x128xf32> to vector<2048x128xf32>
    %add3A_56 = arith.addf %add3A_51, %add3A_55 : vector<2048x128xf32>
    %swap3A = arith.constant 0 : index
    %swap3A_57 = arith.constant 0 : index
    %swap3A_58 = vector.load %arg11[%swap3A, %swap3A_57] : memref<2048x128xf32, #tpu.memory_space<vmem>>, vector<2048x128xf32>
    tpu.vector_store %arg11[%swap3A, %swap3A_57], %add3A_56 {strides = array<i32>} : memref<2048x128xf32, #tpu.memory_space<vmem>>, vector<2048x128xf32>,
    %mul3A_59 = arith.constant 2048 : i32
    %mul3A_60 = arith.muli %arg0, %mul3A_59 : i32
    %iota3A = tpu.iota {dimensions = array<i32: 0>} : vector<2048x1xi32>
    %add3A_61 = vector.broadcast %mul3A_60 : i32 to vector<2048x1xi32>
    %add3A_62 = arith.addi %add3A_61, %iota3A : vector<2048x1xi32>
    %lt3A = arith.constant 160000 : i32
    %lt3A_63 = vector.broadcast %lt3A : i32 to vector<2048x1xi32>
    %lt3A_64 = arith.cmpi slt, %add3A_62, %lt3A_63 : vector<2048x1xi32>
    %jit3A = arith.constant 0.000000e+00 : f32
    %broadcast_in_dim3A_65 = vector.shape_cast %lt3A_64 : vector<2048x1xi1> to vector<2048x1xi1>
    %broadcast_in_dim3A_66 = vector.broadcast %broadcast_in_dim3A_65 : vector<2048x1xi1> to vector<2048x128xi1>
    %broadcast_in_dim3A_67 = vector.broadcast %jit3A : f32 to vector<2048x128xf32>
    %select_n3A = arith.select %broadcast_in_dim3A_66, %add3A_56, %broadcast_in_dim3A_67 : vector<2048x128xi1>, vector<2048x128xf32>
    %get3A_68 = arith.constant 0 : index
    %get3A_69 = arith.constant 0 : index
    %get3A_70 = vector.load %arg12[%get3A_68, %get3A_69] : memref<2x128xf32, #tpu.memory_space<vmem>>, vector<2x128xf32>
    %reduce_sum3A = arith.constant dense<0.000000e+00> : vector<128xf32>
    %reduce_sum3A_71 = vector.multi_reduction <add>, %select_n3A, %reduce_sum3A [0] : vector<2048x128xf32> to vector<128xf32>
    %mul3A_72 = arith.mulf %select_n3A, %select_n3A : vector<2048x128xf32>
    %reduce_sum3A_73 = arith.constant dense<0.000000e+00> : vector<128xf32>
    %reduce_sum3A_74 = vector.multi_reduction <add>, %mul3A_72, %reduce_sum3A_73 [0] : vector<2048x128xf32> to vector<128xf32>
    %stack3A = vector.shape_cast %reduce_sum3A_71 : vector<128xf32> to vector<1x128xf32>
    %stack3A_75 = vector.shape_cast %reduce_sum3A_74 : vector<128xf32> to vector<1x128xf32>
    %stack3A_76 = tpu.concatenate %stack3A, %stack3A_75 in 0 : vector<1x128xf32>, vector<1x128xf32> -> vector<2x128xf32>
    %add3A_77 = arith.addf %get3A_70, %stack3A_76 : vector<2x128xf32>
    %swap3A_78 = arith.constant 0 : index
    %swap3A_79 = arith.constant 0 : index
    %swap3A_80 = vector.load %arg12[%swap3A_78, %swap3A_79] : memref<2x128xf32, #tpu.memory_space<vmem>>, vector<2x128xf32>
    tpu.vector_store %arg12[%swap3A_78, %swap3A_79], %add3A_77 {strides = array<i32>} : memref<2x128xf32, #tpu.memory_space<vmem>>, vector<2x128xf32>,
    return
  }
  func.func @transform_0(%arg0: i32) -> (i32, i32) {
    %c0_i32 = arith.constant 0 : i32
    %c0_i32_0 = arith.constant 0 : i32
    return %arg0, %c0_i32 : i32, i32
  }
  func.func @transform_1(%arg0: i32) -> (i32, i32) {
    %c0_i32 = arith.constant 0 : i32
    %c0_i32_0 = arith.constant 0 : i32
    return %c0_i32, %arg0 : i32, i32
  }
  func.func @transform_2(%arg0: i32) -> (i32, i32) {
    %c0_i32 = arith.constant 0 : i32
    %c0_i32_0 = arith.constant 0 : i32
    %c0_i32_1 = arith.constant 0 : i32
    return %c0_i32, %c0_i32_0 : i32, i32
  }
  func.func @transform_3(%arg0: i32) -> (i32, i32) {
    %c0_i32 = arith.constant 0 : i32
    %c0_i32_0 = arith.constant 0 : i32
    %c0_i32_1 = arith.constant 0 : i32
    return %c0_i32, %c0_i32_0 : i32, i32
  }
  func.func @transform_4(%arg0: i32) -> (i32, i32) {
    %c0_i32 = arith.constant 0 : i32
    %c0_i32_0 = arith.constant 0 : i32
    %c0_i32_1 = arith.constant 0 : i32
    return %c0_i32, %c0_i32_0 : i32, i32
  }
  func.func @transform_5(%arg0: i32) -> i32 {
    %c0_i32 = arith.constant 0 : i32
    %c0_i32_0 = arith.constant 0 : i32
    return %c0_i32 : i32
  }
  func.func @transform_6(%arg0: i32) -> i32 {
    %c0_i32 = arith.constant 0 : i32
    %c0_i32_0 = arith.constant 0 : i32
    return %c0_i32 : i32
  }
  func.func @transform_7(%arg0: i32) -> (i32, i32) {
    %c0_i32 = arith.constant 0 : i32
    %c0_i32_0 = arith.constant 0 : i32
    return %arg0, %c0_i32 : i32, i32
  }
  func.func @transform_8(%arg0: i32) -> (i32, i32) {
    %c0_i32 = arith.constant 0 : i32
    %c0_i32_0 = arith.constant 0 : i32
    %c0_i32_1 = arith.constant 0 : i32
    return %c0_i32, %c0_i32_0 : i32, i32
  }
  func.func @transform_9(%arg0: i32) -> (i32, i32) {
    %c0_i32 = arith.constant 0 : i32
    %c0_i32_0 = arith.constant 0 : i32
    %c0_i32_1 = arith.constant 0 : i32
    return %c0_i32, %c0_i32_0 : i32, i32
  }
  func.func @transform_10(%arg0: i32) -> (i32, i32) {
    %c0_i32 = arith.constant 0 : i32
    %c0_i32_0 = arith.constant 0 : i32
    return %arg0, %c0_i32 : i32, i32
  }
  func.func @transform_11(%arg0: i32) -> (i32, i32) {
    %c0_i32 = arith.constant 0 : i32
    %c0_i32_0 = arith.constant 0 : i32
    %c0_i32_1 = arith.constant 0 : i32
    return %c0_i32, %c0_i32_0 : i32, i32
  }
}

module attributes {stable_mosaic.version = 14 : i64} {
  func.func @_scores_body(%arg0: i32, %arg1: memref<2048x128xf32, #tpu.memory_space<vmem>>, %arg2: memref<2x128xf32, #tpu.memory_space<vmem>>, %arg3: memref<128xf32, #tpu.memory_space<vmem>>, %arg4: memref<128xf32, #tpu.memory_space<vmem>>, %arg5: memref<1x128xf32, #tpu.memory_space<vmem>>, %arg6: memref<1x1xf32, #tpu.memory_space<smem>>, %arg7: memref<16x128xf32, #tpu.memory_space<vmem>>) attributes {dimension_semantics = [#tpu.dimension_semantics<arbitrary>], iteration_bounds = array<i64: 80>, scalar_prefetch = 0 : i64, scratch_operands = 0 : i64, tpu.core_type = #tpu.core_type<tc>, window_params = [{transform_indices = @transform_0, window_bounds = array<i64: 2048, 128>}, {pipeline_mode = #tpu.pipeline_mode<synchronous>, transform_indices = @transform_1, window_bounds = array<i64: 2, 128>}, {pipeline_mode = #tpu.pipeline_mode<synchronous>, transform_indices = @transform_2, window_bounds = array<i64: 128>}, {pipeline_mode = #tpu.pipeline_mode<synchronous>, transform_indices = @transform_3, window_bounds = array<i64: 128>}, {pipeline_mode = #tpu.pipeline_mode<synchronous>, transform_indices = @transform_4, window_bounds = array<i64: 1, 128>}, {transform_indices = @transform_5, window_bounds = array<i64: 1, 1>}, {transform_indices = @transform_6, window_bounds = array<i64: 16, 128>}]} {
    %get3A = arith.constant 0 : index
    %get3A_0 = arith.constant 0 : index
    %get3A_1 = vector.load %arg2[%get3A, %get3A_0] : memref<2x128xf32, #tpu.memory_space<vmem>>, vector<2x128xf32>
    %get3A_2 = arith.constant 0 : index
    %get3A_3 = vector.load %arg3[%get3A_2] : memref<128xf32, #tpu.memory_space<vmem>>, vector<128xf32>
    %get3A_4 = arith.constant 0 : index
    %get3A_5 = vector.load %arg4[%get3A_4] : memref<128xf32, #tpu.memory_space<vmem>>, vector<128xf32>
    %slice3A = vector.extract_strided_slice %get3A_1 {offsets = [0, 0], sizes = [1, 128], strides = [1, 1]} : vector<2x128xf32> to vector<1x128xf32>
    %squeeze3A = vector.shape_cast %slice3A : vector<1x128xf32> to vector<128xf32>
    %div3A = arith.constant 1.600000e+05 : f32
    %div3A_6 = vector.broadcast %div3A : f32 to vector<128xf32>
    %div3A_7 = arith.divf %squeeze3A, %div3A_6 : vector<128xf32>
    %slice3A_8 = vector.extract_strided_slice %get3A_1 {offsets = [1, 0], sizes = [1, 128], strides = [1, 1]} : vector<2x128xf32> to vector<1x128xf32>
    %squeeze3A_9 = vector.shape_cast %slice3A_8 : vector<1x128xf32> to vector<128xf32>
    %div3A_10 = arith.constant 1.600000e+05 : f32
    %div3A_11 = vector.broadcast %div3A_10 : f32 to vector<128xf32>
    %div3A_12 = arith.divf %squeeze3A_9, %div3A_11 : vector<128xf32>
    %mul3A = arith.mulf %div3A_7, %div3A_7 : vector<128xf32>
    %sub3A = arith.subf %div3A_12, %mul3A : vector<128xf32>
    %add3A = arith.constant 9.99999974E-6 : f32
    %add3A_13 = vector.broadcast %add3A : f32 to vector<128xf32>
    %add3A_14 = arith.addf %sub3A, %add3A_13 : vector<128xf32>
    %rsqrt3A = math.rsqrt %add3A_14 : vector<128xf32>
    %mul3A_15 = arith.mulf %get3A_3, %rsqrt3A : vector<128xf32>
    %mul3A_16 = arith.mulf %div3A_7, %mul3A_15 : vector<128xf32>
    %sub3A_17 = arith.subf %get3A_5, %mul3A_16 : vector<128xf32>
    %get3A_18 = arith.constant 0 : index
    %get3A_19 = arith.constant 0 : index
    %get3A_20 = vector.load %arg1[%get3A_18, %get3A_19] : memref<2048x128xf32, #tpu.memory_space<vmem>>, vector<2048x128xf32>
    %broadcast_in_dim3A = vector.shape_cast %mul3A_15 : vector<128xf32> to vector<1x128xf32>
    %mul3A_21 = vector.broadcast %broadcast_in_dim3A : vector<1x128xf32> to vector<2048x128xf32>
    %mul3A_22 = arith.mulf %get3A_20, %mul3A_21 : vector<2048x128xf32>
    %broadcast_in_dim3A_23 = vector.shape_cast %sub3A_17 : vector<128xf32> to vector<1x128xf32>
    %add3A_24 = vector.broadcast %broadcast_in_dim3A_23 : vector<1x128xf32> to vector<2048x128xf32>
    %add3A_25 = arith.addf %mul3A_22, %add3A_24 : vector<2048x128xf32>
    %max3A = arith.constant 0.000000e+00 : f32
    %max3A_26 = vector.broadcast %max3A : f32 to vector<2048x128xf32>
    %max3A_27 = arith.maximumf %add3A_25, %max3A_26 : vector<2048x128xf32>
    %get3A_28 = arith.constant 0 : index
    %get3A_29 = arith.constant 0 : index
    %get3A_30 = vector.load %arg5[%get3A_28, %get3A_29] : memref<1x128xf32, #tpu.memory_space<vmem>>, vector<1x128xf32>
    %get3A_31 = vector.shape_cast %get3A_30 : vector<1x128xf32> to vector<128xf32>
    %broadcast_in_dim3A_32 = vector.shape_cast %get3A_31 : vector<128xf32> to vector<1x128xf32>
    %mul3A_33 = vector.broadcast %broadcast_in_dim3A_32 : vector<1x128xf32> to vector<2048x128xf32>
    %mul3A_34 = arith.mulf %max3A_27, %mul3A_33 : vector<2048x128xf32>
    %reduce_sum3A = arith.constant dense<0.000000e+00> : vector<2048xf32>
    %reduce_sum3A_35 = vector.multi_reduction <add>, %mul3A_34, %reduce_sum3A [1] : vector<2048x128xf32> to vector<2048xf32>
    %get3A_36 = arith.constant 0 : index
    %get3A_37 = arith.constant 0 : index
    %get3A_38 = memref.load %arg6[%get3A_36, %get3A_37] : memref<1x1xf32, #tpu.memory_space<smem>>
    %add3A_39 = vector.broadcast %get3A_38 : f32 to vector<2048xf32>
    %add3A_40 = arith.addf %reduce_sum3A_35, %add3A_39 : vector<2048xf32>
    %reshape3A = vector.shape_cast %add3A_40 : vector<2048xf32> to vector<16x128xf32>
    %swap3A = arith.constant 0 : index
    %swap3A_41 = arith.constant 0 : index
    %swap3A_42 = vector.load %arg7[%swap3A, %swap3A_41] : memref<16x128xf32, #tpu.memory_space<vmem>>, vector<16x128xf32>
    tpu.vector_store %arg7[%swap3A, %swap3A_41], %reshape3A {strides = array<i32>} : memref<16x128xf32, #tpu.memory_space<vmem>>, vector<16x128xf32>,
    return
  }
  func.func @transform_0(%arg0: i32) -> (i32, i32) {
    %c0_i32 = arith.constant 0 : i32
    %c0_i32_0 = arith.constant 0 : i32
    return %arg0, %c0_i32 : i32, i32
  }
  func.func @transform_1(%arg0: i32) -> (i32, i32) {
    %c0_i32 = arith.constant 0 : i32
    %c0_i32_0 = arith.constant 0 : i32
    %c0_i32_1 = arith.constant 0 : i32
    return %c0_i32, %c0_i32_0 : i32, i32
  }
  func.func @transform_2(%arg0: i32) -> i32 {
    %c0_i32 = arith.constant 0 : i32
    %c0_i32_0 = arith.constant 0 : i32
    return %c0_i32 : i32
  }
  func.func @transform_3(%arg0: i32) -> i32 {
    %c0_i32 = arith.constant 0 : i32
    %c0_i32_0 = arith.constant 0 : i32
    return %c0_i32 : i32
  }
  func.func @transform_4(%arg0: i32) -> (i32, i32) {
    %c0_i32 = arith.constant 0 : i32
    %c0_i32_0 = arith.constant 0 : i32
    %c0_i32_1 = arith.constant 0 : i32
    return %c0_i32, %c0_i32_0 : i32, i32
  }
  func.func @transform_5(%arg0: i32) -> (i32, i32) {
    %c0_i32 = arith.constant 0 : i32
    %c0_i32_0 = arith.constant 0 : i32
    %c0_i32_1 = arith.constant 0 : i32
    return %c0_i32, %c0_i32_0 : i32, i32
  }
  func.func @transform_6(%arg0: i32) -> (i32, i32) {
    %c0_i32 = arith.constant 0 : i32
    %c0_i32_0 = arith.constant 0 : i32
    return %arg0, %c0_i32 : i32, i32
  }
}

module attributes {stable_mosaic.version = 14 : i64} {
  func.func @_max_body(%arg0: i32, %arg1: memref<128x128xf32, #tpu.memory_space<vmem>>, %arg2: memref<128x128xi32, #tpu.memory_space<vmem>>, %arg3: memref<128x128xi32, #tpu.memory_space<vmem>>, %arg4: memref<1x1xf32, #tpu.memory_space<smem>>) attributes {dimension_semantics = [#tpu.dimension_semantics<arbitrary>], iteration_bounds = array<i64: 10>, scalar_prefetch = 0 : i64, scratch_operands = 0 : i64, tpu.core_type = #tpu.core_type<tc>, window_params = [{transform_indices = @transform_0, window_bounds = array<i64: 128, 128>}, {transform_indices = @transform_1, window_bounds = array<i64: 128, 128>}, {transform_indices = @transform_2, window_bounds = array<i64: 128, 128>}, {transform_indices = @transform_3, window_bounds = array<i64: 1, 1>}]} {
    %eq3A = arith.constant 0 : i32
    %eq3A_0 = arith.cmpi eq, %arg0, %eq3A : i32
    %convert_element_type3A = arith.extui %eq3A_0 : i1 to i32
    %cond3A = arith.constant 0 : i32
    %cond3A_1 = arith.cmpi ne, %convert_element_type3A, %cond3A : i32
    scf.if %cond3A_1 {
      %swap3A_19 = arith.constant 0.000000e+00 : f32
      %swap3A_20 = arith.constant 0 : index
      %swap3A_21 = arith.constant 0 : index
      %swap3A_22 = memref.load %arg4[%swap3A_20, %swap3A_21] : memref<1x1xf32, #tpu.memory_space<smem>>
      memref.store %swap3A_19, %arg4[%swap3A_20, %swap3A_21] : memref<1x1xf32, #tpu.memory_space<smem>>
    } else {
    }
    %get3A = arith.constant 0 : index
    %get3A_2 = arith.constant 0 : index
    %get3A_3 = vector.load %arg2[%get3A, %get3A_2] : memref<128x128xi32, #tpu.memory_space<vmem>>, vector<128x128xi32>
    %get3A_4 = arith.constant 0 : index
    %get3A_5 = arith.constant 0 : index
    %get3A_6 = vector.load %arg3[%get3A_4, %get3A_5] : memref<128x128xi32, #tpu.memory_space<vmem>>, vector<128x128xi32>
    %lt3A = arith.cmpi slt, %get3A_3, %get3A_6 : vector<128x128xi32>
    %get3A_7 = arith.constant 0 : index
    %get3A_8 = arith.constant 0 : index
    %get3A_9 = vector.load %arg1[%get3A_7, %get3A_8] : memref<128x128xf32, #tpu.memory_space<vmem>>, vector<128x128xf32>
    %jit3A = arith.constant 0.000000e+00 : f32
    %broadcast_in_dim3A = vector.broadcast %jit3A : f32 to vector<128x128xf32>
    %select_n3A = arith.select %lt3A, %get3A_9, %broadcast_in_dim3A : vector<128x128xi1>, vector<128x128xf32>
    %reduce_max3A = vector.shape_cast %select_n3A : vector<128x128xf32> to vector<1x128x128xf32>
    %reduce_max3A_10 = arith.constant dense<0xFF800000> : vector<1xf32>
    %reduce_max3A_11 = vector.multi_reduction <maximumf>, %reduce_max3A, %reduce_max3A_10 [1, 2] : vector<1x128x128xf32> to vector<1xf32>
    %reduce_max3A_12 = vector.shape_cast %reduce_max3A_11 : vector<1xf32> to vector<1x1x1xf32>
    %reduce_max3A_13 = vector.extract %reduce_max3A_12[0, 0, 0] : f32 from vector<1x1x1xf32>
    %get3A_14 = arith.constant 0 : index
    %get3A_15 = arith.constant 0 : index
    %get3A_16 = memref.load %arg4[%get3A_14, %get3A_15] : memref<1x1xf32, #tpu.memory_space<smem>>
    %max3A = arith.maximumf %get3A_16, %reduce_max3A_13 : f32
    %swap3A = arith.constant 0 : index
    %swap3A_17 = arith.constant 0 : index
    %swap3A_18 = memref.load %arg4[%swap3A, %swap3A_17] : memref<1x1xf32, #tpu.memory_space<smem>>
    memref.store %max3A, %arg4[%swap3A, %swap3A_17] : memref<1x1xf32, #tpu.memory_space<smem>>
    return
  }
  func.func @transform_0(%arg0: i32) -> (i32, i32) {
    %c0_i32 = arith.constant 0 : i32
    %c0_i32_0 = arith.constant 0 : i32
    return %arg0, %c0_i32 : i32, i32
  }
  func.func @transform_1(%arg0: i32) -> (i32, i32) {
    %c0_i32 = arith.constant 0 : i32
    %c0_i32_0 = arith.constant 0 : i32
    return %arg0, %c0_i32 : i32, i32
  }
  func.func @transform_2(%arg0: i32) -> (i32, i32) {
    %c0_i32 = arith.constant 0 : i32
    %c0_i32_0 = arith.constant 0 : i32
    return %arg0, %c0_i32 : i32, i32
  }
  func.func @transform_3(%arg0: i32) -> (i32, i32) {
    %c0_i32 = arith.constant 0 : i32
    %c0_i32_0 = arith.constant 0 : i32
    %c0_i32_1 = arith.constant 0 : i32
    return %c0_i32, %c0_i32_0 : i32, i32
  }
}

module attributes {stable_mosaic.version = 14 : i64} {
  func.func @_denom_body(%arg0: i32, %arg1: memref<128x128xf32, #tpu.memory_space<vmem>>, %arg2: memref<128x128xi32, #tpu.memory_space<vmem>>, %arg3: memref<128x128xi32, #tpu.memory_space<vmem>>, %arg4: memref<1x1xf32, #tpu.memory_space<smem>>, %arg5: memref<1x1xf32, #tpu.memory_space<smem>>) attributes {dimension_semantics = [#tpu.dimension_semantics<arbitrary>], iteration_bounds = array<i64: 10>, scalar_prefetch = 0 : i64, scratch_operands = 0 : i64, tpu.core_type = #tpu.core_type<tc>, window_params = [{transform_indices = @transform_0, window_bounds = array<i64: 128, 128>}, {transform_indices = @transform_1, window_bounds = array<i64: 128, 128>}, {transform_indices = @transform_2, window_bounds = array<i64: 128, 128>}, {transform_indices = @transform_3, window_bounds = array<i64: 1, 1>}, {transform_indices = @transform_4, window_bounds = array<i64: 1, 1>}]} {
    %eq3A = arith.constant 0 : i32
    %eq3A_0 = arith.cmpi eq, %arg0, %eq3A : i32
    %convert_element_type3A = arith.extui %eq3A_0 : i1 to i32
    %cond3A = arith.constant 0 : i32
    %cond3A_1 = arith.cmpi ne, %convert_element_type3A, %cond3A : i32
    scf.if %cond3A_1 {
      %swap3A_29 = arith.constant 0.000000e+00 : f32
      %swap3A_30 = arith.constant 0 : index
      %swap3A_31 = arith.constant 0 : index
      %swap3A_32 = memref.load %arg5[%swap3A_30, %swap3A_31] : memref<1x1xf32, #tpu.memory_space<smem>>
      memref.store %swap3A_29, %arg5[%swap3A_30, %swap3A_31] : memref<1x1xf32, #tpu.memory_space<smem>>
    } else {
    }
    %get3A = arith.constant 0 : index
    %get3A_2 = arith.constant 0 : index
    %get3A_3 = memref.load %arg4[%get3A, %get3A_2] : memref<1x1xf32, #tpu.memory_space<smem>>
    %neg3A = arith.constant 0.000000e+00 : f32
    %neg3A_4 = arith.subf %neg3A, %get3A_3 : f32
    %exp3A = math.exp %neg3A_4 : f32
    %get3A_5 = arith.constant 0 : index
    %get3A_6 = arith.constant 0 : index
    %get3A_7 = vector.load %arg2[%get3A_5, %get3A_6] : memref<128x128xi32, #tpu.memory_space<vmem>>, vector<128x128xi32>
    %get3A_8 = arith.constant 0 : index
    %get3A_9 = arith.constant 0 : index
    %get3A_10 = vector.load %arg3[%get3A_8, %get3A_9] : memref<128x128xi32, #tpu.memory_space<vmem>>, vector<128x128xi32>
    %lt3A = arith.cmpi slt, %get3A_7, %get3A_10 : vector<128x128xi32>
    %get3A_11 = arith.constant 0 : index
    %get3A_12 = arith.constant 0 : index
    %get3A_13 = vector.load %arg1[%get3A_11, %get3A_12] : memref<128x128xf32, #tpu.memory_space<vmem>>, vector<128x128xf32>
    %broadcast_in_dim3A = vector.broadcast %get3A_3 : f32 to vector<128x128xf32>
    %select_n3A = arith.select %lt3A, %get3A_13, %broadcast_in_dim3A : vector<128x128xi1>, vector<128x128xf32>
    %sub3A = vector.broadcast %get3A_3 : f32 to vector<128x128xf32>
    %sub3A_14 = arith.subf %select_n3A, %sub3A : vector<128x128xf32>
    %exp3A_15 = math.exp %sub3A_14 : vector<128x128xf32>
    %sub3A_16 = vector.broadcast %exp3A : f32 to vector<128x128xf32>
    %sub3A_17 = arith.subf %exp3A_15, %sub3A_16 : vector<128x128xf32>
    %jit3A = arith.constant 0.000000e+00 : f32
    %broadcast_in_dim3A_18 = vector.broadcast %jit3A : f32 to vector<128x128xf32>
    %select_n3A_19 = arith.select %lt3A, %sub3A_17, %broadcast_in_dim3A_18 : vector<128x128xi1>, vector<128x128xf32>
    %get3A_20 = arith.constant 0 : index
    %get3A_21 = arith.constant 0 : index
    %get3A_22 = memref.load %arg5[%get3A_20, %get3A_21] : memref<1x1xf32, #tpu.memory_space<smem>>
    %reduce_sum3A = vector.shape_cast %select_n3A_19 : vector<128x128xf32> to vector<1x128x128xf32>
    %reduce_sum3A_23 = arith.constant dense<0.000000e+00> : vector<1xf32>
    %reduce_sum3A_24 = vector.multi_reduction <add>, %reduce_sum3A, %reduce_sum3A_23 [1, 2] : vector<1x128x128xf32> to vector<1xf32>
    %reduce_sum3A_25 = vector.shape_cast %reduce_sum3A_24 : vector<1xf32> to vector<1x1x1xf32>
    %reduce_sum3A_26 = vector.extract %reduce_sum3A_25[0, 0, 0] : f32 from vector<1x1x1xf32>
    %add3A = arith.addf %get3A_22, %reduce_sum3A_26 : f32
    %swap3A = arith.constant 0 : index
    %swap3A_27 = arith.constant 0 : index
    %swap3A_28 = memref.load %arg5[%swap3A, %swap3A_27] : memref<1x1xf32, #tpu.memory_space<smem>>
    memref.store %add3A, %arg5[%swap3A, %swap3A_27] : memref<1x1xf32, #tpu.memory_space<smem>>
    return
  }
  func.func @transform_0(%arg0: i32) -> (i32, i32) {
    %c0_i32 = arith.constant 0 : i32
    %c0_i32_0 = arith.constant 0 : i32
    return %arg0, %c0_i32 : i32, i32
  }
  func.func @transform_1(%arg0: i32) -> (i32, i32) {
    %c0_i32 = arith.constant 0 : i32
    %c0_i32_0 = arith.constant 0 : i32
    return %arg0, %c0_i32 : i32, i32
  }
  func.func @transform_2(%arg0: i32) -> (i32, i32) {
    %c0_i32 = arith.constant 0 : i32
    %c0_i32_0 = arith.constant 0 : i32
    return %arg0, %c0_i32 : i32, i32
  }
  func.func @transform_3(%arg0: i32) -> (i32, i32) {
    %c0_i32 = arith.constant 0 : i32
    %c0_i32_0 = arith.constant 0 : i32
    %c0_i32_1 = arith.constant 0 : i32
    return %c0_i32, %c0_i32_0 : i32, i32
  }
  func.func @transform_4(%arg0: i32) -> (i32, i32) {
    %c0_i32 = arith.constant 0 : i32
    %c0_i32_0 = arith.constant 0 : i32
    %c0_i32_1 = arith.constant 0 : i32
    return %c0_i32, %c0_i32_0 : i32, i32
  }
}

module attributes {stable_mosaic.version = 14 : i64} {
  func.func @_vals_body(%arg0: i32, %arg1: memref<1x1xi32, #tpu.memory_space<smem>>, %arg2: memref<1x1xf32, #tpu.memory_space<smem>>, %arg3: memref<1x1xf32, #tpu.memory_space<smem>>, %arg4: memref<128x128xf32, #tpu.memory_space<vmem>>, %arg5: memref<128x128xi32, #tpu.memory_space<vmem>>, %arg6: memref<128x128xi32, #tpu.memory_space<vmem>>, %arg7: memref<128x128xf32, #tpu.memory_space<vmem>>, %arg8: memref<128x128xi32, #tpu.memory_space<vmem>>, %arg9: memref<8x16xf32, #tpu.memory_space<vmem>>) attributes {dimension_semantics = [#tpu.dimension_semantics<arbitrary>], iteration_bounds = array<i64: 10>, scalar_prefetch = 0 : i64, scratch_operands = 0 : i64, tpu.core_type = #tpu.core_type<tc>, window_params = [{transform_indices = @transform_0, window_bounds = array<i64: 1, 1>}, {transform_indices = @transform_1, window_bounds = array<i64: 1, 1>}, {transform_indices = @transform_2, window_bounds = array<i64: 1, 1>}, {transform_indices = @transform_3, window_bounds = array<i64: 128, 128>}, {transform_indices = @transform_4, window_bounds = array<i64: 128, 128>}, {transform_indices = @transform_5, window_bounds = array<i64: 128, 128>}, {transform_indices = @transform_6, window_bounds = array<i64: 128, 128>}, {transform_indices = @transform_7, window_bounds = array<i64: 128, 128>}, {pipeline_mode = #tpu.pipeline_mode<synchronous>, transform_indices = @transform_8, window_bounds = array<i64: 8, 16>}]} {
    %get3A = arith.constant 0 : index
    %get3A_0 = arith.constant 0 : index
    %get3A_1 = memref.load %arg1[%get3A, %get3A_0] : memref<1x1xi32, #tpu.memory_space<smem>>
    %get3A_2 = arith.constant 0 : index
    %get3A_3 = arith.constant 0 : index
    %get3A_4 = memref.load %arg2[%get3A_2, %get3A_3] : memref<1x1xf32, #tpu.memory_space<smem>>
    %neg3A = arith.constant 0.000000e+00 : f32
    %neg3A_5 = arith.subf %neg3A, %get3A_4 : f32
    %exp3A = math.exp %neg3A_5 : f32
    %mul3A = arith.constant 4.999500e+07 : f32
    %mul3A_6 = arith.mulf %mul3A, %exp3A : f32
    %get3A_7 = arith.constant 0 : index
    %get3A_8 = arith.constant 0 : index
    %get3A_9 = memref.load %arg3[%get3A_7, %get3A_8] : memref<1x1xf32, #tpu.memory_space<smem>>
    %add3A = arith.addf %mul3A_6, %get3A_9 : f32
    %div3A = arith.divf %exp3A, %add3A : f32
    %get3A_10 = arith.constant 0 : index
    %get3A_11 = arith.constant 0 : index
    %get3A_12 = vector.load %arg5[%get3A_10, %get3A_11] : memref<128x128xi32, #tpu.memory_space<vmem>>, vector<128x128xi32>
    %get3A_13 = arith.constant 0 : index
    %get3A_14 = arith.constant 0 : index
    %get3A_15 = vector.load %arg6[%get3A_13, %get3A_14] : memref<128x128xi32, #tpu.memory_space<vmem>>, vector<128x128xi32>
    %lt3A = arith.cmpi slt, %get3A_12, %get3A_15 : vector<128x128xi32>
    %get3A_16 = arith.constant 0 : index
    %get3A_17 = arith.constant 0 : index
    %get3A_18 = vector.load %arg4[%get3A_16, %get3A_17] : memref<128x128xf32, #tpu.memory_space<vmem>>, vector<128x128xf32>
    %broadcast_in_dim3A = vector.broadcast %get3A_4 : f32 to vector<128x128xf32>
    %select_n3A = arith.select %lt3A, %get3A_18, %broadcast_in_dim3A : vector<128x128xi1>, vector<128x128xf32>
    %sub3A = vector.broadcast %get3A_4 : f32 to vector<128x128xf32>
    %sub3A_19 = arith.subf %select_n3A, %sub3A : vector<128x128xf32>
    %exp3A_20 = math.exp %sub3A_19 : vector<128x128xf32>
    %div3A_21 = vector.broadcast %add3A : f32 to vector<128x128xf32>
    %div3A_22 = arith.divf %exp3A_20, %div3A_21 : vector<128x128xf32>
    %sub3A_23 = vector.broadcast %div3A : f32 to vector<128x128xf32>
    %sub3A_24 = arith.subf %div3A_22, %sub3A_23 : vector<128x128xf32>
    %jit3A = arith.constant 0.000000e+00 : f32
    %broadcast_in_dim3A_25 = vector.broadcast %jit3A : f32 to vector<128x128xf32>
    %select_n3A_26 = arith.select %lt3A, %sub3A_24, %broadcast_in_dim3A_25 : vector<128x128xi1>, vector<128x128xf32>
    %swap3A = arith.constant 0 : index
    %swap3A_27 = arith.constant 0 : index
    %swap3A_28 = vector.load %arg7[%swap3A, %swap3A_27] : memref<128x128xf32, #tpu.memory_space<vmem>>, vector<128x128xf32>
    tpu.vector_store %arg7[%swap3A, %swap3A_27], %select_n3A_26 {strides = array<i32>} : memref<128x128xf32, #tpu.memory_space<vmem>>, vector<128x128xf32>,
    %mul3A_29 = arith.constant 2 : i32
    %mul3A_30 = arith.muli %mul3A_29, %get3A_1 : i32
    %sub3A_31 = vector.broadcast %mul3A_30 : i32 to vector<128x128xi32>
    %sub3A_32 = arith.subi %sub3A_31, %get3A_12 : vector<128x128xi32>
    %sub3A_33 = arith.constant 1 : i32
    %sub3A_34 = vector.broadcast %sub3A_33 : i32 to vector<128x128xi32>
    %sub3A_35 = arith.subi %sub3A_32, %sub3A_34 : vector<128x128xi32>
    %mul3A_36 = arith.muli %get3A_12, %sub3A_35 : vector<128x128xi32>
    %jit3A_37 = arith.constant 2 : i32
    %div3A_38 = vector.broadcast %jit3A_37 : i32 to vector<128x128xi32>
    %div3A_39 = arith.divsi %mul3A_36, %div3A_38 : vector<128x128xi32>
    %sign3A = arith.constant 0 : i32
    %sign3A_40 = vector.broadcast %sign3A : i32 to vector<128x128xi32>
    %sign3A_41 = arith.cmpi sgt, %mul3A_36, %sign3A_40 : vector<128x128xi32>
    %sign3A_42 = arith.extui %sign3A_41 : vector<128x128xi1> to vector<128x128xi32>
    %sign3A_43 = arith.constant 0 : i32
    %sign3A_44 = vector.broadcast %sign3A_43 : i32 to vector<128x128xi32>
    %sign3A_45 = arith.cmpi slt, %mul3A_36, %sign3A_44 : vector<128x128xi32>
    %sign3A_46 = arith.extui %sign3A_45 : vector<128x128xi1> to vector<128x128xi32>
    %sign3A_47 = arith.subi %sign3A_42, %sign3A_46 : vector<128x128xi32>
    %sign3A_48 = arith.constant 0 : i32
    %sign3A_49 = arith.cmpi sgt, %jit3A_37, %sign3A_48 : i32
    %sign3A_50 = arith.extui %sign3A_49 : i1 to i32
    %sign3A_51 = arith.constant 0 : i32
    %sign3A_52 = arith.cmpi slt, %jit3A_37, %sign3A_51 : i32
    %sign3A_53 = arith.extui %sign3A_52 : i1 to i32
    %sign3A_54 = arith.subi %sign3A_50, %sign3A_53 : i32
    %ne3A = vector.broadcast %sign3A_54 : i32 to vector<128x128xi32>
    %ne3A_55 = arith.cmpi ne, %sign3A_47, %ne3A : vector<128x128xi32>
    %rem3A = vector.broadcast %jit3A_37 : i32 to vector<128x128xi32>
    %rem3A_56 = arith.remsi %mul3A_36, %rem3A : vector<128x128xi32>
    %ne3A_57 = arith.constant 0 : i32
    %ne3A_58 = vector.broadcast %ne3A_57 : i32 to vector<128x128xi32>
    %ne3A_59 = arith.cmpi ne, %rem3A_56, %ne3A_58 : vector<128x128xi32>
    %and3A = arith.andi %ne3A_55, %ne3A_59 : vector<128x128xi1>
    %sub3A_60 = arith.constant 1 : i32
    %sub3A_61 = vector.broadcast %sub3A_60 : i32 to vector<128x128xi32>
    %sub3A_62 = arith.subi %div3A_39, %sub3A_61 : vector<128x128xi32>
    %select_n3A_63 = arith.select %and3A, %sub3A_62, %div3A_39 : vector<128x128xi1>, vector<128x128xi32>
    %sub3A_64 = arith.subi %get3A_15, %get3A_12 : vector<128x128xi32>
    %sub3A_65 = arith.constant 1 : i32
    %sub3A_66 = vector.broadcast %sub3A_65 : i32 to vector<128x128xi32>
    %sub3A_67 = arith.subi %sub3A_64, %sub3A_66 : vector<128x128xi32>
    %add3A_68 = arith.addi %select_n3A_63, %sub3A_67 : vector<128x128xi32>
    %jit3A_69 = arith.constant 49995000 : i32
    %broadcast_in_dim3A_70 = vector.broadcast %jit3A_69 : i32 to vector<128x128xi32>
    %select_n3A_71 = arith.select %lt3A, %add3A_68, %broadcast_in_dim3A_70 : vector<128x128xi1>, vector<128x128xi32>
    %swap3A_72 = arith.constant 0 : index
    %swap3A_73 = arith.constant 0 : index
    %swap3A_74 = vector.load %arg8[%swap3A_72, %swap3A_73] : memref<128x128xi32, #tpu.memory_space<vmem>>, vector<128x128xi32>
    tpu.vector_store %arg8[%swap3A_72, %swap3A_73], %select_n3A_71 {strides = array<i32>} : memref<128x128xi32, #tpu.memory_space<vmem>>, vector<128x128xi32>,
    %broadcast_in_dim3A_75 = vector.broadcast %div3A : f32 to vector<8x16xf32>
    %swap3A_76 = arith.constant 0 : index
    %swap3A_77 = arith.constant 0 : index
    %swap3A_78 = vector.load %arg9[%swap3A_76, %swap3A_77] : memref<8x16xf32, #tpu.memory_space<vmem>>, vector<8x16xf32>
    tpu.vector_store %arg9[%swap3A_76, %swap3A_77], %broadcast_in_dim3A_75 {strides = array<i32>} : memref<8x16xf32, #tpu.memory_space<vmem>>, vector<8x16xf32>,
    return
  }
  func.func @transform_0(%arg0: i32) -> (i32, i32) {
    %c0_i32 = arith.constant 0 : i32
    %c0_i32_0 = arith.constant 0 : i32
    %c0_i32_1 = arith.constant 0 : i32
    return %c0_i32, %c0_i32_0 : i32, i32
  }
  func.func @transform_1(%arg0: i32) -> (i32, i32) {
    %c0_i32 = arith.constant 0 : i32
    %c0_i32_0 = arith.constant 0 : i32
    %c0_i32_1 = arith.constant 0 : i32
    return %c0_i32, %c0_i32_0 : i32, i32
  }
  func.func @transform_2(%arg0: i32) -> (i32, i32) {
    %c0_i32 = arith.constant 0 : i32
    %c0_i32_0 = arith.constant 0 : i32
    %c0_i32_1 = arith.constant 0 : i32
    return %c0_i32, %c0_i32_0 : i32, i32
  }
  func.func @transform_3(%arg0: i32) -> (i32, i32) {
    %c0_i32 = arith.constant 0 : i32
    %c0_i32_0 = arith.constant 0 : i32
    return %arg0, %c0_i32 : i32, i32
  }
  func.func @transform_4(%arg0: i32) -> (i32, i32) {
    %c0_i32 = arith.constant 0 : i32
    %c0_i32_0 = arith.constant 0 : i32
    return %arg0, %c0_i32 : i32, i32
  }
  func.func @transform_5(%arg0: i32) -> (i32, i32) {
    %c0_i32 = arith.constant 0 : i32
    %c0_i32_0 = arith.constant 0 : i32
    return %arg0, %c0_i32 : i32, i32
  }
  func.func @transform_6(%arg0: i32) -> (i32, i32) {
    %c0_i32 = arith.constant 0 : i32
    %c0_i32_0 = arith.constant 0 : i32
    return %arg0, %c0_i32 : i32, i32
  }
  func.func @transform_7(%arg0: i32) -> (i32, i32) {
    %c0_i32 = arith.constant 0 : i32
    %c0_i32_0 = arith.constant 0 : i32
    return %arg0, %c0_i32 : i32, i32
  }
  func.func @transform_8(%arg0: i32) -> (i32, i32) {
    %c0_i32 = arith.constant 0 : i32
    %c0_i32_0 = arith.constant 0 : i32
    %c0_i32_1 = arith.constant 0 : i32
    return %c0_i32, %c0_i32_0 : i32, i32
  }
}

module attributes {stable_mosaic.version = 14 : i64} {
  func.func @_value_body(%arg0: memref<1x1xi32, #tpu.memory_space<smem>>, %arg1: memref<2x10240x128xf32, #tpu.memory_space<vmem>>, %arg2: memref<10240x128xf32, #tpu.memory_space<vmem>>, %arg3: memref<10240x1xf32, #tpu.memory_space<vmem>>, %arg4: memref<128xf32, #tpu.memory_space<vmem>>, %arg5: memref<128xf32, #tpu.memory_space<vmem>>, %arg6: memref<128xf32, #tpu.memory_space<vmem>>, %arg7: memref<128x64xf32, #tpu.memory_space<vmem>>, %arg8: memref<64xf32, #tpu.memory_space<vmem>>, %arg9: memref<64x1xf32, #tpu.memory_space<vmem>>, %arg10: memref<1xf32, #tpu.memory_space<vmem>>, %arg11: memref<1x1xf32, #tpu.memory_space<vmem>>) attributes {dimension_semantics = [], scalar_prefetch = 0 : i64, scratch_operands = 0 : i64, tpu.core_type = #tpu.core_type<tc>} {
    %get3A = arith.constant 0 : index
    %get3A_0 = arith.constant 0 : index
    %get3A_1 = memref.load %arg0[%get3A, %get3A_0] : memref<1x1xi32, #tpu.memory_space<smem>>
    %get3A_2 = arith.constant 0 : index
    %get3A_3 = arith.constant 0 : index
    %get3A_4 = arith.constant 0 : index
    %get3A_5 = vector.load %arg1[%get3A_2, %get3A_3, %get3A_4] : memref<2x10240x128xf32, #tpu.memory_space<vmem>>, vector<2x10240x128xf32>
    %get3A_6 = arith.constant 0 : index
    %get3A_7 = arith.constant 0 : index
    %get3A_8 = vector.load %arg2[%get3A_6, %get3A_7] : memref<10240x128xf32, #tpu.memory_space<vmem>>, vector<10240x128xf32>
    %get3A_9 = arith.constant 0 : index
    %get3A_10 = arith.constant 0 : index
    %get3A_11 = vector.load %arg3[%get3A_9, %get3A_10] : memref<10240x1xf32, #tpu.memory_space<vmem>>, vector<10240x1xf32>
    %get3A_12 = arith.constant 0 : index
    %get3A_13 = vector.load %arg4[%get3A_12] : memref<128xf32, #tpu.memory_space<vmem>>, vector<128xf32>
    %get3A_14 = arith.constant 0 : index
    %get3A_15 = vector.load %arg5[%get3A_14] : memref<128xf32, #tpu.memory_space<vmem>>, vector<128xf32>
    %get3A_16 = arith.constant 0 : index
    %get3A_17 = vector.load %arg6[%get3A_16] : memref<128xf32, #tpu.memory_space<vmem>>, vector<128xf32>
    %slice3A = vector.extract_strided_slice %get3A_5 {offsets = [0, 0, 0], sizes = [1, 10240, 128], strides = [1, 1, 1]} : vector<2x10240x128xf32> to vector<1x10240x128xf32>
    %squeeze3A = vector.shape_cast %slice3A : vector<1x10240x128xf32> to vector<10240x128xf32>
    %slice3A_18 = vector.extract_strided_slice %get3A_5 {offsets = [1, 0, 0], sizes = [1, 10240, 128], strides = [1, 1, 1]} : vector<2x10240x128xf32> to vector<1x10240x128xf32>
    %squeeze3A_19 = vector.shape_cast %slice3A_18 : vector<1x10240x128xf32> to vector<10240x128xf32>
    %add3A = arith.addf %squeeze3A, %squeeze3A_19 : vector<10240x128xf32>
    %add3A_20 = arith.addf %add3A, %get3A_8 : vector<10240x128xf32>
    %mul3A = vector.broadcast %get3A_11 : vector<10240x1xf32> to vector<10240x128xf32>
    %mul3A_21 = arith.mulf %mul3A, %add3A_20 : vector<10240x128xf32>
    %broadcast_in_dim3A = vector.shape_cast %get3A_13 : vector<128xf32> to vector<1x128xf32>
    %add3A_22 = vector.broadcast %broadcast_in_dim3A : vector<1x128xf32> to vector<10240x128xf32>
    %add3A_23 = arith.addf %mul3A_21, %add3A_22 : vector<10240x128xf32>
    %iota3A = tpu.iota {dimensions = array<i32: 0>} : vector<10240x1xi32>
    %lt3A = vector.broadcast %get3A_1 : i32 to vector<10240x1xi32>
    %lt3A_24 = arith.cmpi slt, %iota3A, %lt3A : vector<10240x1xi32>
    %convert_element_type3A = arith.sitofp %get3A_1 : i32 to f32
    %jit3A = arith.constant 0.000000e+00 : f32
    %broadcast_in_dim3A_25 = vector.shape_cast %lt3A_24 : vector<10240x1xi1> to vector<10240x1xi1>
    %broadcast_in_dim3A_26 = vector.broadcast %broadcast_in_dim3A_25 : vector<10240x1xi1> to vector<10240x128xi1>
    %broadcast_in_dim3A_27 = vector.broadcast %jit3A : f32 to vector<10240x128xf32>
    %select_n3A = arith.select %broadcast_in_dim3A_26, %add3A_23, %broadcast_in_dim3A_27 : vector<10240x128xi1>, vector<10240x128xf32>
    %reduce_sum3A = arith.constant dense<0.000000e+00> : vector<128xf32>
    %reduce_sum3A_28 = vector.multi_reduction <add>, %select_n3A, %reduce_sum3A [0] : vector<10240x128xf32> to vector<128xf32>
    %broadcast_in_dim3A_29 = vector.shape_cast %reduce_sum3A_28 : vector<128xf32> to vector<1x128xf32>
    %div3A = vector.broadcast %convert_element_type3A : f32 to vector<1x128xf32>
    %div3A_30 = arith.divf %broadcast_in_dim3A_29, %div3A : vector<1x128xf32>
    %sub3A = vector.broadcast %div3A_30 : vector<1x128xf32> to vector<10240x128xf32>
    %sub3A_31 = arith.subf %add3A_23, %sub3A : vector<10240x128xf32>
    %jit3A_32 = arith.constant 0.000000e+00 : f32
    %broadcast_in_dim3A_33 = vector.shape_cast %lt3A_24 : vector<10240x1xi1> to vector<10240x1xi1>
    %broadcast_in_dim3A_34 = vector.broadcast %broadcast_in_dim3A_33 : vector<10240x1xi1> to vector<10240x128xi1>
    %broadcast_in_dim3A_35 = vector.broadcast %jit3A_32 : f32 to vector<10240x128xf32>
    %select_n3A_36 = arith.select %broadcast_in_dim3A_34, %sub3A_31, %broadcast_in_dim3A_35 : vector<10240x128xi1>, vector<10240x128xf32>
    %mul3A_37 = arith.mulf %select_n3A_36, %select_n3A_36 : vector<10240x128xf32>
    %reduce_sum3A_38 = arith.constant dense<0.000000e+00> : vector<128xf32>
    %reduce_sum3A_39 = vector.multi_reduction <add>, %mul3A_37, %reduce_sum3A_38 [0] : vector<10240x128xf32> to vector<128xf32>
    %broadcast_in_dim3A_40 = vector.shape_cast %reduce_sum3A_39 : vector<128xf32> to vector<1x128xf32>
    %div3A_41 = vector.broadcast %convert_element_type3A : f32 to vector<1x128xf32>
    %div3A_42 = arith.divf %broadcast_in_dim3A_40, %div3A_41 : vector<1x128xf32>
    %broadcast_in_dim3A_43 = vector.shape_cast %get3A_15 : vector<128xf32> to vector<1x128xf32>
    %sub3A_44 = vector.broadcast %div3A_30 : vector<1x128xf32> to vector<10240x128xf32>
    %sub3A_45 = arith.subf %add3A_23, %sub3A_44 : vector<10240x128xf32>
    %mul3A_46 = vector.broadcast %broadcast_in_dim3A_43 : vector<1x128xf32> to vector<10240x128xf32>
    %mul3A_47 = arith.mulf %mul3A_46, %sub3A_45 : vector<10240x128xf32>
    %add3A_48 = arith.constant 9.99999974E-6 : f32
    %add3A_49 = vector.broadcast %add3A_48 : f32 to vector<1x128xf32>
    %add3A_50 = arith.addf %div3A_42, %add3A_49 : vector<1x128xf32>
    %rsqrt3A = math.rsqrt %add3A_50 : vector<1x128xf32>
    %mul3A_51 = vector.broadcast %rsqrt3A : vector<1x128xf32> to vector<10240x128xf32>
    %mul3A_52 = arith.mulf %mul3A_47, %mul3A_51 : vector<10240x128xf32>
    %broadcast_in_dim3A_53 = vector.shape_cast %get3A_17 : vector<128xf32> to vector<1x128xf32>
    %add3A_54 = vector.broadcast %broadcast_in_dim3A_53 : vector<1x128xf32> to vector<10240x128xf32>
    %add3A_55 = arith.addf %mul3A_52, %add3A_54 : vector<10240x128xf32>
    %max3A = arith.constant 0.000000e+00 : f32
    %max3A_56 = vector.broadcast %max3A : f32 to vector<10240x128xf32>
    %max3A_57 = arith.maximumf %add3A_55, %max3A_56 : vector<10240x128xf32>
    %jit3A_58 = arith.constant 0.000000e+00 : f32
    %broadcast_in_dim3A_59 = vector.shape_cast %lt3A_24 : vector<10240x1xi1> to vector<10240x1xi1>
    %broadcast_in_dim3A_60 = vector.broadcast %broadcast_in_dim3A_59 : vector<10240x1xi1> to vector<10240x128xi1>
    %broadcast_in_dim3A_61 = vector.broadcast %jit3A_58 : f32 to vector<10240x128xf32>
    %select_n3A_62 = arith.select %broadcast_in_dim3A_60, %max3A_57, %broadcast_in_dim3A_61 : vector<10240x128xi1>, vector<10240x128xf32>
    %convert_element_type3A_63 = arith.sitofp %get3A_1 : i32 to f32
    %reduce_sum3A_64 = arith.constant dense<0.000000e+00> : vector<128xf32>
    %reduce_sum3A_65 = vector.multi_reduction <add>, %select_n3A_62, %reduce_sum3A_64 [0] : vector<10240x128xf32> to vector<128xf32>
    %broadcast_in_dim3A_66 = vector.shape_cast %reduce_sum3A_65 : vector<128xf32> to vector<1x128xf32>
    %div3A_67 = vector.broadcast %convert_element_type3A_63 : f32 to vector<1x128xf32>
    %div3A_68 = arith.divf %broadcast_in_dim3A_66, %div3A_67 : vector<1x128xf32>
    %get3A_69 = arith.constant 0 : index
    %get3A_70 = arith.constant 0 : index
    %get3A_71 = vector.load %arg7[%get3A_69, %get3A_70] : memref<128x64xf32, #tpu.memory_space<vmem>>, vector<128x64xf32>
    %dot_general3A = arith.constant dense<0.000000e+00> : vector<1x64xf32>
    %dot_general3A_72 = tpu.matmul %div3A_68, %get3A_71, %dot_general3A {dimension_numbers = #tpu.dot_dimension_numbers<[1], [0], [0], [1], [0, 0, 1, 1], [], []>, transpose_lhs_hint = false} : vector<1x128xf32>, vector<128x64xf32>, vector<1x64xf32> -> vector<1x64xf32>
    %get3A_73 = arith.constant 0 : index
    %get3A_74 = vector.load %arg8[%get3A_73] : memref<64xf32, #tpu.memory_space<vmem>>, vector<64xf32>
    %broadcast_in_dim3A_75 = vector.shape_cast %get3A_74 : vector<64xf32> to vector<1x64xf32>
    %add3A_76 = arith.addf %dot_general3A_72, %broadcast_in_dim3A_75 : vector<1x64xf32>
    %max3A_77 = arith.constant 0.000000e+00 : f32
    %max3A_78 = vector.broadcast %max3A_77 : f32 to vector<1x64xf32>
    %max3A_79 = arith.maximumf %add3A_76, %max3A_78 : vector<1x64xf32>
    %get3A_80 = arith.constant 0 : index
    %get3A_81 = arith.constant 0 : index
    %get3A_82 = vector.load %arg9[%get3A_80, %get3A_81] : memref<64x1xf32, #tpu.memory_space<vmem>>, vector<64x1xf32>
    %dot_general3A_83 = arith.constant dense<0.000000e+00> : vector<1x1xf32>
    %dot_general3A_84 = tpu.matmul %max3A_79, %get3A_82, %dot_general3A_83 {dimension_numbers = #tpu.dot_dimension_numbers<[1], [0], [0], [1], [0, 0, 1, 1], [], []>, transpose_lhs_hint = false} : vector<1x64xf32>, vector<64x1xf32>, vector<1x1xf32> -> vector<1x1xf32>
    %get3A_85 = arith.constant 0 : index
    %get3A_86 = vector.load %arg10[%get3A_85] : memref<1xf32, #tpu.memory_space<vmem>>, vector<1xf32>
    %broadcast_in_dim3A_87 = vector.shape_cast %get3A_86 : vector<1xf32> to vector<1x1xf32>
    %add3A_88 = arith.addf %dot_general3A_84, %broadcast_in_dim3A_87 : vector<1x1xf32>
    %tanh3A = math.tanh %add3A_88 : vector<1x1xf32>
    %swap3A = arith.constant 0 : index
    %swap3A_89 = arith.constant 0 : index
    %swap3A_90 = vector.load %arg11[%swap3A, %swap3A_89] : memref<1x1xf32, #tpu.memory_space<vmem>>, vector<1x1xf32>
    tpu.vector_store %arg11[%swap3A, %swap3A_89], %tanh3A {strides = array<i32>} : memref<1x1xf32, #tpu.memory_space<vmem>>, vector<1x1xf32>,
    return
  }
}

</mosaic_0001>

<sc_bundles>
// kernel: kernel.17.cloned.1.call-start
scs
__scs_entry_jumppad:
0x0: {  	(pc) =	sbr.rel $0x88, $3  }
0x1: {  	(tag) =	ssettag $0x0;
	lr =	simm.s32 $0x1  }
0x2: {  	[smem:$0x3F7E] =	sst lr;
	_ =	strace $0xD0000000  }
0x3: {  	_ = 	snop  }
0x4: {  	_ = 	snop  }
0x5: {  	_ = 	snop  }
0x6: {  	_ = 	snop  }
0x7: {  	_ = 	snop  }
__scs_overlays_trampoline_lowered:
0x8: {  	[smem:$0x3F8D] =	sst s0  }
0x9: {  	[smem:$0x3F8E] =	sst s1  }
0xa: {  	[smem:$0x3F8F] =	sst s2  }
0xb: {  	[smem:$0x3F90] =	sst s3  }
0xc: {  	[smem:$0x3F91] =	sst s4  }
0xd: {  	[smem:$0x3F92] =	sst s5  }
0xe: {  	[smem:$0x3F93] =	sst s6  }
0xf: {  	[smem:$0x3F94] =	sst s7  }
0x10: {  	[smem:$0x3F95] =	sst s8  }
0x11: {  	[smem:$0x3F96] =	sst s9;
	s0 =	simm.s32 @!p0 $0x0  }
0x12: {  	s1 =	sld [smem:$0x3F7C];
	s0 =	simm.s32 @p0 $0x1  }
0x13: {  	[smem:$0x3F97] =	sst s0;
	s0 =	simm.s32 @!p1 $0x0  }
0x14: {  	s2 =	sld [smem:$0x3F7B];
	s0 =	simm.s32 @p1 $0x1  }
0x15: {  	[smem:$0x3F98] =	sst s0;
	s0 =	simm.s32 @!p2 $0x0  }
0x16: {  	s3 =	sld [smem:$0x3FDB];
	s0 =	simm.s32 @p2 $0x1  }
0x17: {  	s4 =	simm.s32 $0x1BF5;
	[smem:$0x3F9A] =	sst s0  }
0x18: {  	s0 =	sld [smem:$0x3F7D];
	_ =	swait.ge [sflag:s4], $0x0  }
0x19: {  	s7 =	sld [smem:$0x3F7E]  }
0x1a: {  	s8 =	sadd.s32 $0xFFFFE003, lr  }
0x1b: {  	s9 =	sadd.s32 $0xFFFFFEF7, lr;
	s5 =	simm.s32 $0xFFFFFFFF;
	p2 =	slt.u32 s8, $0xFFFFF086  }
0x1c: {  	p1 =	slt.u32 s9, $0xF7A;
	s5 =	simm.s32 @!p2 $0x0  }
0x1d: {  	s5 =	simm.s32 @p1 $0x1;
	p0 =	seq.s32 s7, s2  }
0x1e: {  	s7 =	smul.u32 @!p0 $0xF7A, s2;
	p2 =	seq.s32 @!p0 s5, $0x0  }
0x1f: {  	s9 =	smul.u32 $0xF7A, s1;
	s8 =	simm.s32 @!p0 $0x1BF5;
	p2 =	por !p2, p0  }
0x20: {  	[sflag:s8] =	ssyncset.s32 @!p0 $0xFFFFF086;
	s6 =	sadd.s32 @!p0 s3, s7;
	s7 =	simm.s32 @!p0 $0x108  }
0x21: {  	s3 =	sadd.s32 s3, s9;
	s6 =	sadd.s32 @!p0 $0x88, s6;
	s7 =	simm.s32 @p2 $0x1082  }
0x22: {  	[simem:s7], [sflag:s8] =	dma.local @!p0 [hbm:s6], $0xF7A  }
0x23: {  	s9 =	sor.u32 $0xD0000000, s2;
	s6 =	simm.s32 $0x108;
	_ =	swait.ge @!p0 [sflag:s8], $0x0  }
0x24: {  	s3 =	sadd.s32 $0x88, s3;
	s6 =	simm.s32 @!p1 $0x1082;
	[sflag:s4] =	ssyncset.s32 $0xFFFFF086  }
0x25: {  	[simem:s6], [sflag:s4] =	dma.local [hbm:s3], $0xF7A  }
0x26: {  	[smem:$0x3F7E] =	sst s1;
	(tag) =	ssettag s2;
	_ =	strace s9  }
0x27: {  	s1 =	sld [smem:$0x3F8E]  }
0x28: {  	s2 =	sld [smem:$0x3F8F]  }
0x29: {  	s4 =	sld [smem:$0x3F91]  }
0x2a: {  	p0 =	seq.s32 s5, $0x0;
	s5 =	sld [smem:$0x3F92]  }
0x2b: {  	s6 =	sld [smem:$0x3F93]  }
0x2c: {  	s7 =	sld [smem:$0x3F94]  }
0x2d: {  	s3 =	simm.s32 $0x108;
	s8 =	sld [smem:$0x3F95]  }
0x2e: {  	s3 =	simm.s32 @!p0 $0x1082;
	s9 =	sld [smem:$0x3F96]  }
0x2f: {  	lr =	sadd.s32 s0, s3;
	s0 =	sld [smem:$0x3F8D]  }
0x30: {  	s3 =	sld [smem:$0x3F90]  }
0x31: {  	[smem:$0x3F99] =	sst s10  }
0x32: {  	s10 =	sld [smem:$0x3F97];
	_ =	sdelay $0x3  }
0x33: {  	p0 =	seq.s32 s10, $0x1;
	s10 =	sld [smem:$0x3F99];
	_ =	sdelay $0x3  }
0x34: {  	[smem:$0x3F99] =	sst s10  }
0x35: {  	s10 =	sld [smem:$0x3F98];
	_ =	sdelay $0x3  }
0x36: {  	p1 =	seq.s32 s10, $0x1;
	s10 =	sld [smem:$0x3F99];
	_ =	sdelay $0x3  }
0x37: {  	[smem:$0x3F99] =	sst s10  }
0x38: {  	s10 =	sld [smem:$0x3F9A]  }
0x39: {  	_ = 	snop;
	(pc) =	sbr.ind lr, $3  }
0x3a: {  	_ = 	snop  }
0x3b: {  	_ = 	snop  }
0x3c: {  	p2 =	seq.s32 s10, $0x1;
	s10 =	sld [smem:$0x3F99]  }
0x3d: {  	_ =	shalt  }
0x3e: {  	_ =	shalt  }
0x3f: {  	_ =	shalt  }
0x40: {  	_ =	shalt  }
0x41: {  	_ =	shalt  }
0x42: {  	_ =	shalt  }
0x43: {  	_ =	shalt  }
0x44: {  	_ =	shalt  }
0x45: {  	_ =	shalt  }
0x46: {  	_ =	shalt  }
0x47: {  	_ =	shalt  }
0x48: {  	_ =	shalt  }
0x49: {  	_ =	shalt  }
0x4a: {  	_ =	shalt  }
0x4b: {  	_ =	shalt  }
0x4c: {  	_ =	shalt  }
0x4d: {  	_ =	shalt  }
0x4e: {  	_ =	shalt  }
0x4f: {  	_ =	shalt  }
0x50: {  	_ =	shalt  }
0x51: {  	_ =	shalt  }
0x52: {  	_ =	shalt  }
0x53: {  	_ =	shalt  }
0x54: {  	_ =	shalt  }
0x55: {  	_ =	shalt  }
0x56: {  	_ =	shalt  }
0x57: {  	_ =	shalt  }
0x58: {  	_ =	shalt  }
0x59: {  	_ =	shalt  }
0x5a: {  	_ =	shalt  }
0x5b: {  	_ =	shalt  }
0x5c: {  	_ =	shalt  }
0x5d: {  	_ =	shalt  }
0x5e: {  	_ =	shalt  }
0x5f: {  	_ =	shalt  }
0x60: {  	_ =	shalt  }
0x61: {  	_ =	shalt  }
0x62: {  	_ =	shalt  }
0x63: {  	_ =	shalt  }
0x64: {  	_ =	shalt  }
0x65: {  	_ =	shalt  }
0x66: {  	_ =	shalt  }
0x67: {  	_ =	shalt  }
0x68: {  	_ =	shalt  }
0x69: {  	_ =	shalt  }
0x6a: {  	_ =	shalt  }
0x6b: {  	_ =	shalt  }
0x6c: {  	_ =	shalt  }
0x6d: {  	_ =	shalt  }
0x6e: {  	_ =	shalt  }
0x6f: {  	_ =	shalt  }
0x70: {  	_ =	shalt  }
0x71: {  	_ =	shalt  }
0x72: {  	_ =	shalt  }
0x73: {  	_ =	shalt  }
0x74: {  	_ =	shalt  }
0x75: {  	_ =	shalt  }
0x76: {  	_ =	shalt  }
0x77: {  	_ =	shalt  }
0x78: {  	_ =	shalt  }
0x79: {  	_ =	shalt  }
0x7a: {  	_ =	shalt  }
0x7b: {  	_ =	shalt  }
0x7c: {  	_ =	shalt  }
0x7d: {  	_ =	shalt  }
0x7e: {  	_ =	shalt  }
0x7f: {  	_ =	shalt  }
0x80: {  	_ =	shalt  }
0x81: {  	_ =	shalt  }
0x82: {  	_ =	shalt  }
0x83: {  	_ =	shalt  }
0x84: {  	_ =	shalt  }
0x85: {  	_ =	shalt  }
0x86: {  	_ =	shalt  }
0x87: {  	_ =	shalt  }
.Lfunc_end0:
.L_simem_size_0:
called_computation_lowered:
.L_overlay_start_0:
0x88: {  	s2 =	sld [smem:$0x3FD9]  }
0x89: {  	s3 =	sld [smem:$0x3FFE];
	_ =	sdelay $0x1  }
0x8a: {  	s1 =	srdreg.scid  }
0x8b: {  	s0 =	sand.u32 $0x1, s1  }
0x8c: {  	s14 =	sshll.u32 s0, $0xA;
	s2 =	sadd.s32 s3, s2  }
0x8d: {  	s2 =	sadd.s32 s2, s14  }
0x8e: {  	[smem:$0x3FA5] =	sst s2  }
0x8f: {  	_ = 	snop  }
0x90: {  	s2 =	sld [smem:$0x3FD0];
	_ =	sdelay $0x2  }
0x91: {  	s15 =	simm.s32 $0xA;
	s4 =	simm.s32 $0x10  }
0x92: {  	[smem:s4], [sflag:s15] =	dma.local [hbm:s2], $0x1  }
0x93: {  	_ =	swait.eq [sflag:s15], $0x1  }
0x94: {  	[sflag:s15] =	ssyncset.done $0x0  }
0x95: {  	[sflag:s15] =	ssyncadd.s32 $0xFFFFFFFF  }
0x96: {  	s16 =	sld [smem:$0x10];
	(tm) =	ssettm $0x1  }
0x97: {  	s17 =	sld [smem:$0x3FFB];
	_ =	sdelay $0x3  }
0x98: {  	_ =	strace s17  }
0x99: {  	s3 =	sld [smem:$0x3FFC];
	_ =	sdelay $0x3  }
0x9a: {  	_ =	strace s3  }
0x9b: {  	s3 =	sld [smem:$0x3FFD];
	_ =	sdelay $0x3  }
0x9c: {  	_ =	strace s3  }
0x9d: {  	_ =	strace $0x8FFFFFFF  }
0x9e: {  	s18 =	sld [smem:$0x3FDB];
	_ =	sdelay $0x1  }
0x9f: {  	s19 =	simm.s32 $_scs_section_size  }
0xa0: {  	s5 =	simm.s32 $_size__tile_overlayer_lowered;
	s6 =	simm.s32 $_tile_overlayer_lowered  }
0xa1: {  	s22 =	simm.s32 $0x1BFF;
	s21 =	sshll.u32 s6, $0x1;
	s3 =	sadd.s32 s19, s18  }
0xa2: {  	s7 =	simm.s32 $0x0;
	s20 =	sshll.u32 s5, $0x1;
	s5 =	sadd.s32 s21, s3  }
0xa3: {  	[timem:s7], [sflag:s22] =	dma.local [hbm:s5], s20  }
0xa4: {  	_ =	swait.ge [sflag:s22], s20  }
0xa5: {  	s4 =	ssub.s32 $0x0, s20;
	[sflag:s22] =	ssyncset.done $0x0  }
0xa6: {  	[sflag:s22] =	ssyncadd.s32 s4;
	_ =	sdelay $0x1  }
0xa7: {  	s23 =	simm.s32 $0x1B8B  }
0xa8: {  	_ =	swait.ge [sflag:s23], $0x1  }
0xa9: {  	[sflag:s23] =	ssyncset.done $0x0  }
0xaa: {  	s25 =	simm.s32 $0x1B8E;
	s24 =	sld [smem:$0x3FFE];
	[sflag:s23] =	ssyncadd.s32 $0xFFFFFFFF  }
0xab: {  	s26 =	simm.s32 $execute0_lowered;
	[smem:$0x3FD2] =	sst s25  }
0xac: {  	s5 =	sshll.u32 s26, $0x1;
	_ =	strace $0x80000046;
	[dreg:$0x1] =	wrdreg $0xFFFFFFFF  }
0xad: {  	s28 =	simm.s32 $_size_execute0_lowered;
	s3 =	sadd.s32 s3, s5;
	[dreg:$0x0] =	wrdreg $0x0  }
0xae: {  	s5 =	sshll.u32 s28, $0x1;
	[dreg:$0x2] =	wrdreg s3  }
0xaf: {  	[dreg:$0x3] =	wrdreg s5  }
0xb0: {  	[dreg:$0x4] =	wrdreg $0xC0  }
0xb1: {  	_ =	task [dreg:s7], $0x5FFFF  }
0xb2: {  	[dreg:$0x1] =	wrdreg $0xFFFFFFFF  }
0xb3: {  	[dreg:$0x0] =	wrdreg $0x60  }
0xb4: {  	[dreg:$0x2] =	wrdreg s24  }
0xb5: {  	[dreg:$0x3] =	wrdreg s16  }
0xb6: {  	[dreg:$0x4] =	wrdreg $0x0  }
0xb7: {  	[dreg:$0x5] =	wrdreg $0x9  }
0xb8: {  	_ =	task.clear_ibuf [dreg:s7], $0x6FFFF;
	_ =	strace $0x90000046  }
0xb9: {  	s29 =	simm.s32 $0x9;
	_ =	strace $0x80000048  }
0xba: {  	_ =	swait.ge [sflag:s29], $0x1  }
0xbb: {  	[sflag:s29] =	ssyncadd.s32 $0xFFFFFFFF  }
0xbc: {  	_ =	strace $0x90000048  }
0xbd: {  	_ =	sfence  }
0xbe: {  	s30 =	sld [smem:$0x0];
	_ =	sdelay $0x2  }
0xbf: {  	s31 =	sshll.u32 s1, $0xD;
	s1 =	sshrl.u32 s1, $0x2  }
0xc0: {  	s3 =	sand.u32 $0x4000, s31;
	s1 =	sadd.s32 s1, s30  }
0xc1: {  	s0 =	sor.u32 s3, s0;
	s1 =	sshll.u32 s1, $0x11  }
0xc2: {  	s0 =	sor.u32 s1, s0  }
0xc3: {  	s0 =	sadd.s32 $0x8F2B, s0  }
0xc4: {  	[sflag:s0] =	ssyncadd.remote.s32 $0x1  }
0xc5: {  	_ =	sfence.sel $0xFFFF  }
0xc6: {  	[dreg:$0x0] =	wrdreg $0xFFFFFFFF;
	(pc) =	sbr.abs _section_cstart, $3  }
0xc7: {  	[dreg:$0x1] =	wrdreg $0xFFFFFFFF  }
0xc8: {  	_ =	task.clear_ibuf [dreg:s7], $0x2FFFF;
	_ =	strace $0x9FFFFFFF  }
0xc9: {  	(tm) =	ssettm $0x7FFFFFFF  }
tec
execute0_lowered:
.L_overlay_start_1:
0x0: {  	(tag) =	ssettag $0x1  }
0x1: {  	s4 =	rddreg [dreg:$0x0]  }
0x2: {  	s0 =	srdreg.scid;
	s6 =	rddreg [dreg:$0x1]  }
0x3: {  	s2 =	rddreg [dreg:$0x2];
	s1 =	stileid.u32  }
0x4: {  	s3 =	simm.s32 $0x0;
	s11 =	simm.s32 $0x80;
	s12 =	simm.s32 $0x500  }
0x5: {  	s15 =	simm.s32 $0x20;
	s16 =	simm.s32 $0x10;
	s17 =	simm.s32 $0x0  }
0x6: {  	s5 =	sand.u32 $0x1, s0;
	s0 =	rddreg [dreg:$0x3];
	s8 =	smul.u32 $0x500, s1  }
0x7: {  	[smem:$0x7FF] =	sst s3;
	s10 =	smul.u32 $0xA00, s1;
	s13 =	sshll.u32 s1, $0x6  }
0x8: {  	s7 =	sshll.u32 s5, $0x4;
	_ =	strace $0x80000047;
	s9 =	ssub.s32 $0x2, s5  }
0x9: {  	s5 =	sshll.u32 s5, $0x7;
	s13 =	sor.u32 $0x1C01, s13;
	s7 =	sor.u32 s1, s7  }
0xa: {  	s28 =	sshrl.u32 s9, $0x1;
	s5 =	sor.u32 s5, s8;
	s30 =	sshrl.u32 s10, $0x2  }
0xb: {  	s8 =	simm.s32 $0x280;
	s10 =	simm.s32 $0x580;
	s7 =	smul.u32 $0x280, s7  }
0xc: {  	s29 =	ssub.s32 s9, s28;
	s31 =	sshrl.u32 s5, $0x3;
	s9 =	simm.s32 $0x1  }
0xd: {  	s6 =	sadd.s32 s6, s31;
	s7 =	sadd.s32 s7, s4;
	s4 =	sadd.s32 s30, s2  }
0xe: {  	v0 =	vimm.f32 $0.0e+00;
	v1 =	vimm.f32 $1.000000000e+00;
	s5 =	sadd.s32 $0x8400, s7;
	s7 =	smax.u32 s29, $0x1;
	s14 =	sshrl.u32 s4, $0x3  }
.LBB2_1:
0xf: {  	[tilespmem:$0x280] =	vst v0  }
0x10: {  	[tilespmem:$0x290] =	vst v0  }
0x11: {  	[tilespmem:$0x2A0] =	vst v0  }
0x12: {  	[tilespmem:$0x2B0] =	vst v0  }
0x13: {  	[tilespmem:$0x2C0] =	vst v0  }
0x14: {  	[tilespmem:$0x2D0] =	vst v0  }
0x15: {  	[tilespmem:$0x2E0] =	vst v0  }
0x16: {  	[tilespmem:$0x2F0] =	vst v0  }
0x17: {  	[tilespmem:$0x300] =	vst v0  }
0x18: {  	[tilespmem:$0x310] =	vst v0  }
0x19: {  	[tilespmem:$0x320] =	vst v0  }
0x1a: {  	[tilespmem:$0x330] =	vst v0  }
0x1b: {  	[tilespmem:$0x340] =	vst v0  }
0x1c: {  	[tilespmem:$0x350] =	vst v0  }
0x1d: {  	[tilespmem:$0x360] =	vst v0  }
0x1e: {  	[tilespmem:$0x370] =	vst v0  }
0x1f: {  	[tilespmem:$0x380] =	vst v0  }
0x20: {  	[tilespmem:$0x390] =	vst v0  }
0x21: {  	[tilespmem:$0x3A0] =	vst v0  }
0x22: {  	[tilespmem:$0x3B0] =	vst v0  }
0x23: {  	[tilespmem:$0x3C0] =	vst v0  }
0x24: {  	[tilespmem:$0x3D0] =	vst v0  }
0x25: {  	[tilespmem:$0x3E0] =	vst v0  }
0x26: {  	[tilespmem:$0x3F0] =	vst v0  }
0x27: {  	[tilespmem:$0x400] =	vst v0  }
0x28: {  	[tilespmem:$0x410] =	vst v0  }
0x29: {  	[tilespmem:$0x420] =	vst v0  }
0x2a: {  	[tilespmem:$0x430] =	vst v0  }
0x2b: {  	[tilespmem:$0x440] =	vst v0  }
0x2c: {  	[tilespmem:$0x450] =	vst v0  }
0x2d: {  	[tilespmem:$0x460] =	vst v0  }
0x2e: {  	[tilespmem:$0x470] =	vst v0  }
0x2f: {  	[tilespmem:$0x480] =	vst v0  }
0x30: {  	[tilespmem:$0x490] =	vst v0  }
0x31: {  	[tilespmem:$0x4A0] =	vst v0  }
0x32: {  	[tilespmem:$0x4B0] =	vst v0  }
0x33: {  	[tilespmem:$0x4C0] =	vst v0  }
0x34: {  	[tilespmem:$0x4D0] =	vst v0  }
0x35: {  	[tilespmem:$0x4E0] =	vst v0  }
0x36: {  	[tilespmem:$0x4F0] =	vst v0  }
0x37: {  	[tilespmem:$0x500] =	vst v1  }
0x38: {  	[tilespmem:$0x510] =	vst v1  }
0x39: {  	[tilespmem:$0x520] =	vst v1  }
0x3a: {  	[tilespmem:$0x530] =	vst v1  }
0x3b: {  	[tilespmem:$0x540] =	vst v1  }
0x3c: {  	[tilespmem:$0x550] =	vst v1  }
0x3d: {  	[tilespmem:$0x560] =	vst v1  }
0x3e: {  	[tilespmem:$0x570] =	vst v1  }
0x3f: {  	[spmem:s4] =	stream.linear.scatter [tilespmem:s8], [sflag:$0x1], $0x280, $0x38;
	[tilespmem:$0x1980] =	vst v63  }
0x40: {  	_ =	swait.ge [sflag:s9], $0x280  }
0x41: {  	[sflag:s9] =	ssyncset.done $0x0  }
0x42: {  	[sflag:s9] =	ssyncadd.s32 $0xFFFFFD80  }
0x43: {  	[bflag:$0x0] =	sbarrier.arrive $0xFFFF  }
0x44: {  	[tilespmem:s10], [sflag:$0x1] =	stream.linear.gather [hbm4b:s5+s3], $0x1400, $0x38;
	[tilespmem:$0x1980] =	vst v63  }
0x45: {  	_ =	swait.ge [sflag:s9], $0x1400  }
0x46: {  	[sflag:s9] =	ssyncset.done $0x0  }
0x47: {  	s18 =	simm.s32 $0x580;
	[sflag:s9] =	ssyncadd.s32 $0xFFFFEC00  }
0x48: {  	[spmem:s2] =	stream.indirect.scatter.add.f32 [tilespmem:s12], [sflag:$0x1], $0x1, s18, s11, $0xb8;
	[tilespmem:$0x1980] =	vst v63  }
0x49: {  	s18 =	simm.s32 $0x200;
	_ =	swait.ge [sflag:s9], $0x80  }
.LBB2_2:
0x4a: {  	s19 =	sshra.s32 s18, $0x2;
	[sflag:s9] =	ssyncset.done $0x0;
	p0 =	sne.s32 s18, $0x4E00  }
.Ltmp0:
0x4b: {  	s19 =	sadd.s32 $0x580, s19;
	[sflag:s9] =	ssyncadd.s32 $0xFFFFFF80;
	(pc) =	sbr.rel @p0 .LBB2_2-.Ltmp0, $3  }
0x4c: {  	[spmem:s2] =	stream.indirect.scatter.add.f32 [tilespmem:s12], [sflag:$0x1], $0x1, s19, s11, $0xb8;
	[tilespmem:$0x1980] =	vst v63  }
0x4d: {  	s18 =	sadd.s32 $0x200, s18;
	_ =	sdelay $0x1  }
0x4e: {  	_ =	swait.ge [sflag:s9], $0x80  }
0x4f: {  	[sflag:s9] =	ssyncset.done $0x0;
	s17 =	sadd.s32 $0x1, s17  }
0x50: {  	[sflag:s9] =	ssyncadd.s32 $0xFFFFFF80;
	p0 =	sne.s32 s17, s7  }
.Ltmp1:
0x51: {  	[bflag:$0x0] =	sbarrier.arrive $0xFFFF;
	(pc) =	sbr.rel @p0 .LBB2_1-.Ltmp1, $4  }
0x52: {  	[hbm:s6@s15], [sflag:s13] =	dma.strided [spmem:s14@s16], $0x50, s9, $0x10   }
0x53: {  	_ =	swait.ge [sflag:s9], $0x50  }
0x54: {  	[sflag:s9] =	ssyncset.done $0x0  }
0x55: {  	[sflag:s9] =	ssyncadd.s32 $0xFFFFFFB0  }
0x56: {  	_ =	sfence.sel $0x180000  }
0x57: {  	[bflag:$0x0] =	sbarrier.arrive $0xFFFF  }
0x58: {  	p0 =	sne.s32 s1, $0x0;
	_ =	strace $0x90000047  }
0x59: {  	s0 =	sadd.s32 @!p0 $0x100000, s0;
	[bflag:$0x2] =	sbarrier.arrive $0xFFFF  }
0x5a: {  	[sflag:s0] =	ssyncadd.tile.s32 @!p0 $0x1;
	_ =	shalt  }
.Lfunc_end2:
_tile_overlayer_lowered:
.L_overlay_start_2:
0x5b: {  	(tag) =	ssettag $0x2  }
0x5c: {  	s0 =	rddreg [dreg:$0x0];
	s2 =	stileid.u32  }
0x5d: {  	s1 =	rddreg [dreg:$0x1];
	p0 =	sne.s32 s2, $0x0  }
0x5e: {  	s3 =	rddreg [dreg:$0x2];
	[bflag:$0x3] =	sbarrier.arrive $0xFFFF;
	s2 =	simm.s32 @!p0 $0x1C01  }
0x5f: {  	[timem:s3], [sflag:s2] =	dma.local @!p0 [hbm:s0], s1  }
0x60: {  	s0 =	simm.s32 @!p0 $0x1  }
0x61: {  	_ =	swait.ge @!p0 [sflag:s0], s1  }
0x62: {  	s1 =	ssub.s32 @!p0 $0x0, s1;
	[sflag:s0] =	ssyncset.done @!p0 $0x0  }
0x63: {  	[sflag:s0] =	ssyncadd.s32 @!p0 s1  }
0x64: {  	[bflag:$0x3] =	sbarrier.arrive $0xFFFF  }
0x65: {  	_ =	shalt  }

// kernel: kernel.20.cloned.1.call-start
scs
__scs_entry_jumppad:
0x0: {  	(pc) =	sbr.rel $0x88, $3  }
0x1: {  	(tag) =	ssettag $0x0;
	lr =	simm.s32 $0x1  }
0x2: {  	[smem:$0x3F7E] =	sst lr;
	_ =	strace $0xD0000000  }
0x3: {  	_ = 	snop  }
0x4: {  	_ = 	snop  }
0x5: {  	_ = 	snop  }
0x6: {  	_ = 	snop  }
0x7: {  	_ = 	snop  }
__scs_overlays_trampoline_lowered:
0x8: {  	[smem:$0x3F8D] =	sst s0  }
0x9: {  	[smem:$0x3F8E] =	sst s1  }
0xa: {  	[smem:$0x3F8F] =	sst s2  }
0xb: {  	[smem:$0x3F90] =	sst s3  }
0xc: {  	[smem:$0x3F91] =	sst s4  }
0xd: {  	[smem:$0x3F92] =	sst s5  }
0xe: {  	[smem:$0x3F93] =	sst s6  }
0xf: {  	[smem:$0x3F94] =	sst s7  }
0x10: {  	[smem:$0x3F95] =	sst s8  }
0x11: {  	[smem:$0x3F96] =	sst s9;
	s0 =	simm.s32 @!p0 $0x0  }
0x12: {  	s1 =	sld [smem:$0x3F7C];
	s0 =	simm.s32 @p0 $0x1  }
0x13: {  	[smem:$0x3F97] =	sst s0;
	s0 =	simm.s32 @!p1 $0x0  }
0x14: {  	s2 =	sld [smem:$0x3F7B];
	s0 =	simm.s32 @p1 $0x1  }
0x15: {  	[smem:$0x3F98] =	sst s0;
	s0 =	simm.s32 @!p2 $0x0  }
0x16: {  	s3 =	sld [smem:$0x3FDB];
	s0 =	simm.s32 @p2 $0x1  }
0x17: {  	s4 =	simm.s32 $0x1BF5;
	[smem:$0x3F9A] =	sst s0  }
0x18: {  	s0 =	sld [smem:$0x3F7D];
	_ =	swait.ge [sflag:s4], $0x0  }
0x19: {  	s7 =	sld [smem:$0x3F7E]  }
0x1a: {  	s8 =	sadd.s32 $0xFFFFE003, lr  }
0x1b: {  	s9 =	sadd.s32 $0xFFFFFEF7, lr;
	s5 =	simm.s32 $0xFFFFFFFF;
	p2 =	slt.u32 s8, $0xFFFFF086  }
0x1c: {  	p1 =	slt.u32 s9, $0xF7A;
	s5 =	simm.s32 @!p2 $0x0  }
0x1d: {  	s5 =	simm.s32 @p1 $0x1;
	p0 =	seq.s32 s7, s2  }
0x1e: {  	s7 =	smul.u32 @!p0 $0xF7A, s2;
	p2 =	seq.s32 @!p0 s5, $0x0  }
0x1f: {  	s9 =	smul.u32 $0xF7A, s1;
	s8 =	simm.s32 @!p0 $0x1BF5;
	p2 =	por !p2, p0  }
0x20: {  	[sflag:s8] =	ssyncset.s32 @!p0 $0xFFFFF086;
	s6 =	sadd.s32 @!p0 s3, s7;
	s7 =	simm.s32 @!p0 $0x108  }
0x21: {  	s3 =	sadd.s32 s3, s9;
	s6 =	sadd.s32 @!p0 $0x88, s6;
	s7 =	simm.s32 @p2 $0x1082  }
0x22: {  	[simem:s7], [sflag:s8] =	dma.local @!p0 [hbm:s6], $0xF7A  }
0x23: {  	s9 =	sor.u32 $0xD0000000, s2;
	s6 =	simm.s32 $0x108;
	_ =	swait.ge @!p0 [sflag:s8], $0x0  }
0x24: {  	s3 =	sadd.s32 $0x88, s3;
	s6 =	simm.s32 @!p1 $0x1082;
	[sflag:s4] =	ssyncset.s32 $0xFFFFF086  }
0x25: {  	[simem:s6], [sflag:s4] =	dma.local [hbm:s3], $0xF7A  }
0x26: {  	[smem:$0x3F7E] =	sst s1;
	(tag) =	ssettag s2;
	_ =	strace s9  }
0x27: {  	s1 =	sld [smem:$0x3F8E]  }
0x28: {  	s2 =	sld [smem:$0x3F8F]  }
0x29: {  	s4 =	sld [smem:$0x3F91]  }
0x2a: {  	p0 =	seq.s32 s5, $0x0;
	s5 =	sld [smem:$0x3F92]  }
0x2b: {  	s6 =	sld [smem:$0x3F93]  }
0x2c: {  	s7 =	sld [smem:$0x3F94]  }
0x2d: {  	s3 =	simm.s32 $0x108;
	s8 =	sld [smem:$0x3F95]  }
0x2e: {  	s3 =	simm.s32 @!p0 $0x1082;
	s9 =	sld [smem:$0x3F96]  }
0x2f: {  	lr =	sadd.s32 s0, s3;
	s0 =	sld [smem:$0x3F8D]  }
0x30: {  	s3 =	sld [smem:$0x3F90]  }
0x31: {  	[smem:$0x3F99] =	sst s10  }
0x32: {  	s10 =	sld [smem:$0x3F97];
	_ =	sdelay $0x3  }
0x33: {  	p0 =	seq.s32 s10, $0x1;
	s10 =	sld [smem:$0x3F99];
	_ =	sdelay $0x3  }
0x34: {  	[smem:$0x3F99] =	sst s10  }
0x35: {  	s10 =	sld [smem:$0x3F98];
	_ =	sdelay $0x3  }
0x36: {  	p1 =	seq.s32 s10, $0x1;
	s10 =	sld [smem:$0x3F99];
	_ =	sdelay $0x3  }
0x37: {  	[smem:$0x3F99] =	sst s10  }
0x38: {  	s10 =	sld [smem:$0x3F9A]  }
0x39: {  	_ = 	snop;
	(pc) =	sbr.ind lr, $3  }
0x3a: {  	_ = 	snop  }
0x3b: {  	_ = 	snop  }
0x3c: {  	p2 =	seq.s32 s10, $0x1;
	s10 =	sld [smem:$0x3F99]  }
0x3d: {  	_ =	shalt  }
0x3e: {  	_ =	shalt  }
0x3f: {  	_ =	shalt  }
0x40: {  	_ =	shalt  }
0x41: {  	_ =	shalt  }
0x42: {  	_ =	shalt  }
0x43: {  	_ =	shalt  }
0x44: {  	_ =	shalt  }
0x45: {  	_ =	shalt  }
0x46: {  	_ =	shalt  }
0x47: {  	_ =	shalt  }
0x48: {  	_ =	shalt  }
0x49: {  	_ =	shalt  }
0x4a: {  	_ =	shalt  }
0x4b: {  	_ =	shalt  }
0x4c: {  	_ =	shalt  }
0x4d: {  	_ =	shalt  }
0x4e: {  	_ =	shalt  }
0x4f: {  	_ =	shalt  }
0x50: {  	_ =	shalt  }
0x51: {  	_ =	shalt  }
0x52: {  	_ =	shalt  }
0x53: {  	_ =	shalt  }
0x54: {  	_ =	shalt  }
0x55: {  	_ =	shalt  }
0x56: {  	_ =	shalt  }
0x57: {  	_ =	shalt  }
0x58: {  	_ =	shalt  }
0x59: {  	_ =	shalt  }
0x5a: {  	_ =	shalt  }
0x5b: {  	_ =	shalt  }
0x5c: {  	_ =	shalt  }
0x5d: {  	_ =	shalt  }
0x5e: {  	_ =	shalt  }
0x5f: {  	_ =	shalt  }
0x60: {  	_ =	shalt  }
0x61: {  	_ =	shalt  }
0x62: {  	_ =	shalt  }
0x63: {  	_ =	shalt  }
0x64: {  	_ =	shalt  }
0x65: {  	_ =	shalt  }
0x66: {  	_ =	shalt  }
0x67: {  	_ =	shalt  }
0x68: {  	_ =	shalt  }
0x69: {  	_ =	shalt  }
0x6a: {  	_ =	shalt  }
0x6b: {  	_ =	shalt  }
0x6c: {  	_ =	shalt  }
0x6d: {  	_ =	shalt  }
0x6e: {  	_ =	shalt  }
0x6f: {  	_ =	shalt  }
0x70: {  	_ =	shalt  }
0x71: {  	_ =	shalt  }
0x72: {  	_ =	shalt  }
0x73: {  	_ =	shalt  }
0x74: {  	_ =	shalt  }
0x75: {  	_ =	shalt  }
0x76: {  	_ =	shalt  }
0x77: {  	_ =	shalt  }
0x78: {  	_ =	shalt  }
0x79: {  	_ =	shalt  }
0x7a: {  	_ =	shalt  }
0x7b: {  	_ =	shalt  }
0x7c: {  	_ =	shalt  }
0x7d: {  	_ =	shalt  }
0x7e: {  	_ =	shalt  }
0x7f: {  	_ =	shalt  }
0x80: {  	_ =	shalt  }
0x81: {  	_ =	shalt  }
0x82: {  	_ =	shalt  }
0x83: {  	_ =	shalt  }
0x84: {  	_ =	shalt  }
0x85: {  	_ =	shalt  }
0x86: {  	_ =	shalt  }
0x87: {  	_ =	shalt  }
.Lfunc_end0:
.L_simem_size_0:
called_computation.1_lowered:
.L_overlay_start_0:
0x88: {  	s2 =	sld [smem:$0x3FD9]  }
0x89: {  	s3 =	sld [smem:$0x3FFE];
	_ =	sdelay $0x1  }
0x8a: {  	s1 =	srdreg.scid  }
0x8b: {  	s0 =	sand.u32 $0x1, s1  }
0x8c: {  	s14 =	sshll.u32 s0, $0xA;
	s2 =	sadd.s32 s3, s2  }
0x8d: {  	s2 =	sadd.s32 s2, s14  }
0x8e: {  	[smem:$0x3FA5] =	sst s2  }
0x8f: {  	_ = 	snop  }
0x90: {  	s2 =	sld [smem:$0x3FD0];
	_ =	sdelay $0x2  }
0x91: {  	s15 =	simm.s32 $0xA;
	s4 =	simm.s32 $0x10  }
0x92: {  	[smem:s4], [sflag:s15] =	dma.local [hbm:s2], $0x1  }
0x93: {  	_ =	swait.eq [sflag:s15], $0x1  }
0x94: {  	[sflag:s15] =	ssyncset.done $0x0  }
0x95: {  	[sflag:s15] =	ssyncadd.s32 $0xFFFFFFFF  }
0x96: {  	s16 =	sld [smem:$0x10];
	(tm) =	ssettm $0x1  }
0x97: {  	s17 =	sld [smem:$0x3FFB];
	_ =	sdelay $0x3  }
0x98: {  	_ =	strace s17  }
0x99: {  	s3 =	sld [smem:$0x3FFC];
	_ =	sdelay $0x3  }
0x9a: {  	_ =	strace s3  }
0x9b: {  	s3 =	sld [smem:$0x3FFD];
	_ =	sdelay $0x3  }
0x9c: {  	_ =	strace s3  }
0x9d: {  	_ =	strace $0x8FFFFFFF  }
0x9e: {  	s18 =	sld [smem:$0x3FDB];
	_ =	sdelay $0x1  }
0x9f: {  	s19 =	simm.s32 $_scs_section_size  }
0xa0: {  	s5 =	simm.s32 $_size__tile_overlayer_lowered;
	s6 =	simm.s32 $_tile_overlayer_lowered  }
0xa1: {  	s22 =	simm.s32 $0x1BFF;
	s21 =	sshll.u32 s6, $0x1;
	s3 =	sadd.s32 s19, s18  }
0xa2: {  	s7 =	simm.s32 $0x0;
	s20 =	sshll.u32 s5, $0x1;
	s5 =	sadd.s32 s21, s3  }
0xa3: {  	[timem:s7], [sflag:s22] =	dma.local [hbm:s5], s20  }
0xa4: {  	_ =	swait.ge [sflag:s22], s20  }
0xa5: {  	s4 =	ssub.s32 $0x0, s20;
	[sflag:s22] =	ssyncset.done $0x0  }
0xa6: {  	[sflag:s22] =	ssyncadd.s32 s4;
	_ =	sdelay $0x1  }
0xa7: {  	s23 =	simm.s32 $0x1B8B  }
0xa8: {  	_ =	swait.ge [sflag:s23], $0x1  }
0xa9: {  	[sflag:s23] =	ssyncset.done $0x0  }
0xaa: {  	s25 =	simm.s32 $0x1B8E;
	s24 =	sld [smem:$0x3FFE];
	[sflag:s23] =	ssyncadd.s32 $0xFFFFFFFF  }
0xab: {  	s26 =	simm.s32 $execute0_lowered;
	[smem:$0x3FD2] =	sst s25  }
0xac: {  	s5 =	sshll.u32 s26, $0x1;
	_ =	strace $0x80000049;
	[dreg:$0x1] =	wrdreg $0xFFFFFFFF  }
0xad: {  	s28 =	simm.s32 $_size_execute0_lowered;
	s3 =	sadd.s32 s3, s5;
	[dreg:$0x0] =	wrdreg $0x0  }
0xae: {  	s5 =	sshll.u32 s28, $0x1;
	[dreg:$0x2] =	wrdreg s3  }
0xaf: {  	[dreg:$0x3] =	wrdreg s5  }
0xb0: {  	[dreg:$0x4] =	wrdreg $0xC0  }
0xb1: {  	_ =	task [dreg:s7], $0x5FFFF  }
0xb2: {  	[dreg:$0x1] =	wrdreg $0xFFFFFFFF  }
0xb3: {  	[dreg:$0x0] =	wrdreg $0x60  }
0xb4: {  	[dreg:$0x2] =	wrdreg s24  }
0xb5: {  	[dreg:$0x3] =	wrdreg s16  }
0xb6: {  	[dreg:$0x4] =	wrdreg $0x0  }
0xb7: {  	[dreg:$0x5] =	wrdreg $0x9  }
0xb8: {  	_ =	task.clear_ibuf [dreg:s7], $0x6FFFF;
	_ =	strace $0x90000049  }
0xb9: {  	s29 =	simm.s32 $0x9;
	_ =	strace $0x8000004B  }
0xba: {  	_ =	swait.ge [sflag:s29], $0x1  }
0xbb: {  	[sflag:s29] =	ssyncadd.s32 $0xFFFFFFFF  }
0xbc: {  	_ =	strace $0x9000004B  }
0xbd: {  	_ =	sfence  }
0xbe: {  	s30 =	sld [smem:$0x0];
	_ =	sdelay $0x2  }
0xbf: {  	s31 =	sshll.u32 s1, $0xD;
	s1 =	sshrl.u32 s1, $0x2  }
0xc0: {  	s3 =	sand.u32 $0x4000, s31;
	s1 =	sadd.s32 s1, s30  }
0xc1: {  	s0 =	sor.u32 s3, s0;
	s1 =	sshll.u32 s1, $0x11  }
0xc2: {  	s0 =	sor.u32 s1, s0  }
0xc3: {  	s0 =	sadd.s32 $0x8F2B, s0  }
0xc4: {  	[sflag:s0] =	ssyncadd.remote.s32 $0x1  }
0xc5: {  	_ =	sfence.sel $0xFFFF  }
0xc6: {  	[dreg:$0x0] =	wrdreg $0xFFFFFFFF;
	(pc) =	sbr.abs _section_cstart, $3  }
0xc7: {  	[dreg:$0x1] =	wrdreg $0xFFFFFFFF  }
0xc8: {  	_ =	task.clear_ibuf [dreg:s7], $0x2FFFF;
	_ =	strace $0x9FFFFFFF  }
0xc9: {  	(tm) =	ssettm $0x7FFFFFFF  }
tec
execute0_lowered:
.L_overlay_start_1:
0x0: {  	(tag) =	ssettag $0x1  }
0x1: {  	s0 =	rddreg [dreg:$0x0]  }
0x2: {  	s9 =	rddreg [dreg:$0x1]  }
0x3: {  	s1 =	srdreg.scid;
	s2 =	rddreg [dreg:$0x2]  }
0x4: {  	s12 =	stileid.u32;
	s3 =	simm.s32 $0x0;
	s28 =	simm.s32 $0x40  }
0x5: {  	s29 =	simm.s32 $0x19000;
	s30 =	simm.s32 $0x1B000;
	s31 =	simm.s32 $0x1  }
0x6: {  	s1 =	sand.u32 $0x1, s1;
	[smem:$0x7FF] =	sst s3;
	s8 =	smul.u32 $0x50000, s12  }
0x7: {  	s5 =	sadd.s32 $0x49600, s0;
	s6 =	sadd.s32 $0x71600, s0;
	s4 =	sshll.u32 s1, $0x4  }
0x8: {  	_ =	strace $0x8000004A;
	s11 =	smul.u32 $0x140000, s1;
	s1 =	ssub.s32 $0x2, s1  }
0x9: {  	s10 =	sor.u32 s12, s4;
	s12 =	smul.u32 $0x14000, s12;
	s22 =	sshrl.u32 s8, $0x2  }
0xa: {  	s4 =	sadd.s32 $0x21600, s0;
	s21 =	sshrl.u32 s1, $0x1;
	s8 =	sadd.s32 s22, s2  }
0xb: {  	s7 =	smul.u32 $0x500, s10;
	s11 =	sadd.s32 s12, s11;
	s26 =	sadd.s32 $0x2000, s8  }
0xc: {  	s15 =	sadd.s32 $0x4000, s8;
	s16 =	sadd.s32 $0x6000, s8;
	s17 =	sadd.s32 $0x8000, s8  }
0xd: {  	s18 =	sadd.s32 $0xA000, s8;
	s19 =	sadd.s32 $0xC000, s8;
	s20 =	sadd.s32 $0xE000, s8  }
0xe: {  	s22 =	sadd.s32 $0x12000, s8;
	s13 =	sadd.s32 s7, s0;
	s7 =	sadd.s32 $0xC1600, s0  }
0xf: {  	s0 =	ssub.s32 s1, s21;
	[dreg:$0x8] =	wrdreg s26;
	s23 =	sadd.s32 $0x17600, s13  }
0x10: {  	s24 =	sshrl.u32 s11, $0x3;
	s25 =	sadd.s32 $0xD600, s13;
	[dreg:$0x4] =	wrdreg s23  }
0x11: {  	s11 =	smul.u32 $0xA0000, s10;
	s1 =	sadd.s32 s9, s24;
	[dreg:$0x5] =	wrdreg s25  }
0x12: {  	s21 =	sadd.s32 $0x10000, s8;
	s0 =	smax.u32 s0, $0x1;
	[dreg:$0x6] =	wrdreg s1  }
0x13: {  	s24 =	simm.s32 $0x4;
	[dreg:$0x7] =	wrdreg s0;
	s23 =	simm.s32 $0x1D000  }
0x14: {  	v0 =	vimm.f32 $0.0e+00;
	s0 =	simm.s32 $0x2;
	s1 =	simm.s32 $0x3;
	s25 =	simm.s32 $0x0  }
.LBB2_1:
0x15: {  	s9 =	sand.u32 $0x7E00, s3  }
0x16: {  	s10 =	sand.u32 $0x70, s3;
	s12 =	sshrl.u32 s9, $0x2  }
0x17: {  	s9 =	simm.s32 $0x40;
	s12 =	sor.u32 s10, s12;
	s10 =	simm.s32 $0x0  }
.LBB2_2:
0x18: {  	p0 =	sne.s32 s9, $0x7FC0  }
0x19: {  	[tilespmem:s12+$0x1D000] =	vst v0;
	s10 =	sadd.s32 $0x10, s10;
	s12 =	smov.u32 s9;
	s9 =	sadd.s32 $0x40, s9  }
.Ltmp0:
0x1a: {  	(pc) =	sbr.rel @p0 .LBB2_2-.Ltmp0, $4  }
0x1b: {  	_ = 	snop  }
0x1c: {  	s12 =	sand.u32 $0x7E00, s12  }
0x1d: {  	s13 =	sand.u32 $0x70, s10;
	s12 =	sshrl.u32 s12, $0x2  }
0x1e: {  	s12 =	sor.u32 s13, s12  }
0x1f: {  	[tilespmem:s12+$0x1D000] =	vst v0  }
0x20: {  	[spmem:s8] =	stream.linear.scatter [tilespmem:s23], [sflag:$0x4], $0x2000, $0x38;
	[tilespmem:$0x1F000] =	vst v63  }
0x21: {  	_ =	swait.ge [sflag:s24], $0x2000  }
0x22: {  	[sflag:s24] =	ssyncset.done $0x0  }
0x23: {  	s9 =	rddreg [dreg:$0x8];
	[sflag:s24] =	ssyncadd.s32 $0xFFFFE000  }
0x24: {  	[spmem:s9] =	stream.linear.scatter [tilespmem:s23], [sflag:$0x4], $0x2000, $0x38;
	[tilespmem:$0x1F000] =	vst v63  }
0x25: {  	_ =	swait.ge [sflag:s24], $0x2000  }
0x26: {  	[sflag:s24] =	ssyncset.done $0x0  }
0x27: {  	[sflag:s24] =	ssyncadd.s32 $0xFFFFE000  }
0x28: {  	[spmem:s15] =	stream.linear.scatter [tilespmem:s23], [sflag:$0x4], $0x2000, $0x38;
	[tilespmem:$0x1F000] =	vst v63  }
0x29: {  	_ =	swait.ge [sflag:s24], $0x2000  }
0x2a: {  	[sflag:s24] =	ssyncset.done $0x0  }
0x2b: {  	[sflag:s24] =	ssyncadd.s32 $0xFFFFE000  }
0x2c: {  	[spmem:s16] =	stream.linear.scatter [tilespmem:s23], [sflag:$0x4], $0x2000, $0x38;
	[tilespmem:$0x1F000] =	vst v63  }
0x2d: {  	_ =	swait.ge [sflag:s24], $0x2000  }
0x2e: {  	[sflag:s24] =	ssyncset.done $0x0  }
0x2f: {  	[sflag:s24] =	ssyncadd.s32 $0xFFFFE000  }
0x30: {  	[spmem:s17] =	stream.linear.scatter [tilespmem:s23], [sflag:$0x4], $0x2000, $0x38;
	[tilespmem:$0x1F000] =	vst v63  }
0x31: {  	_ =	swait.ge [sflag:s24], $0x2000  }
0x32: {  	[sflag:s24] =	ssyncset.done $0x0  }
0x33: {  	[sflag:s24] =	ssyncadd.s32 $0xFFFFE000  }
0x34: {  	[spmem:s18] =	stream.linear.scatter [tilespmem:s23], [sflag:$0x4], $0x2000, $0x38;
	[tilespmem:$0x1F000] =	vst v63  }
0x35: {  	_ =	swait.ge [sflag:s24], $0x2000  }
0x36: {  	[sflag:s24] =	ssyncset.done $0x0  }
0x37: {  	[sflag:s24] =	ssyncadd.s32 $0xFFFFE000  }
0x38: {  	[spmem:s19] =	stream.linear.scatter [tilespmem:s23], [sflag:$0x4], $0x2000, $0x38;
	[tilespmem:$0x1F000] =	vst v63  }
0x39: {  	_ =	swait.ge [sflag:s24], $0x2000  }
0x3a: {  	[sflag:s24] =	ssyncset.done $0x0  }
0x3b: {  	[sflag:s24] =	ssyncadd.s32 $0xFFFFE000  }
0x3c: {  	[spmem:s20] =	stream.linear.scatter [tilespmem:s23], [sflag:$0x4], $0x2000, $0x38;
	[tilespmem:$0x1F000] =	vst v63  }
0x3d: {  	_ =	swait.ge [sflag:s24], $0x2000  }
0x3e: {  	[sflag:s24] =	ssyncset.done $0x0  }
0x3f: {  	[sflag:s24] =	ssyncadd.s32 $0xFFFFE000  }
0x40: {  	[spmem:s21] =	stream.linear.scatter [tilespmem:s23], [sflag:$0x4], $0x2000, $0x38;
	[tilespmem:$0x1F000] =	vst v63  }
0x41: {  	_ =	swait.ge [sflag:s24], $0x2000  }
0x42: {  	[sflag:s24] =	ssyncset.done $0x0  }
0x43: {  	[sflag:s24] =	ssyncadd.s32 $0xFFFFE000  }
0x44: {  	[spmem:s22] =	stream.linear.scatter [tilespmem:s23], [sflag:$0x4], $0x2000, $0x38;
	[tilespmem:$0x1F000] =	vst v63  }
0x45: {  	_ =	swait.ge [sflag:s24], $0x2000  }
0x46: {  	[sflag:s24] =	ssyncset.done $0x0  }
0x47: {  	[sflag:s24] =	ssyncadd.s32 $0xFFFFE000  }
0x48: {  	[bflag:$0x0] =	sbarrier.arrive $0xFFFF  }
0x49: {  	s26 =	simm.s32 $0x0;
	s10 =	simm.s32 $0x14000;
	s12 =	rddreg [dreg:$0x4]  }
0x4a: {  	[tilespmem:s10], [sflag:$0x4] =	stream.linear.gather [hbm4b:s12+s26], $0x2800, $0x38;
	[tilespmem:$0x1F000] =	vst v63  }
0x4b: {  	_ =	swait.ge [sflag:s24], $0x2800  }
0x4c: {  	[sflag:s24] =	ssyncset.done $0x0  }
0x4d: {  	s14 =	simm.s32 $0x16800;
	s13 =	rddreg [dreg:$0x5];
	[sflag:s24] =	ssyncadd.s32 $0xFFFFD800  }
0x4e: {  	[tilespmem:s14], [sflag:$0x4] =	stream.linear.gather [hbm4b:s13+s26], $0x2800, $0x38;
	[tilespmem:$0x1F000] =	vst v63  }
0x4f: {  	_ =	swait.ge [sflag:s24], $0x2800  }
0x50: {  	[sflag:s24] =	ssyncset.done $0x0  }
0x51: {  	[sflag:s24] =	ssyncadd.s32 $0xFFFFD800  }
.LBB2_4:
0x52: {  	s9 =	sshll.u32 s26, $0x7  }
0x53: {  	s10 =	sadd.s32 $0x14000, s9  }
0x54: {  	[tilespmem:s29], [sflag:$0x1] =	stream.indirect.gather [hbm4b:s4+s28], $0x80, s10, s28, $0xb8;
	[tilespmem:$0x1F000] =	vst v63  }
0x55: {  	s9 =	sadd.s32 $0x16800, s9  }
0x56: {  	[tilespmem:s30], [sflag:$0x2] =	stream.indirect.gather [hbm4b:s5+s28], $0x80, s9, s28, $0xb8;
	[tilespmem:$0x1F000] =	vst v63  }
0x57: {  	_ = 	snop  }
0x58: {  	[tilespmem:s23], [sflag:$0x3] =	stream.indirect.gather [hbm4b:s6+s28], $0x80, s10, s28, $0xb8;
	[tilespmem:$0x1F000] =	vst v63  }
0x59: {  	_ =	swait.ge [sflag:s31], $0x2000  }
0x5a: {  	[sflag:s31] =	ssyncset.done $0x0  }
0x5b: {  	[sflag:s31] =	ssyncadd.s32 $0xFFFFE000  }
0x5c: {  	_ =	swait.ge [sflag:s0], $0x2000  }
0x5d: {  	[sflag:s0] =	ssyncset.done $0x0  }
0x5e: {  	s10 =	simm.s32 $0x19040;
	[sflag:s0] =	ssyncadd.s32 $0xFFFFE000  }
0x5f: {  	s12 =	simm.s32 $0x1B040;
	v2 =	vld [tilespmem:s10+$0x30]  }
0x60: {  	v3 =	vld [tilespmem:s12+$0x30]  }
0x61: {  	v1 =	vld [tilespmem:s12+$0xFFFFFFC0]  }
0x62: {  	v4 =	vld [tilespmem:s10+$0xFFFFFFD0]  }
0x63: {  	v5 =	vld [tilespmem:s12+$0xFFFFFFD0]  }
0x64: {  	v6 =	vld [tilespmem:s10+$0xFFFFFFE0]  }
0x65: {  	v7 =	vld [tilespmem:s12+$0xFFFFFFE0]  }
0x66: {  	v8 =	vld [tilespmem:s10+$0xFFFFFFF0]  }
0x67: {  	v9 =	vld [tilespmem:s12+$0xFFFFFFF0]  }
0x68: {  	v10 =	vld [tilespmem:s10+$0x0]  }
0x69: {  	v11 =	vld [tilespmem:s12+$0x0];
	v3 =	vadd.f32 v3, v2  }
0x6a: {  	v5 =	vadd.f32 v5, v4;
	v2 =	vld [tilespmem:s10+$0x10]  }
0x6b: {  	v6 =	vadd.f32 v7, v6;
	v4 =	vld [tilespmem:s12+$0x10];
	[tilespmem:s10+$0x30] =	vst v3  }
0x6c: {  	v7 =	vadd.f32 v9, v8;
	[tilespmem:s10+$0xFFFFFFD0] =	vst v5;
	v3 =	vld [tilespmem:s10+$0x20]  }
0x6d: {  	[tilespmem:s10+$0xFFFFFFE0] =	vst v6;
	v6 =	vld [tilespmem:s12+$0x20]  }
0x6e: {  	s13 =	simm.s32 $0x0;
	s14 =	simm.s32 $0x190C0;
	v5 =	vld [tilespmem:s10+$0xFFFFFFC0];
	[tilespmem:s10+$0xFFFFFFF0] =	vst v7;
	v7 =	vadd.f32 v11, v10  }
.LBB2_5:
0x6f: {  	v8 =	vld [tilespmem:s14+$0x30];
	s12 =	sadd.s32 $0x80, s12  }
0x70: {  	s13 =	sadd.s32 $0x8, s13;
	v9 =	vld [tilespmem:s12+$0x30];
	[tilespmem:s10+$0x0] =	vst v7;
	v2 =	vadd.f32 v4, v2  }
0x71: {  	p0 =	slt.u32 s13, $0x1F8;
	v4 =	vld [tilespmem:s12+$0xFFFFFFC0]  }
0x72: {  	v7 =	vld [tilespmem:s14+$0xFFFFFFD0];
	[tilespmem:s10+$0x10] =	vst v2;
	v2 =	vadd.f32 v6, v3  }
0x73: {  	v3 =	vld [tilespmem:s12+$0xFFFFFFD0];
	v10 =	vadd.f32 v1, v5  }
0x74: {  	v5 =	vld [tilespmem:s14+$0xFFFFFFE0];
	[tilespmem:s10+$0x20] =	vst v2  }
0x75: {  	v2 =	vld [tilespmem:s12+$0xFFFFFFE0];
	v6 =	vadd.f32 v9, v8;
	[tilespmem:s10+$0xFFFFFFC0] =	vst v10;
	s10 =	smov.u32 s14  }
0x76: {  	v8 =	vld [tilespmem:s14+$0xFFFFFFF0];
	v1 =	vmov v4  }
0x77: {  	v9 =	vld [tilespmem:s12+$0xFFFFFFF0];
	[tilespmem:s14+$0x30] =	vst v6  }
0x78: {  	v3 =	vadd.f32 v3, v7;
	v7 =	vld [tilespmem:s14+$0x0]  }
0x79: {  	v10 =	vld [tilespmem:s12+$0x0]  }
.Ltmp1:
0x7a: {  	[tilespmem:s14+$0xFFFFFFD0] =	vst v3;
	v3 =	vadd.f32 v2, v5;
	v2 =	vld [tilespmem:s14+$0x10];
	(pc) =	sbr.rel @p0 .LBB2_5-.Ltmp1, $4  }
0x7b: {  	v4 =	vld [tilespmem:s12+$0x10]  }
0x7c: {  	[tilespmem:s14+$0xFFFFFFE0] =	vst v3;
	v8 =	vadd.f32 v9, v8;
	v3 =	vld [tilespmem:s14+$0x20]  }
0x7d: {  	v6 =	vld [tilespmem:s12+$0x20]  }
0x7e: {  	s14 =	sadd.s32 $0x80, s14;
	v5 =	vld [tilespmem:s10+$0xFFFFFFC0];
	[tilespmem:s10+$0xFFFFFFF0] =	vst v8;
	v7 =	vadd.f32 v10, v7  }
0x7f: {  	_ =	sdelay $0x1  }
0x80: {  	v2 =	vadd.f32 v4, v2  }
0x81: {  	s12 =	sshll.u32 s26, $0xD;
	[tilespmem:s10+$0x0] =	vst v7;
	v3 =	vadd.f32 v6, v3  }
0x82: {  	s12 =	sadd.s32 s11, s12;
	[tilespmem:s10+$0x10] =	vst v2;
	v1 =	vadd.f32 v1, v5  }
0x83: {  	s12 =	sshrl.u32 s12, $0x3;
	[tilespmem:s10+$0x20] =	vst v3  }
0x84: {  	s14 =	sadd.s32 s7, s12;
	[tilespmem:s10+$0xFFFFFFC0] =	vst v1  }
0x85: {  	[hbm4b:s14+s3] =	stream.linear.scatter [tilespmem:s29], [sflag:$0x4], $0x2000, $0x38;
	[tilespmem:$0x1F000] =	vst v63  }
0x86: {  	_ =	swait.ge [sflag:s24], $0x2000  }
0x87: {  	[sflag:s24] =	ssyncset.done $0x0  }
0x88: {  	[sflag:s24] =	ssyncadd.s32 $0xFFFFE000  }
0x89: {  	s26 =	sadd.s32 $0x1, s26;
	_ =	swait.ge [sflag:s1], $0x2000  }
0x8a: {  	p0 =	sne.s32 s26, $0x50;
	[sflag:s1] =	ssyncset.done $0x0  }
.Ltmp2:
0x8b: {  	[sflag:s1] =	ssyncadd.s32 $0xFFFFE000;
	(pc) =	sbr.rel @p0 .LBB2_4-.Ltmp2, $4  }
0x8c: {  	[spmem:s2] =	stream.indirect.scatter.add.f32 [tilespmem:s23], [sflag:$0x4], $0x80, s9, s28, $0xb8;
	[tilespmem:$0x1F000] =	vst v63  }
0x8d: {  	_ =	swait.ge [sflag:s24], $0x2000  }
0x8e: {  	[sflag:s24] =	ssyncset.done $0x0  }
0x8f: {  	[sflag:s24] =	ssyncadd.s32 $0xFFFFE000  }
0x90: {  	s9 =	stileid.u32  }
0x91: {  	[bflag:$0x0] =	sbarrier.arrive $0xFFFF;
	s9 =	sshll.u32 s9, $0x6  }
0x92: {  	s10 =	sshrl.u32 s8, $0x3;
	s12 =	rddreg [dreg:$0x6];
	s9 =	sor.u32 $0x1C04, s9  }
0x93: {  	[hbm:s12], [sflag:s9] =	dma.local [spmem:s10], $0x2800  }
0x94: {  	_ =	swait.ge [sflag:s24], $0x2800  }
0x95: {  	s25 =	sadd.s32 $0x1, s25;
	s26 =	rddreg [dreg:$0x7]  }
0x96: {  	p0 =	sne.s32 s25, s26  }
.Ltmp3:
0x97: {  	_ = 	snop;
	(pc) =	sbr.rel @p0 .LBB2_1-.Ltmp3, $3  }
0x98: {  	_ =	sdelay $0x1  }
0x99: {  	[sflag:s24] =	ssyncset.done $0x0  }
0x9a: {  	[sflag:s24] =	ssyncadd.s32 $0xFFFFD800  }
0x9b: {  	_ =	sfence.sel $0x180000  }
0x9c: {  	[bflag:$0x0] =	sbarrier.arrive $0xFFFF  }
0x9d: {  	_ =	strace $0x9000004A  }
0x9e: {  	s0 =	stileid.u32;
	[bflag:$0x2] =	sbarrier.arrive $0xFFFF  }
0x9f: {  	p0 =	sne.s32 s0, $0x0;
	s0 =	rddreg [dreg:$0x3]  }
0xa0: {  	s0 =	sadd.s32 @!p0 $0x100000, s0  }
0xa1: {  	[sflag:s0] =	ssyncadd.tile.s32 @!p0 $0x1;
	_ =	shalt  }
.Lfunc_end2:
_tile_overlayer_lowered:
.L_overlay_start_2:
0xa2: {  	(tag) =	ssettag $0x2  }
0xa3: {  	s0 =	rddreg [dreg:$0x0];
	s2 =	stileid.u32  }
0xa4: {  	s1 =	rddreg [dreg:$0x1];
	p0 =	sne.s32 s2, $0x0  }
0xa5: {  	s3 =	rddreg [dreg:$0x2];
	[bflag:$0x3] =	sbarrier.arrive $0xFFFF;
	s2 =	simm.s32 @!p0 $0x1C04  }
0xa6: {  	[timem:s3], [sflag:s2] =	dma.local @!p0 [hbm:s0], s1  }
0xa7: {  	s0 =	simm.s32 @!p0 $0x4  }
0xa8: {  	_ =	swait.ge @!p0 [sflag:s0], s1  }
0xa9: {  	s1 =	ssub.s32 @!p0 $0x0, s1;
	[sflag:s0] =	ssyncset.done @!p0 $0x0  }
0xaa: {  	[sflag:s0] =	ssyncadd.s32 @!p0 s1  }
0xab: {  	[bflag:$0x3] =	sbarrier.arrive $0xFFFF  }
0xac: {  	_ =	shalt  }

// kernel: kernel.23.cloned.1.call-start
scs
__scs_entry_jumppad:
0x0: {  	(pc) =	sbr.rel $0x88, $3  }
0x1: {  	(tag) =	ssettag $0x0;
	lr =	simm.s32 $0x1  }
0x2: {  	[smem:$0x3F7E] =	sst lr;
	_ =	strace $0xD0000000  }
0x3: {  	_ = 	snop  }
0x4: {  	_ = 	snop  }
0x5: {  	_ = 	snop  }
0x6: {  	_ = 	snop  }
0x7: {  	_ = 	snop  }
__scs_overlays_trampoline_lowered:
0x8: {  	[smem:$0x3F8D] =	sst s0  }
0x9: {  	[smem:$0x3F8E] =	sst s1  }
0xa: {  	[smem:$0x3F8F] =	sst s2  }
0xb: {  	[smem:$0x3F90] =	sst s3  }
0xc: {  	[smem:$0x3F91] =	sst s4  }
0xd: {  	[smem:$0x3F92] =	sst s5  }
0xe: {  	[smem:$0x3F93] =	sst s6  }
0xf: {  	[smem:$0x3F94] =	sst s7  }
0x10: {  	[smem:$0x3F95] =	sst s8  }
0x11: {  	[smem:$0x3F96] =	sst s9;
	s0 =	simm.s32 @!p0 $0x0  }
0x12: {  	s1 =	sld [smem:$0x3F7C];
	s0 =	simm.s32 @p0 $0x1  }
0x13: {  	[smem:$0x3F97] =	sst s0;
	s0 =	simm.s32 @!p1 $0x0  }
0x14: {  	s2 =	sld [smem:$0x3F7B];
	s0 =	simm.s32 @p1 $0x1  }
0x15: {  	[smem:$0x3F98] =	sst s0;
	s0 =	simm.s32 @!p2 $0x0  }
0x16: {  	s3 =	sld [smem:$0x3FDB];
	s0 =	simm.s32 @p2 $0x1  }
0x17: {  	s4 =	simm.s32 $0x1BF5;
	[smem:$0x3F9A] =	sst s0  }
0x18: {  	s0 =	sld [smem:$0x3F7D];
	_ =	swait.ge [sflag:s4], $0x0  }
0x19: {  	s7 =	sld [smem:$0x3F7E]  }
0x1a: {  	s8 =	sadd.s32 $0xFFFFE003, lr  }
0x1b: {  	s9 =	sadd.s32 $0xFFFFFEF7, lr;
	s5 =	simm.s32 $0xFFFFFFFF;
	p2 =	slt.u32 s8, $0xFFFFF086  }
0x1c: {  	p1 =	slt.u32 s9, $0xF7A;
	s5 =	simm.s32 @!p2 $0x0  }
0x1d: {  	s5 =	simm.s32 @p1 $0x1;
	p0 =	seq.s32 s7, s2  }
0x1e: {  	s7 =	smul.u32 @!p0 $0xF7A, s2;
	p2 =	seq.s32 @!p0 s5, $0x0  }
0x1f: {  	s9 =	smul.u32 $0xF7A, s1;
	s8 =	simm.s32 @!p0 $0x1BF5;
	p2 =	por !p2, p0  }
0x20: {  	[sflag:s8] =	ssyncset.s32 @!p0 $0xFFFFF086;
	s6 =	sadd.s32 @!p0 s3, s7;
	s7 =	simm.s32 @!p0 $0x108  }
0x21: {  	s3 =	sadd.s32 s3, s9;
	s6 =	sadd.s32 @!p0 $0x88, s6;
	s7 =	simm.s32 @p2 $0x1082  }
0x22: {  	[simem:s7], [sflag:s8] =	dma.local @!p0 [hbm:s6], $0xF7A  }
0x23: {  	s9 =	sor.u32 $0xD0000000, s2;
	s6 =	simm.s32 $0x108;
	_ =	swait.ge @!p0 [sflag:s8], $0x0  }
0x24: {  	s3 =	sadd.s32 $0x88, s3;
	s6 =	simm.s32 @!p1 $0x1082;
	[sflag:s4] =	ssyncset.s32 $0xFFFFF086  }
0x25: {  	[simem:s6], [sflag:s4] =	dma.local [hbm:s3], $0xF7A  }
0x26: {  	[smem:$0x3F7E] =	sst s1;
	(tag) =	ssettag s2;
	_ =	strace s9  }
0x27: {  	s1 =	sld [smem:$0x3F8E]  }
0x28: {  	s2 =	sld [smem:$0x3F8F]  }
0x29: {  	s4 =	sld [smem:$0x3F91]  }
0x2a: {  	p0 =	seq.s32 s5, $0x0;
	s5 =	sld [smem:$0x3F92]  }
0x2b: {  	s6 =	sld [smem:$0x3F93]  }
0x2c: {  	s7 =	sld [smem:$0x3F94]  }
0x2d: {  	s3 =	simm.s32 $0x108;
	s8 =	sld [smem:$0x3F95]  }
0x2e: {  	s3 =	simm.s32 @!p0 $0x1082;
	s9 =	sld [smem:$0x3F96]  }
0x2f: {  	lr =	sadd.s32 s0, s3;
	s0 =	sld [smem:$0x3F8D]  }
0x30: {  	s3 =	sld [smem:$0x3F90]  }
0x31: {  	[smem:$0x3F99] =	sst s10  }
0x32: {  	s10 =	sld [smem:$0x3F97];
	_ =	sdelay $0x3  }
0x33: {  	p0 =	seq.s32 s10, $0x1;
	s10 =	sld [smem:$0x3F99];
	_ =	sdelay $0x3  }
0x34: {  	[smem:$0x3F99] =	sst s10  }
0x35: {  	s10 =	sld [smem:$0x3F98];
	_ =	sdelay $0x3  }
0x36: {  	p1 =	seq.s32 s10, $0x1;
	s10 =	sld [smem:$0x3F99];
	_ =	sdelay $0x3  }
0x37: {  	[smem:$0x3F99] =	sst s10  }
0x38: {  	s10 =	sld [smem:$0x3F9A]  }
0x39: {  	_ = 	snop;
	(pc) =	sbr.ind lr, $3  }
0x3a: {  	_ = 	snop  }
0x3b: {  	_ = 	snop  }
0x3c: {  	p2 =	seq.s32 s10, $0x1;
	s10 =	sld [smem:$0x3F99]  }
0x3d: {  	_ =	shalt  }
0x3e: {  	_ =	shalt  }
0x3f: {  	_ =	shalt  }
0x40: {  	_ =	shalt  }
0x41: {  	_ =	shalt  }
0x42: {  	_ =	shalt  }
0x43: {  	_ =	shalt  }
0x44: {  	_ =	shalt  }
0x45: {  	_ =	shalt  }
0x46: {  	_ =	shalt  }
0x47: {  	_ =	shalt  }
0x48: {  	_ =	shalt  }
0x49: {  	_ =	shalt  }
0x4a: {  	_ =	shalt  }
0x4b: {  	_ =	shalt  }
0x4c: {  	_ =	shalt  }
0x4d: {  	_ =	shalt  }
0x4e: {  	_ =	shalt  }
0x4f: {  	_ =	shalt  }
0x50: {  	_ =	shalt  }
0x51: {  	_ =	shalt  }
0x52: {  	_ =	shalt  }
0x53: {  	_ =	shalt  }
0x54: {  	_ =	shalt  }
0x55: {  	_ =	shalt  }
0x56: {  	_ =	shalt  }
0x57: {  	_ =	shalt  }
0x58: {  	_ =	shalt  }
0x59: {  	_ =	shalt  }
0x5a: {  	_ =	shalt  }
0x5b: {  	_ =	shalt  }
0x5c: {  	_ =	shalt  }
0x5d: {  	_ =	shalt  }
0x5e: {  	_ =	shalt  }
0x5f: {  	_ =	shalt  }
0x60: {  	_ =	shalt  }
0x61: {  	_ =	shalt  }
0x62: {  	_ =	shalt  }
0x63: {  	_ =	shalt  }
0x64: {  	_ =	shalt  }
0x65: {  	_ =	shalt  }
0x66: {  	_ =	shalt  }
0x67: {  	_ =	shalt  }
0x68: {  	_ =	shalt  }
0x69: {  	_ =	shalt  }
0x6a: {  	_ =	shalt  }
0x6b: {  	_ =	shalt  }
0x6c: {  	_ =	shalt  }
0x6d: {  	_ =	shalt  }
0x6e: {  	_ =	shalt  }
0x6f: {  	_ =	shalt  }
0x70: {  	_ =	shalt  }
0x71: {  	_ =	shalt  }
0x72: {  	_ =	shalt  }
0x73: {  	_ =	shalt  }
0x74: {  	_ =	shalt  }
0x75: {  	_ =	shalt  }
0x76: {  	_ =	shalt  }
0x77: {  	_ =	shalt  }
0x78: {  	_ =	shalt  }
0x79: {  	_ =	shalt  }
0x7a: {  	_ =	shalt  }
0x7b: {  	_ =	shalt  }
0x7c: {  	_ =	shalt  }
0x7d: {  	_ =	shalt  }
0x7e: {  	_ =	shalt  }
0x7f: {  	_ =	shalt  }
0x80: {  	_ =	shalt  }
0x81: {  	_ =	shalt  }
0x82: {  	_ =	shalt  }
0x83: {  	_ =	shalt  }
0x84: {  	_ =	shalt  }
0x85: {  	_ =	shalt  }
0x86: {  	_ =	shalt  }
0x87: {  	_ =	shalt  }
.Lfunc_end0:
.L_simem_size_0:
called_computation.2_lowered:
.L_overlay_start_0:
0x88: {  	s2 =	sld [smem:$0x3FD9]  }
0x89: {  	s3 =	sld [smem:$0x3FFE];
	_ =	sdelay $0x1  }
0x8a: {  	s1 =	srdreg.scid  }
0x8b: {  	s0 =	sand.u32 $0x1, s1  }
0x8c: {  	s14 =	sshll.u32 s0, $0xA;
	s2 =	sadd.s32 s3, s2  }
0x8d: {  	s2 =	sadd.s32 s2, s14  }
0x8e: {  	[smem:$0x3FA5] =	sst s2  }
0x8f: {  	_ = 	snop  }
0x90: {  	s2 =	sld [smem:$0x3FD0];
	_ =	sdelay $0x2  }
0x91: {  	s15 =	simm.s32 $0xA;
	s4 =	simm.s32 $0x10  }
0x92: {  	[smem:s4], [sflag:s15] =	dma.local [hbm:s2], $0x1  }
0x93: {  	_ =	swait.eq [sflag:s15], $0x1  }
0x94: {  	[sflag:s15] =	ssyncset.done $0x0  }
0x95: {  	[sflag:s15] =	ssyncadd.s32 $0xFFFFFFFF  }
0x96: {  	s16 =	sld [smem:$0x10];
	(tm) =	ssettm $0x1  }
0x97: {  	s17 =	sld [smem:$0x3FFB];
	_ =	sdelay $0x3  }
0x98: {  	_ =	strace s17  }
0x99: {  	s3 =	sld [smem:$0x3FFC];
	_ =	sdelay $0x3  }
0x9a: {  	_ =	strace s3  }
0x9b: {  	s3 =	sld [smem:$0x3FFD];
	_ =	sdelay $0x3  }
0x9c: {  	_ =	strace s3  }
0x9d: {  	_ =	strace $0x8FFFFFFF  }
0x9e: {  	s18 =	sld [smem:$0x3FDB];
	_ =	sdelay $0x1  }
0x9f: {  	s19 =	simm.s32 $_scs_section_size  }
0xa0: {  	s5 =	simm.s32 $_size__tile_overlayer_lowered;
	s6 =	simm.s32 $_tile_overlayer_lowered  }
0xa1: {  	s22 =	simm.s32 $0x1BFF;
	s21 =	sshll.u32 s6, $0x1;
	s3 =	sadd.s32 s19, s18  }
0xa2: {  	s7 =	simm.s32 $0x0;
	s20 =	sshll.u32 s5, $0x1;
	s5 =	sadd.s32 s21, s3  }
0xa3: {  	[timem:s7], [sflag:s22] =	dma.local [hbm:s5], s20  }
0xa4: {  	_ =	swait.ge [sflag:s22], s20  }
0xa5: {  	s4 =	ssub.s32 $0x0, s20;
	[sflag:s22] =	ssyncset.done $0x0  }
0xa6: {  	[sflag:s22] =	ssyncadd.s32 s4;
	_ =	sdelay $0x1  }
0xa7: {  	s23 =	simm.s32 $0x1B8B  }
0xa8: {  	_ =	swait.ge [sflag:s23], $0x1  }
0xa9: {  	[sflag:s23] =	ssyncset.done $0x0  }
0xaa: {  	s25 =	simm.s32 $0x1B8E;
	s24 =	sld [smem:$0x3FFE];
	[sflag:s23] =	ssyncadd.s32 $0xFFFFFFFF  }
0xab: {  	s26 =	simm.s32 $execute0_lowered;
	[smem:$0x3FD2] =	sst s25  }
0xac: {  	s5 =	sshll.u32 s26, $0x1;
	_ =	strace $0x8000004C;
	[dreg:$0x1] =	wrdreg $0xFFFFFFFF  }
0xad: {  	s28 =	simm.s32 $_size_execute0_lowered;
	s3 =	sadd.s32 s3, s5;
	[dreg:$0x0] =	wrdreg $0x0  }
0xae: {  	s5 =	sshll.u32 s28, $0x1;
	[dreg:$0x2] =	wrdreg s3  }
0xaf: {  	[dreg:$0x3] =	wrdreg s5  }
0xb0: {  	[dreg:$0x4] =	wrdreg $0xC0  }
0xb1: {  	_ =	task [dreg:s7], $0x5FFFF  }
0xb2: {  	[dreg:$0x1] =	wrdreg $0xFFFFFFFF  }
0xb3: {  	[dreg:$0x0] =	wrdreg $0x60  }
0xb4: {  	[dreg:$0x2] =	wrdreg s16  }
0xb5: {  	[dreg:$0x3] =	wrdreg s24  }
0xb6: {  	[dreg:$0x4] =	wrdreg $0x0  }
0xb7: {  	[dreg:$0x5] =	wrdreg $0x9  }
0xb8: {  	_ =	task.clear_ibuf [dreg:s7], $0x6FFFF;
	_ =	strace $0x9000004C  }
0xb9: {  	s29 =	simm.s32 $0x9;
	_ =	strace $0x8000004E  }
0xba: {  	_ =	swait.ge [sflag:s29], $0x1  }
0xbb: {  	[sflag:s29] =	ssyncadd.s32 $0xFFFFFFFF  }
0xbc: {  	_ =	strace $0x9000004E  }
0xbd: {  	_ =	sfence  }
0xbe: {  	s30 =	sld [smem:$0x0];
	_ =	sdelay $0x2  }
0xbf: {  	s31 =	sshll.u32 s1, $0xD;
	s1 =	sshrl.u32 s1, $0x2  }
0xc0: {  	s3 =	sand.u32 $0x4000, s31;
	s1 =	sadd.s32 s1, s30  }
0xc1: {  	s0 =	sor.u32 s3, s0;
	s1 =	sshll.u32 s1, $0x11  }
0xc2: {  	s0 =	sor.u32 s1, s0  }
0xc3: {  	s0 =	sadd.s32 $0x8F2B, s0  }
0xc4: {  	[sflag:s0] =	ssyncadd.remote.s32 $0x1  }
0xc5: {  	_ =	sfence.sel $0xFFFF  }
0xc6: {  	[dreg:$0x0] =	wrdreg $0xFFFFFFFF;
	(pc) =	sbr.abs _section_cstart, $3  }
0xc7: {  	[dreg:$0x1] =	wrdreg $0xFFFFFFFF  }
0xc8: {  	_ =	task.clear_ibuf [dreg:s7], $0x2FFFF;
	_ =	strace $0x9FFFFFFF  }
0xc9: {  	(tm) =	ssettm $0x7FFFFFFF  }
tec
execute0_lowered:
.L_overlay_start_1:
0x0: {  	(tag) =	ssettag $0x1  }
0x1: {  	s0 =	srdreg.scid;
	s1 =	rddreg [dreg:$0x0]  }
0x2: {  	s12 =	stileid.u32;
	s8 =	rddreg [dreg:$0x1]  }
0x3: {  	s3 =	rddreg [dreg:$0x2];
	s4 =	simm.s32 $0x0;
	s28 =	simm.s32 $0x40  }
0x4: {  	s29 =	simm.s32 $0x19000;
	s30 =	simm.s32 $0x1B000;
	s31 =	simm.s32 $0x1  }
0x5: {  	s0 =	sand.u32 $0x1, s0;
	[smem:$0x7FF] =	sst s4;
	s10 =	smul.u32 $0x14000, s12  }
0x6: {  	s5 =	sadd.s32 $0x49600, s8;
	s6 =	sadd.s32 $0x21600, s8;
	s21 =	smul.u32 $0x50000, s12  }
0x7: {  	s2 =	sshll.u32 s0, $0x4;
	s9 =	smul.u32 $0x140000, s0;
	s0 =	ssub.s32 $0x2, s0  }
0x8: {  	_ =	strace $0x8000004D;
	s2 =	sor.u32 s12, s2;
	s22 =	sshrl.u32 s0, $0x1  }
0x9: {  	s7 =	smul.u32 $0x500, s2;
	s9 =	sadd.s32 s10, s9;
	s0 =	ssub.s32 s0, s22  }
0xa: {  	s10 =	sshrl.u32 s21, $0x2;
	s9 =	sshrl.u32 s9, $0x3;
	s0 =	smax.u32 s0, $0x1  }
0xb: {  	s11 =	sadd.s32 s7, s8;
	s7 =	sadd.s32 $0x341600, s8;
	s9 =	sadd.s32 s9, s8  }
0xc: {  	s8 =	sadd.s32 s10, s3;
	[dreg:$0x7] =	wrdreg s0;
	s0 =	simm.s32 $0x3  }
0xd: {  	s23 =	sadd.s32 $0x17600, s11;
	s24 =	sadd.s32 $0xD600, s11;
	s11 =	smul.u32 $0xA0000, s2  }
0xe: {  	s25 =	sadd.s32 $0x5C1600, s9;
	s26 =	sadd.s32 $0x2000, s8;
	s15 =	sadd.s32 $0x4000, s8  }
0xf: {  	s16 =	sadd.s32 $0x6000, s8;
	s17 =	sadd.s32 $0x8000, s8;
	[dreg:$0x4] =	wrdreg s23  }
0x10: {  	s18 =	sadd.s32 $0xA000, s8;
	s19 =	sadd.s32 $0xC000, s8;
	[dreg:$0x5] =	wrdreg s24  }
0x11: {  	s20 =	sadd.s32 $0xE000, s8;
	s21 =	sadd.s32 $0x10000, s8;
	[dreg:$0x6] =	wrdreg s25  }
0x12: {  	s22 =	sadd.s32 $0x12000, s8;
	s2 =	simm.s32 $0x2;
	[dreg:$0x8] =	wrdreg s26  }
0x13: {  	v0 =	vimm.f32 $0.0e+00;
	s23 =	simm.s32 $0x1D000;
	s24 =	simm.s32 $0x4;
	s25 =	simm.s32 $0x0  }
.LBB2_1:
0x14: {  	s9 =	sand.u32 $0x7E00, s4  }
0x15: {  	s10 =	sand.u32 $0x70, s4;
	s12 =	sshrl.u32 s9, $0x2  }
0x16: {  	s9 =	simm.s32 $0x40;
	s12 =	sor.u32 s10, s12;
	s10 =	simm.s32 $0x0  }
.LBB2_2:
0x17: {  	p0 =	sne.s32 s9, $0x7FC0  }
0x18: {  	[tilespmem:s12+$0x1D000] =	vst v0;
	s10 =	sadd.s32 $0x10, s10;
	s12 =	smov.u32 s9;
	s9 =	sadd.s32 $0x40, s9  }
.Ltmp0:
0x19: {  	(pc) =	sbr.rel @p0 .LBB2_2-.Ltmp0, $4  }
0x1a: {  	_ = 	snop  }
0x1b: {  	s12 =	sand.u32 $0x7E00, s12  }
0x1c: {  	s13 =	sand.u32 $0x70, s10;
	s12 =	sshrl.u32 s12, $0x2  }
0x1d: {  	s12 =	sor.u32 s13, s12  }
0x1e: {  	[tilespmem:s12+$0x1D000] =	vst v0  }
0x1f: {  	[spmem:s8] =	stream.linear.scatter [tilespmem:s23], [sflag:$0x4], $0x2000, $0x38;
	[tilespmem:$0x1F000] =	vst v63  }
0x20: {  	_ =	swait.ge [sflag:s24], $0x2000  }
0x21: {  	[sflag:s24] =	ssyncset.done $0x0  }
0x22: {  	s9 =	rddreg [dreg:$0x8];
	[sflag:s24] =	ssyncadd.s32 $0xFFFFE000  }
0x23: {  	[spmem:s9] =	stream.linear.scatter [tilespmem:s23], [sflag:$0x4], $0x2000, $0x38;
	[tilespmem:$0x1F000] =	vst v63  }
0x24: {  	_ =	swait.ge [sflag:s24], $0x2000  }
0x25: {  	[sflag:s24] =	ssyncset.done $0x0  }
0x26: {  	[sflag:s24] =	ssyncadd.s32 $0xFFFFE000  }
0x27: {  	[spmem:s15] =	stream.linear.scatter [tilespmem:s23], [sflag:$0x4], $0x2000, $0x38;
	[tilespmem:$0x1F000] =	vst v63  }
0x28: {  	_ =	swait.ge [sflag:s24], $0x2000  }
0x29: {  	[sflag:s24] =	ssyncset.done $0x0  }
0x2a: {  	[sflag:s24] =	ssyncadd.s32 $0xFFFFE000  }
0x2b: {  	[spmem:s16] =	stream.linear.scatter [tilespmem:s23], [sflag:$0x4], $0x2000, $0x38;
	[tilespmem:$0x1F000] =	vst v63  }
0x2c: {  	_ =	swait.ge [sflag:s24], $0x2000  }
0x2d: {  	[sflag:s24] =	ssyncset.done $0x0  }
0x2e: {  	[sflag:s24] =	ssyncadd.s32 $0xFFFFE000  }
0x2f: {  	[spmem:s17] =	stream.linear.scatter [tilespmem:s23], [sflag:$0x4], $0x2000, $0x38;
	[tilespmem:$0x1F000] =	vst v63  }
0x30: {  	_ =	swait.ge [sflag:s24], $0x2000  }
0x31: {  	[sflag:s24] =	ssyncset.done $0x0  }
0x32: {  	[sflag:s24] =	ssyncadd.s32 $0xFFFFE000  }
0x33: {  	[spmem:s18] =	stream.linear.scatter [tilespmem:s23], [sflag:$0x4], $0x2000, $0x38;
	[tilespmem:$0x1F000] =	vst v63  }
0x34: {  	_ =	swait.ge [sflag:s24], $0x2000  }
0x35: {  	[sflag:s24] =	ssyncset.done $0x0  }
0x36: {  	[sflag:s24] =	ssyncadd.s32 $0xFFFFE000  }
0x37: {  	[spmem:s19] =	stream.linear.scatter [tilespmem:s23], [sflag:$0x4], $0x2000, $0x38;
	[tilespmem:$0x1F000] =	vst v63  }
0x38: {  	_ =	swait.ge [sflag:s24], $0x2000  }
0x39: {  	[sflag:s24] =	ssyncset.done $0x0  }
0x3a: {  	[sflag:s24] =	ssyncadd.s32 $0xFFFFE000  }
0x3b: {  	[spmem:s20] =	stream.linear.scatter [tilespmem:s23], [sflag:$0x4], $0x2000, $0x38;
	[tilespmem:$0x1F000] =	vst v63  }
0x3c: {  	_ =	swait.ge [sflag:s24], $0x2000  }
0x3d: {  	[sflag:s24] =	ssyncset.done $0x0  }
0x3e: {  	[sflag:s24] =	ssyncadd.s32 $0xFFFFE000  }
0x3f: {  	[spmem:s21] =	stream.linear.scatter [tilespmem:s23], [sflag:$0x4], $0x2000, $0x38;
	[tilespmem:$0x1F000] =	vst v63  }
0x40: {  	_ =	swait.ge [sflag:s24], $0x2000  }
0x41: {  	[sflag:s24] =	ssyncset.done $0x0  }
0x42: {  	[sflag:s24] =	ssyncadd.s32 $0xFFFFE000  }
0x43: {  	[spmem:s22] =	stream.linear.scatter [tilespmem:s23], [sflag:$0x4], $0x2000, $0x38;
	[tilespmem:$0x1F000] =	vst v63  }
0x44: {  	_ =	swait.ge [sflag:s24], $0x2000  }
0x45: {  	[sflag:s24] =	ssyncset.done $0x0  }
0x46: {  	[sflag:s24] =	ssyncadd.s32 $0xFFFFE000  }
0x47: {  	[bflag:$0x0] =	sbarrier.arrive $0xFFFF  }
0x48: {  	s26 =	simm.s32 $0x0;
	s10 =	simm.s32 $0x14000;
	s12 =	rddreg [dreg:$0x4]  }
0x49: {  	[tilespmem:s10], [sflag:$0x4] =	stream.linear.gather [hbm4b:s12+s26], $0x2800, $0x38;
	[tilespmem:$0x1F000] =	vst v63  }
0x4a: {  	_ =	swait.ge [sflag:s24], $0x2800  }
0x4b: {  	[sflag:s24] =	ssyncset.done $0x0  }
0x4c: {  	s14 =	simm.s32 $0x16800;
	s13 =	rddreg [dreg:$0x5];
	[sflag:s24] =	ssyncadd.s32 $0xFFFFD800  }
0x4d: {  	[tilespmem:s14], [sflag:$0x4] =	stream.linear.gather [hbm4b:s13+s26], $0x2800, $0x38;
	[tilespmem:$0x1F000] =	vst v63  }
0x4e: {  	_ =	swait.ge [sflag:s24], $0x2800  }
0x4f: {  	[sflag:s24] =	ssyncset.done $0x0  }
0x50: {  	[sflag:s24] =	ssyncadd.s32 $0xFFFFD800  }
.LBB2_4:
0x51: {  	s9 =	sshll.u32 s26, $0x7  }
0x52: {  	s10 =	sadd.s32 $0x14000, s9  }
0x53: {  	[tilespmem:s29], [sflag:$0x1] =	stream.indirect.gather [hbm4b:s1+s28], $0x80, s10, s28, $0xb8;
	[tilespmem:$0x1F000] =	vst v63  }
0x54: {  	s9 =	sadd.s32 $0x16800, s9  }
0x55: {  	[tilespmem:s30], [sflag:$0x2] =	stream.indirect.gather [hbm4b:s5+s28], $0x80, s9, s28, $0xb8;
	[tilespmem:$0x1F000] =	vst v63  }
0x56: {  	_ = 	snop  }
0x57: {  	[tilespmem:s23], [sflag:$0x3] =	stream.indirect.gather [hbm4b:s6+s28], $0x80, s10, s28, $0xb8;
	[tilespmem:$0x1F000] =	vst v63  }
0x58: {  	_ =	swait.ge [sflag:s31], $0x2000  }
0x59: {  	[sflag:s31] =	ssyncset.done $0x0  }
0x5a: {  	[sflag:s31] =	ssyncadd.s32 $0xFFFFE000  }
0x5b: {  	_ =	swait.ge [sflag:s2], $0x2000  }
0x5c: {  	[sflag:s2] =	ssyncset.done $0x0  }
0x5d: {  	s10 =	simm.s32 $0x19040;
	[sflag:s2] =	ssyncadd.s32 $0xFFFFE000  }
0x5e: {  	s12 =	simm.s32 $0x1B040;
	v2 =	vld [tilespmem:s10+$0x30]  }
0x5f: {  	v3 =	vld [tilespmem:s12+$0x30]  }
0x60: {  	v1 =	vld [tilespmem:s12+$0xFFFFFFC0]  }
0x61: {  	v4 =	vld [tilespmem:s10+$0xFFFFFFD0]  }
0x62: {  	v5 =	vld [tilespmem:s12+$0xFFFFFFD0]  }
0x63: {  	v6 =	vld [tilespmem:s10+$0xFFFFFFE0]  }
0x64: {  	v7 =	vld [tilespmem:s12+$0xFFFFFFE0]  }
0x65: {  	v8 =	vld [tilespmem:s10+$0xFFFFFFF0]  }
0x66: {  	v9 =	vld [tilespmem:s12+$0xFFFFFFF0]  }
0x67: {  	v10 =	vld [tilespmem:s10+$0x0]  }
0x68: {  	v11 =	vld [tilespmem:s12+$0x0];
	v3 =	vadd.f32 v3, v2  }
0x69: {  	v5 =	vadd.f32 v5, v4;
	v2 =	vld [tilespmem:s10+$0x10]  }
0x6a: {  	v6 =	vadd.f32 v7, v6;
	v4 =	vld [tilespmem:s12+$0x10];
	[tilespmem:s10+$0x30] =	vst v3  }
0x6b: {  	v7 =	vadd.f32 v9, v8;
	[tilespmem:s10+$0xFFFFFFD0] =	vst v5;
	v3 =	vld [tilespmem:s10+$0x20]  }
0x6c: {  	[tilespmem:s10+$0xFFFFFFE0] =	vst v6;
	v6 =	vld [tilespmem:s12+$0x20]  }
0x6d: {  	s13 =	simm.s32 $0x0;
	s14 =	simm.s32 $0x190C0;
	v5 =	vld [tilespmem:s10+$0xFFFFFFC0];
	[tilespmem:s10+$0xFFFFFFF0] =	vst v7;
	v7 =	vadd.f32 v11, v10  }
.LBB2_5:
0x6e: {  	v8 =	vld [tilespmem:s14+$0x30];
	s12 =	sadd.s32 $0x80, s12  }
0x6f: {  	s13 =	sadd.s32 $0x8, s13;
	v9 =	vld [tilespmem:s12+$0x30];
	[tilespmem:s10+$0x0] =	vst v7;
	v2 =	vadd.f32 v4, v2  }
0x70: {  	p0 =	slt.u32 s13, $0x1F8;
	v4 =	vld [tilespmem:s12+$0xFFFFFFC0]  }
0x71: {  	v7 =	vld [tilespmem:s14+$0xFFFFFFD0];
	[tilespmem:s10+$0x10] =	vst v2;
	v2 =	vadd.f32 v6, v3  }
0x72: {  	v3 =	vld [tilespmem:s12+$0xFFFFFFD0];
	v10 =	vadd.f32 v1, v5  }
0x73: {  	v5 =	vld [tilespmem:s14+$0xFFFFFFE0];
	[tilespmem:s10+$0x20] =	vst v2  }
0x74: {  	v2 =	vld [tilespmem:s12+$0xFFFFFFE0];
	v6 =	vadd.f32 v9, v8;
	[tilespmem:s10+$0xFFFFFFC0] =	vst v10;
	s10 =	smov.u32 s14  }
0x75: {  	v8 =	vld [tilespmem:s14+$0xFFFFFFF0];
	v1 =	vmov v4  }
0x76: {  	v9 =	vld [tilespmem:s12+$0xFFFFFFF0];
	[tilespmem:s14+$0x30] =	vst v6  }
0x77: {  	v3 =	vadd.f32 v3, v7;
	v7 =	vld [tilespmem:s14+$0x0]  }
0x78: {  	v10 =	vld [tilespmem:s12+$0x0]  }
.Ltmp1:
0x79: {  	[tilespmem:s14+$0xFFFFFFD0] =	vst v3;
	v3 =	vadd.f32 v2, v5;
	v2 =	vld [tilespmem:s14+$0x10];
	(pc) =	sbr.rel @p0 .LBB2_5-.Ltmp1, $4  }
0x7a: {  	v4 =	vld [tilespmem:s12+$0x10]  }
0x7b: {  	[tilespmem:s14+$0xFFFFFFE0] =	vst v3;
	v8 =	vadd.f32 v9, v8;
	v3 =	vld [tilespmem:s14+$0x20]  }
0x7c: {  	v6 =	vld [tilespmem:s12+$0x20]  }
0x7d: {  	s14 =	sadd.s32 $0x80, s14;
	v5 =	vld [tilespmem:s10+$0xFFFFFFC0];
	[tilespmem:s10+$0xFFFFFFF0] =	vst v8;
	v7 =	vadd.f32 v10, v7  }
0x7e: {  	_ =	sdelay $0x1  }
0x7f: {  	v2 =	vadd.f32 v4, v2  }
0x80: {  	s12 =	sshll.u32 s26, $0xD;
	[tilespmem:s10+$0x0] =	vst v7;
	v3 =	vadd.f32 v6, v3  }
0x81: {  	s12 =	sadd.s32 s11, s12;
	[tilespmem:s10+$0x10] =	vst v2;
	v1 =	vadd.f32 v1, v5  }
0x82: {  	s12 =	sshrl.u32 s12, $0x3;
	[tilespmem:s10+$0x20] =	vst v3  }
0x83: {  	s14 =	sadd.s32 s7, s12;
	[tilespmem:s10+$0xFFFFFFC0] =	vst v1  }
0x84: {  	[hbm4b:s14+s4] =	stream.linear.scatter [tilespmem:s29], [sflag:$0x4], $0x2000, $0x38;
	[tilespmem:$0x1F000] =	vst v63  }
0x85: {  	_ =	swait.ge [sflag:s24], $0x2000  }
0x86: {  	[sflag:s24] =	ssyncset.done $0x0  }
0x87: {  	[sflag:s24] =	ssyncadd.s32 $0xFFFFE000  }
0x88: {  	s26 =	sadd.s32 $0x1, s26;
	_ =	swait.ge [sflag:s0], $0x2000  }
0x89: {  	p0 =	sne.s32 s26, $0x50;
	[sflag:s0] =	ssyncset.done $0x0  }
.Ltmp2:
0x8a: {  	[sflag:s0] =	ssyncadd.s32 $0xFFFFE000;
	(pc) =	sbr.rel @p0 .LBB2_4-.Ltmp2, $4  }
0x8b: {  	[spmem:s3] =	stream.indirect.scatter.add.f32 [tilespmem:s23], [sflag:$0x4], $0x80, s9, s28, $0xb8;
	[tilespmem:$0x1F000] =	vst v63  }
0x8c: {  	_ =	swait.ge [sflag:s24], $0x2000  }
0x8d: {  	[sflag:s24] =	ssyncset.done $0x0  }
0x8e: {  	[sflag:s24] =	ssyncadd.s32 $0xFFFFE000  }
0x8f: {  	s9 =	stileid.u32  }
0x90: {  	[bflag:$0x0] =	sbarrier.arrive $0xFFFF;
	s9 =	sshll.u32 s9, $0x6  }
0x91: {  	s10 =	sshrl.u32 s8, $0x3;
	s12 =	rddreg [dreg:$0x6];
	s9 =	sor.u32 $0x1C04, s9  }
0x92: {  	[hbm:s12], [sflag:s9] =	dma.local [spmem:s10], $0x2800  }
0x93: {  	_ =	swait.ge [sflag:s24], $0x2800  }
0x94: {  	s25 =	sadd.s32 $0x1, s25;
	s26 =	rddreg [dreg:$0x7]  }
0x95: {  	p0 =	sne.s32 s25, s26  }
.Ltmp3:
0x96: {  	_ = 	snop;
	(pc) =	sbr.rel @p0 .LBB2_1-.Ltmp3, $3  }
0x97: {  	_ =	sdelay $0x1  }
0x98: {  	[sflag:s24] =	ssyncset.done $0x0  }
0x99: {  	[sflag:s24] =	ssyncadd.s32 $0xFFFFD800  }
0x9a: {  	_ =	sfence.sel $0x180000  }
0x9b: {  	[bflag:$0x0] =	sbarrier.arrive $0xFFFF  }
0x9c: {  	_ =	strace $0x9000004D  }
0x9d: {  	s0 =	stileid.u32;
	[bflag:$0x2] =	sbarrier.arrive $0xFFFF  }
0x9e: {  	p0 =	sne.s32 s0, $0x0;
	s0 =	rddreg [dreg:$0x3]  }
0x9f: {  	s0 =	sadd.s32 @!p0 $0x100000, s0  }
0xa0: {  	[sflag:s0] =	ssyncadd.tile.s32 @!p0 $0x1;
	_ =	shalt  }
.Lfunc_end2:
_tile_overlayer_lowered:
.L_overlay_start_2:
0xa1: {  	(tag) =	ssettag $0x2  }
0xa2: {  	s0 =	rddreg [dreg:$0x0];
	s2 =	stileid.u32  }
0xa3: {  	s1 =	rddreg [dreg:$0x1];
	p0 =	sne.s32 s2, $0x0  }
0xa4: {  	s3 =	rddreg [dreg:$0x2];
	[bflag:$0x3] =	sbarrier.arrive $0xFFFF;
	s2 =	simm.s32 @!p0 $0x1C04  }
0xa5: {  	[timem:s3], [sflag:s2] =	dma.local @!p0 [hbm:s0], s1  }
0xa6: {  	s0 =	simm.s32 @!p0 $0x4  }
0xa7: {  	_ =	swait.ge @!p0 [sflag:s0], s1  }
0xa8: {  	s1 =	ssub.s32 @!p0 $0x0, s1;
	[sflag:s0] =	ssyncset.done @!p0 $0x0  }
0xa9: {  	[sflag:s0] =	ssyncadd.s32 @!p0 s1  }
0xaa: {  	[bflag:$0x3] =	sbarrier.arrive $0xFFFF  }
0xab: {  	_ =	shalt  }

// kernel: kernel.26.cloned.1.call-start
scs
__scs_entry_jumppad:
0x0: {  	(pc) =	sbr.rel $0x88, $3  }
0x1: {  	(tag) =	ssettag $0x0;
	lr =	simm.s32 $0x1  }
0x2: {  	[smem:$0x3F7E] =	sst lr;
	_ =	strace $0xD0000000  }
0x3: {  	_ = 	snop  }
0x4: {  	_ = 	snop  }
0x5: {  	_ = 	snop  }
0x6: {  	_ = 	snop  }
0x7: {  	_ = 	snop  }
__scs_overlays_trampoline_lowered:
0x8: {  	[smem:$0x3F8D] =	sst s0  }
0x9: {  	[smem:$0x3F8E] =	sst s1  }
0xa: {  	[smem:$0x3F8F] =	sst s2  }
0xb: {  	[smem:$0x3F90] =	sst s3  }
0xc: {  	[smem:$0x3F91] =	sst s4  }
0xd: {  	[smem:$0x3F92] =	sst s5  }
0xe: {  	[smem:$0x3F93] =	sst s6  }
0xf: {  	[smem:$0x3F94] =	sst s7  }
0x10: {  	[smem:$0x3F95] =	sst s8  }
0x11: {  	[smem:$0x3F96] =	sst s9;
	s0 =	simm.s32 @!p0 $0x0  }
0x12: {  	s1 =	sld [smem:$0x3F7C];
	s0 =	simm.s32 @p0 $0x1  }
0x13: {  	[smem:$0x3F97] =	sst s0;
	s0 =	simm.s32 @!p1 $0x0  }
0x14: {  	s2 =	sld [smem:$0x3F7B];
	s0 =	simm.s32 @p1 $0x1  }
0x15: {  	[smem:$0x3F98] =	sst s0;
	s0 =	simm.s32 @!p2 $0x0  }
0x16: {  	s3 =	sld [smem:$0x3FDB];
	s0 =	simm.s32 @p2 $0x1  }
0x17: {  	s4 =	simm.s32 $0x1BF5;
	[smem:$0x3F9A] =	sst s0  }
0x18: {  	s0 =	sld [smem:$0x3F7D];
	_ =	swait.ge [sflag:s4], $0x0  }
0x19: {  	s7 =	sld [smem:$0x3F7E]  }
0x1a: {  	s8 =	sadd.s32 $0xFFFFE003, lr  }
0x1b: {  	s9 =	sadd.s32 $0xFFFFFEF7, lr;
	s5 =	simm.s32 $0xFFFFFFFF;
	p2 =	slt.u32 s8, $0xFFFFF086  }
0x1c: {  	p1 =	slt.u32 s9, $0xF7A;
	s5 =	simm.s32 @!p2 $0x0  }
0x1d: {  	s5 =	simm.s32 @p1 $0x1;
	p0 =	seq.s32 s7, s2  }
0x1e: {  	s7 =	smul.u32 @!p0 $0xF7A, s2;
	p2 =	seq.s32 @!p0 s5, $0x0  }
0x1f: {  	s9 =	smul.u32 $0xF7A, s1;
	s8 =	simm.s32 @!p0 $0x1BF5;
	p2 =	por !p2, p0  }
0x20: {  	[sflag:s8] =	ssyncset.s32 @!p0 $0xFFFFF086;
	s6 =	sadd.s32 @!p0 s3, s7;
	s7 =	simm.s32 @!p0 $0x108  }
0x21: {  	s3 =	sadd.s32 s3, s9;
	s6 =	sadd.s32 @!p0 $0x88, s6;
	s7 =	simm.s32 @p2 $0x1082  }
0x22: {  	[simem:s7], [sflag:s8] =	dma.local @!p0 [hbm:s6], $0xF7A  }
0x23: {  	s9 =	sor.u32 $0xD0000000, s2;
	s6 =	simm.s32 $0x108;
	_ =	swait.ge @!p0 [sflag:s8], $0x0  }
0x24: {  	s3 =	sadd.s32 $0x88, s3;
	s6 =	simm.s32 @!p1 $0x1082;
	[sflag:s4] =	ssyncset.s32 $0xFFFFF086  }
0x25: {  	[simem:s6], [sflag:s4] =	dma.local [hbm:s3], $0xF7A  }
0x26: {  	[smem:$0x3F7E] =	sst s1;
	(tag) =	ssettag s2;
	_ =	strace s9  }
0x27: {  	s1 =	sld [smem:$0x3F8E]  }
0x28: {  	s2 =	sld [smem:$0x3F8F]  }
0x29: {  	s4 =	sld [smem:$0x3F91]  }
0x2a: {  	p0 =	seq.s32 s5, $0x0;
	s5 =	sld [smem:$0x3F92]  }
0x2b: {  	s6 =	sld [smem:$0x3F93]  }
0x2c: {  	s7 =	sld [smem:$0x3F94]  }
0x2d: {  	s3 =	simm.s32 $0x108;
	s8 =	sld [smem:$0x3F95]  }
0x2e: {  	s3 =	simm.s32 @!p0 $0x1082;
	s9 =	sld [smem:$0x3F96]  }
0x2f: {  	lr =	sadd.s32 s0, s3;
	s0 =	sld [smem:$0x3F8D]  }
0x30: {  	s3 =	sld [smem:$0x3F90]  }
0x31: {  	[smem:$0x3F99] =	sst s10  }
0x32: {  	s10 =	sld [smem:$0x3F97];
	_ =	sdelay $0x3  }
0x33: {  	p0 =	seq.s32 s10, $0x1;
	s10 =	sld [smem:$0x3F99];
	_ =	sdelay $0x3  }
0x34: {  	[smem:$0x3F99] =	sst s10  }
0x35: {  	s10 =	sld [smem:$0x3F98];
	_ =	sdelay $0x3  }
0x36: {  	p1 =	seq.s32 s10, $0x1;
	s10 =	sld [smem:$0x3F99];
	_ =	sdelay $0x3  }
0x37: {  	[smem:$0x3F99] =	sst s10  }
0x38: {  	s10 =	sld [smem:$0x3F9A]  }
0x39: {  	_ = 	snop;
	(pc) =	sbr.ind lr, $3  }
0x3a: {  	_ = 	snop  }
0x3b: {  	_ = 	snop  }
0x3c: {  	p2 =	seq.s32 s10, $0x1;
	s10 =	sld [smem:$0x3F99]  }
0x3d: {  	_ =	shalt  }
0x3e: {  	_ =	shalt  }
0x3f: {  	_ =	shalt  }
0x40: {  	_ =	shalt  }
0x41: {  	_ =	shalt  }
0x42: {  	_ =	shalt  }
0x43: {  	_ =	shalt  }
0x44: {  	_ =	shalt  }
0x45: {  	_ =	shalt  }
0x46: {  	_ =	shalt  }
0x47: {  	_ =	shalt  }
0x48: {  	_ =	shalt  }
0x49: {  	_ =	shalt  }
0x4a: {  	_ =	shalt  }
0x4b: {  	_ =	shalt  }
0x4c: {  	_ =	shalt  }
0x4d: {  	_ =	shalt  }
0x4e: {  	_ =	shalt  }
0x4f: {  	_ =	shalt  }
0x50: {  	_ =	shalt  }
0x51: {  	_ =	shalt  }
0x52: {  	_ =	shalt  }
0x53: {  	_ =	shalt  }
0x54: {  	_ =	shalt  }
0x55: {  	_ =	shalt  }
0x56: {  	_ =	shalt  }
0x57: {  	_ =	shalt  }
0x58: {  	_ =	shalt  }
0x59: {  	_ =	shalt  }
0x5a: {  	_ =	shalt  }
0x5b: {  	_ =	shalt  }
0x5c: {  	_ =	shalt  }
0x5d: {  	_ =	shalt  }
0x5e: {  	_ =	shalt  }
0x5f: {  	_ =	shalt  }
0x60: {  	_ =	shalt  }
0x61: {  	_ =	shalt  }
0x62: {  	_ =	shalt  }
0x63: {  	_ =	shalt  }
0x64: {  	_ =	shalt  }
0x65: {  	_ =	shalt  }
0x66: {  	_ =	shalt  }
0x67: {  	_ =	shalt  }
0x68: {  	_ =	shalt  }
0x69: {  	_ =	shalt  }
0x6a: {  	_ =	shalt  }
0x6b: {  	_ =	shalt  }
0x6c: {  	_ =	shalt  }
0x6d: {  	_ =	shalt  }
0x6e: {  	_ =	shalt  }
0x6f: {  	_ =	shalt  }
0x70: {  	_ =	shalt  }
0x71: {  	_ =	shalt  }
0x72: {  	_ =	shalt  }
0x73: {  	_ =	shalt  }
0x74: {  	_ =	shalt  }
0x75: {  	_ =	shalt  }
0x76: {  	_ =	shalt  }
0x77: {  	_ =	shalt  }
0x78: {  	_ =	shalt  }
0x79: {  	_ =	shalt  }
0x7a: {  	_ =	shalt  }
0x7b: {  	_ =	shalt  }
0x7c: {  	_ =	shalt  }
0x7d: {  	_ =	shalt  }
0x7e: {  	_ =	shalt  }
0x7f: {  	_ =	shalt  }
0x80: {  	_ =	shalt  }
0x81: {  	_ =	shalt  }
0x82: {  	_ =	shalt  }
0x83: {  	_ =	shalt  }
0x84: {  	_ =	shalt  }
0x85: {  	_ =	shalt  }
0x86: {  	_ =	shalt  }
0x87: {  	_ =	shalt  }
.Lfunc_end0:
.L_simem_size_0:
called_computation.3_lowered:
.L_overlay_start_0:
0x88: {  	s2 =	sld [smem:$0x3FD9]  }
0x89: {  	s3 =	sld [smem:$0x3FFE];
	_ =	sdelay $0x1  }
0x8a: {  	s1 =	srdreg.scid  }
0x8b: {  	s0 =	sand.u32 $0x1, s1  }
0x8c: {  	s14 =	sshll.u32 s0, $0xA;
	s2 =	sadd.s32 s3, s2  }
0x8d: {  	s2 =	sadd.s32 s2, s14  }
0x8e: {  	[smem:$0x3FA5] =	sst s2  }
0x8f: {  	_ = 	snop  }
0x90: {  	s2 =	sld [smem:$0x3FD0];
	_ =	sdelay $0x2  }
0x91: {  	s15 =	simm.s32 $0xA;
	s4 =	simm.s32 $0x10  }
0x92: {  	[smem:s4], [sflag:s15] =	dma.local [hbm:s2], $0x1  }
0x93: {  	_ =	swait.eq [sflag:s15], $0x1  }
0x94: {  	[sflag:s15] =	ssyncset.done $0x0  }
0x95: {  	[sflag:s15] =	ssyncadd.s32 $0xFFFFFFFF  }
0x96: {  	s16 =	sld [smem:$0x10];
	(tm) =	ssettm $0x1  }
0x97: {  	s17 =	sld [smem:$0x3FFB];
	_ =	sdelay $0x3  }
0x98: {  	_ =	strace s17  }
0x99: {  	s3 =	sld [smem:$0x3FFC];
	_ =	sdelay $0x3  }
0x9a: {  	_ =	strace s3  }
0x9b: {  	s3 =	sld [smem:$0x3FFD];
	_ =	sdelay $0x3  }
0x9c: {  	_ =	strace s3  }
0x9d: {  	_ =	strace $0x8FFFFFFF  }
0x9e: {  	s18 =	sld [smem:$0x3FDB];
	_ =	sdelay $0x1  }
0x9f: {  	s19 =	simm.s32 $_scs_section_size  }
0xa0: {  	s5 =	simm.s32 $_size__tile_overlayer_lowered;
	s6 =	simm.s32 $_tile_overlayer_lowered  }
0xa1: {  	s22 =	simm.s32 $0x1BFF;
	s21 =	sshll.u32 s6, $0x1;
	s3 =	sadd.s32 s19, s18  }
0xa2: {  	s7 =	simm.s32 $0x0;
	s20 =	sshll.u32 s5, $0x1;
	s5 =	sadd.s32 s21, s3  }
0xa3: {  	[timem:s7], [sflag:s22] =	dma.local [hbm:s5], s20  }
0xa4: {  	_ =	swait.ge [sflag:s22], s20  }
0xa5: {  	s4 =	ssub.s32 $0x0, s20;
	[sflag:s22] =	ssyncset.done $0x0  }
0xa6: {  	[sflag:s22] =	ssyncadd.s32 s4;
	_ =	sdelay $0x1  }
0xa7: {  	s23 =	simm.s32 $0x1B8B  }
0xa8: {  	_ =	swait.ge [sflag:s23], $0x1  }
0xa9: {  	[sflag:s23] =	ssyncset.done $0x0  }
0xaa: {  	s25 =	simm.s32 $0x1B8E;
	s24 =	sld [smem:$0x3FFE];
	[sflag:s23] =	ssyncadd.s32 $0xFFFFFFFF  }
0xab: {  	s26 =	simm.s32 $execute0_lowered;
	[smem:$0x3FD2] =	sst s25  }
0xac: {  	s5 =	sshll.u32 s26, $0x1;
	_ =	strace $0x8000004F;
	[dreg:$0x1] =	wrdreg $0xFFFFFFFF  }
0xad: {  	s28 =	simm.s32 $_size_execute0_lowered;
	s3 =	sadd.s32 s3, s5;
	[dreg:$0x0] =	wrdreg $0x0  }
0xae: {  	s5 =	sshll.u32 s28, $0x1;
	[dreg:$0x2] =	wrdreg s3  }
0xaf: {  	[dreg:$0x3] =	wrdreg s5  }
0xb0: {  	[dreg:$0x4] =	wrdreg $0xC0  }
0xb1: {  	_ =	task [dreg:s7], $0x5FFFF  }
0xb2: {  	[dreg:$0x1] =	wrdreg $0xFFFFFFFF  }
0xb3: {  	[dreg:$0x0] =	wrdreg $0x60  }
0xb4: {  	[dreg:$0x2] =	wrdreg s24  }
0xb5: {  	[dreg:$0x3] =	wrdreg s16  }
0xb6: {  	[dreg:$0x4] =	wrdreg $0x0  }
0xb7: {  	[dreg:$0x5] =	wrdreg $0x9  }
0xb8: {  	_ =	task.clear_ibuf [dreg:s7], $0x6FFFF;
	_ =	strace $0x9000004F  }
0xb9: {  	s29 =	simm.s32 $0x9;
	_ =	strace $0x80000051  }
0xba: {  	_ =	swait.ge [sflag:s29], $0x1  }
0xbb: {  	[sflag:s29] =	ssyncadd.s32 $0xFFFFFFFF  }
0xbc: {  	_ =	strace $0x90000051  }
0xbd: {  	_ =	sfence  }
0xbe: {  	s30 =	sld [smem:$0x0];
	_ =	sdelay $0x2  }
0xbf: {  	s31 =	sshll.u32 s1, $0xD;
	s1 =	sshrl.u32 s1, $0x2  }
0xc0: {  	s3 =	sand.u32 $0x4000, s31;
	s1 =	sadd.s32 s1, s30  }
0xc1: {  	s0 =	sor.u32 s3, s0;
	s1 =	sshll.u32 s1, $0x11  }
0xc2: {  	s0 =	sor.u32 s1, s0  }
0xc3: {  	s0 =	sadd.s32 $0x8F2B, s0  }
0xc4: {  	[sflag:s0] =	ssyncadd.remote.s32 $0x1  }
0xc5: {  	_ =	sfence.sel $0xFFFF  }
0xc6: {  	[dreg:$0x0] =	wrdreg $0xFFFFFFFF;
	(pc) =	sbr.abs _section_cstart, $3  }
0xc7: {  	[dreg:$0x1] =	wrdreg $0xFFFFFFFF  }
0xc8: {  	_ =	task.clear_ibuf [dreg:s7], $0x2FFFF;
	_ =	strace $0x9FFFFFFF  }
0xc9: {  	(tm) =	ssettm $0x7FFFFFFF  }
tec
execute0_lowered:
.L_overlay_start_1:
0x0: {  	(tag) =	ssettag $0x1  }
0x1: {  	s0 =	rddreg [dreg:$0x0]  }
0x2: {  	s1 =	rddreg [dreg:$0x1]  }
0x3: {  	s3 =	rddreg [dreg:$0x2];
	s4 =	simm.s32 $0x0;
	s9 =	stileid.u32  }
0x4: {  	s5 =	srdreg.scid;
	s25 =	simm.s32 $0x1;
	s30 =	simm.s32 $0x19088  }
0x5: {  	s31 =	simm.s32 $0x80;
	s24 =	simm.s32 $0x0;
	[smem:$0x7FF] =	sst s4  }
0x6: {  	s2 =	smul.u32 $0x500, s9;
	s5 =	sand.u32 $0x1, s5;
	s6 =	sadd.s32 $0x12600, s0  }
0x7: {  	s11 =	smul.u32 $0x50000, s9;
	_ =	strace $0x80000050;
	[dreg:$0x4] =	wrdreg s6  }
0x8: {  	s6 =	smul.u32 $0x17D6E80, s5;
	s7 =	sshll.u32 s5, $0x5;
	s8 =	ssub.s32 $0x2, s5  }
0x9: {  	s5 =	smul.u32 $0x17D6E78, s5;
	s2 =	sadd.s32 s2, s0;
	s26 =	sshrl.u32 s8, $0x1  }
0xa: {  	s0 =	sadd.s32 s7, s0;
	s28 =	sshrl.u32 s11, $0x2;
	s7 =	ssub.s32 s8, s26  }
0xb: {  	s0 =	sadd.s32 $0x12800, s0;
	s8 =	smul.u32 $0x14000, s9;
	s9 =	sadd.s32 $0xD600, s2  }
0xc: {  	s10 =	sadd.s32 $0x8400, s2;
	s11 =	sadd.s32 $0x1696E80, s5;
	s12 =	sadd.s32 s28, s3  }
0xd: {  	s2 =	simm.s32 $0x19D88;
	[dreg:$0x5] =	wrdreg s0;
	s29 =	sadd.s32 s8, s3  }
0xe: {  	s14 =	smax.u32 s7, $0x1;
	s0 =	simm.s32 $0x19008;
	s13 =	sadd.s32 $0x8, s29  }
0xf: {  	s15 =	sadd.s32 $0x2008, s29;
	s16 =	sadd.s32 $0x4008, s29;
	s17 =	sadd.s32 $0x6008, s29  }
0x10: {  	s18 =	sadd.s32 $0x8008, s29;
	s19 =	sadd.s32 $0xA008, s29;
	s20 =	sadd.s32 $0xC008, s29  }
0x11: {  	s21 =	sadd.s32 $0xE008, s29;
	s22 =	sadd.s32 $0x10008, s29;
	s23 =	sadd.s32 $0x12008, s29  }
.LBB2_1:
0x12: {  	s5 =	rddreg [dreg:$0x5];
	s7 =	simm.s32 $0x19888  }
0x13: {  	[tilespmem:s7], [sflag:$0x1] =	stream.linear.gather [hbm4b:s5+s4], $0x100, $0x38;
	[tilespmem:$0x1BD88] =	vst v63  }
0x14: {  	_ =	swait.ge [sflag:s25], $0x100  }
0x15: {  	[sflag:s25] =	ssyncset.done $0x0  }
0x16: {  	[sflag:s25] =	ssyncadd.s32 $0xFFFFFF00  }
0x17: {  	s29 =	simm.s32 $0x19988;
	s28 =	rddreg [dreg:$0x4];
	v1 =	vld [tilespmem:$0x19888]  }
0x18: {  	v0 =	vld [tilespmem:$0x19908];
	[tilespmem:s29], [sflag:$0x1] =	stream.linear.gather [hbm4b:s28+s4], $0x400, $0x38  }
0x19: {  	_ =	swait.ge [sflag:s25], $0x400  }
0x1a: {  	[sflag:s25] =	ssyncset.done $0x0  }
0x1b: {  	[sflag:s25] =	ssyncadd.s32 $0xFFFFFC00  }
0x1c: {  	v2 =	vld [tilespmem:$0x19988];
	_ =	sdelay $0x3  }
0x1d: {  	s5 =	simm.s32 $0x40;
	s7 =	simm.s32 $0x0  }
.LBB2_2:
0x1e: {  	p0 =	sne.s32 s5, $0x1FC0;
	[tilespmem:s7+$0x19088] =	vst v2;
	s7 =	smov.u32 s5;
	s5 =	sadd.s32 $0x40, s5  }
.Ltmp0:
0x1f: {  	(pc) =	sbr.rel @p0 .LBB2_2-.Ltmp0, $2  }
0x20: {  	_ =	sdelay $0x2  }
0x21: {  	s7 =	sshra.s32 s7, $0x2  }
0x22: {  	[tilespmem:s7+$0x19088] =	vst v2;
	s26 =	simm.s32 $0x0;
	s5 =	simm.s32 $0x14008  }
0x23: {  	[tilespmem:s5], [sflag:$0x1] =	stream.linear.gather [hbm4b:s9+s26], $0x2800, $0x38;
	[tilespmem:$0x1BD88] =	vst v63  }
0x24: {  	_ =	swait.ge [sflag:s25], $0x2800  }
0x25: {  	[sflag:s25] =	ssyncset.done $0x0  }
0x26: {  	s29 =	simm.s32 $0x16808;
	[sflag:s25] =	ssyncadd.s32 $0xFFFFD800  }
0x27: {  	[tilespmem:s29], [sflag:$0x1] =	stream.linear.gather [hbm4b:s10+s26], $0x2800, $0x38;
	[tilespmem:$0x1BD88] =	vst v63  }
0x28: {  	_ =	swait.ge [sflag:s25], $0x2800  }
0x29: {  	[sflag:s25] =	ssyncset.done $0x0  }
0x2a: {  	v0 =	vadd.s32 $0xFFEC0000, v0;
	[sflag:s25] =	ssyncadd.s32 $0xFFFFD800  }
.LBB2_4:
0x2b: {  	s5 =	sadd.s32 $0x8, s12  }
0x2c: {  	[spmem:s5] =	stream.linear.scatter [tilespmem:s30], [sflag:$0x1], $0x800, $0x38;
	[tilespmem:$0x1BD88] =	vst v63  }
0x2d: {  	s5 =	simm.s32 $0x2020;
	_ =	swait.ge [sflag:s25], $0x800  }
.LBB2_5:
0x2e: {  	s7 =	sshra.s32 s5, $0x2;
	[sflag:s25] =	ssyncset.done $0x0;
	p0 =	sne.s32 s5, $0x4E020  }
.Ltmp1:
0x2f: {  	s7 =	sadd.s32 s7, s12;
	[sflag:s25] =	ssyncadd.s32 $0xFFFFF800;
	(pc) =	sbr.rel @p0 .LBB2_5-.Ltmp1, $3  }
0x30: {  	[spmem:s7] =	stream.linear.scatter [tilespmem:s30], [sflag:$0x1], $0x800, $0x38;
	[tilespmem:$0x1BD88] =	vst v63  }
0x31: {  	s5 =	sadd.s32 $0x2000, s5;
	_ =	sdelay $0x1  }
0x32: {  	_ =	swait.ge [sflag:s25], $0x800  }
0x33: {  	[sflag:s25] =	ssyncset.done $0x0  }
0x34: {  	[sflag:s25] =	ssyncadd.s32 $0xFFFFF800  }
0x35: {  	s5 =	simm.s32 $0x0;
	[bflag:$0x0] =	sbarrier.arrive $0xFFFF  }
0x36: {  	v3 =	vld [tilespmem:s5+$0x14008];
	_ =	sdelay $0x1  }
0x37: {  	vm0 =	vlt.s32 v1, v0  }
0x38: {  	v1 =	vsel vm0, v1, v0  }
0x39: {  	v2 =	vsub.s32 $0x8, v1  }
0x3a: {  	v3 =	vadd.s32 v2, v3  }
0x3b: {  	vm8 =	vgt.s32 v3, $0x0  }
0x3c: {  	v3 =	vnsel vm8, $0x0, v3  }
0x3d: {  	v3 =	vmin.u32 v3, $0x140008  }
0x3e: {  	[tilespmem:$0x19008] =	vst v3  }
0x3f: {  	v3 =	vld [tilespmem:s5+$0x14018];
	_ =	sdelay $0x4  }
0x40: {  	v3 =	vadd.s32 v2, v3  }
0x41: {  	vm9 =	vgt.s32 v3, $0x0  }
0x42: {  	v3 =	vnsel vm9, $0x0, v3  }
0x43: {  	v3 =	vmin.u32 v3, $0x140008  }
0x44: {  	[tilespmem:$0x19018] =	vst v3  }
0x45: {  	v3 =	vld [tilespmem:s5+$0x14028];
	_ =	sdelay $0x4  }
0x46: {  	v3 =	vadd.s32 v2, v3  }
0x47: {  	vm10 =	vgt.s32 v3, $0x0  }
0x48: {  	v3 =	vnsel vm10, $0x0, v3  }
0x49: {  	v3 =	vmin.u32 v3, $0x140008  }
0x4a: {  	[tilespmem:$0x19028] =	vst v3  }
0x4b: {  	v3 =	vld [tilespmem:s5+$0x14038];
	_ =	sdelay $0x4  }
0x4c: {  	v3 =	vadd.s32 v2, v3  }
0x4d: {  	vm11 =	vgt.s32 v3, $0x0  }
0x4e: {  	v3 =	vnsel vm11, $0x0, v3  }
0x4f: {  	v3 =	vmin.u32 v3, $0x140008  }
0x50: {  	[tilespmem:$0x19038] =	vst v3  }
0x51: {  	v3 =	vld [tilespmem:s5+$0x14048];
	_ =	sdelay $0x4  }
0x52: {  	v3 =	vadd.s32 v2, v3  }
0x53: {  	vm12 =	vgt.s32 v3, $0x0  }
0x54: {  	v3 =	vnsel vm12, $0x0, v3  }
0x55: {  	v3 =	vmin.u32 v3, $0x140008  }
0x56: {  	[tilespmem:$0x19048] =	vst v3  }
0x57: {  	v3 =	vld [tilespmem:s5+$0x14058];
	_ =	sdelay $0x4  }
0x58: {  	v3 =	vadd.s32 v2, v3  }
0x59: {  	vm13 =	vgt.s32 v3, $0x0  }
0x5a: {  	v3 =	vnsel vm13, $0x0, v3  }
0x5b: {  	v3 =	vmin.u32 v3, $0x140008  }
0x5c: {  	[tilespmem:$0x19058] =	vst v3  }
0x5d: {  	v3 =	vld [tilespmem:s5+$0x14068];
	_ =	sdelay $0x4  }
0x5e: {  	v3 =	vadd.s32 v2, v3  }
0x5f: {  	vm14 =	vgt.s32 v3, $0x0  }
0x60: {  	v3 =	vnsel vm14, $0x0, v3  }
0x61: {  	v3 =	vmin.u32 v3, $0x140008  }
0x62: {  	[tilespmem:$0x19068] =	vst v3  }
0x63: {  	v3 =	vld [tilespmem:s5+$0x14078];
	_ =	sdelay $0x4  }
0x64: {  	v3 =	vadd.s32 v2, v3  }
0x65: {  	vm15 =	vgt.s32 v3, $0x0  }
0x66: {  	v3 =	vnsel vm15, $0x0, v3  }
0x67: {  	v3 =	vmin.u32 v3, $0x140008  }
0x68: {  	s7 =	simm.s32 $0x16808;
	[tilespmem:$0x19078] =	vst v3  }
0x69: {  	[spmem:s3] =	stream.indirect.scatter.add.f32 [tilespmem:s7], [sflag:$0x1], $0x1, s0, s31, $0xb8;
	[tilespmem:$0x1BD88] =	vst v63  }
0x6a: {  	_ =	swait.ge [sflag:s25], $0x80  }
0x6b: {  	s28 =	simm.s32 $0x200;
	s29 =	simm.s32 $0x400;
	[sflag:s25] =	ssyncset.done $0x0  }
.LBB2_7:
0x6c: {  	s5 =	sshra.s32 s28, $0x2  }
0x6d: {  	[sflag:s25] =	ssyncadd.s32 $0xFFFFFF80;
	s28 =	smov.u32 s29;
	s7 =	sadd.s32 $0x200, s29  }
0x6e: {  	p0 =	sne.s32 s29, $0x9E00;
	v3 =	vld [tilespmem:s5+$0x14008];
	_ =	sdelay $0x4  }
0x6f: {  	v3 =	vadd.s32 v2, v3  }
0x70: {  	vm0 =	vgt.s32 v3, $0x0  }
0x71: {  	v3 =	vnsel vm0, $0x0, v3  }
0x72: {  	v3 =	vmin.u32 v3, $0x140008  }
0x73: {  	[tilespmem:$0x19008] =	vst v3  }
0x74: {  	v3 =	vld [tilespmem:s5+$0x14018];
	_ =	sdelay $0x4  }
0x75: {  	v3 =	vadd.s32 v2, v3  }
0x76: {  	vm0 =	vgt.s32 v3, $0x0  }
0x77: {  	v3 =	vnsel vm0, $0x0, v3  }
0x78: {  	v3 =	vmin.u32 v3, $0x140008  }
0x79: {  	[tilespmem:$0x19018] =	vst v3  }
0x7a: {  	v3 =	vld [tilespmem:s5+$0x14028];
	_ =	sdelay $0x4  }
0x7b: {  	v3 =	vadd.s32 v2, v3  }
0x7c: {  	vm0 =	vgt.s32 v3, $0x0  }
0x7d: {  	v3 =	vnsel vm0, $0x0, v3  }
0x7e: {  	v3 =	vmin.u32 v3, $0x140008  }
0x7f: {  	[tilespmem:$0x19028] =	vst v3  }
0x80: {  	v3 =	vld [tilespmem:s5+$0x14038];
	_ =	sdelay $0x4  }
0x81: {  	v3 =	vadd.s32 v2, v3  }
0x82: {  	vm0 =	vgt.s32 v3, $0x0  }
0x83: {  	v3 =	vnsel vm0, $0x0, v3  }
0x84: {  	v3 =	vmin.u32 v3, $0x140008  }
0x85: {  	[tilespmem:$0x19038] =	vst v3  }
0x86: {  	v3 =	vld [tilespmem:s5+$0x14048];
	_ =	sdelay $0x4  }
0x87: {  	v3 =	vadd.s32 v2, v3  }
0x88: {  	vm0 =	vgt.s32 v3, $0x0  }
0x89: {  	v3 =	vnsel vm0, $0x0, v3  }
0x8a: {  	v3 =	vmin.u32 v3, $0x140008  }
0x8b: {  	[tilespmem:$0x19048] =	vst v3  }
0x8c: {  	v3 =	vld [tilespmem:s5+$0x14058];
	_ =	sdelay $0x4  }
0x8d: {  	v3 =	vadd.s32 v2, v3  }
0x8e: {  	vm0 =	vgt.s32 v3, $0x0  }
0x8f: {  	v3 =	vnsel vm0, $0x0, v3  }
0x90: {  	v3 =	vmin.u32 v3, $0x140008  }
0x91: {  	[tilespmem:$0x19058] =	vst v3  }
0x92: {  	v3 =	vld [tilespmem:s5+$0x14068];
	_ =	sdelay $0x4  }
0x93: {  	v3 =	vadd.s32 v2, v3  }
0x94: {  	vm0 =	vgt.s32 v3, $0x0  }
0x95: {  	v3 =	vnsel vm0, $0x0, v3  }
0x96: {  	v3 =	vmin.u32 v3, $0x140008  }
0x97: {  	[tilespmem:$0x19068] =	vst v3  }
0x98: {  	v3 =	vld [tilespmem:s5+$0x14078];
	_ =	sdelay $0x4  }
0x99: {  	v3 =	vadd.s32 v2, v3  }
0x9a: {  	vm0 =	vgt.s32 v3, $0x0  }
0x9b: {  	v3 =	vnsel vm0, $0x0, v3  }
.Ltmp2:
0x9c: {  	v3 =	vmin.u32 v3, $0x140008;
	(pc) =	sbr.rel @p0 .LBB2_7-.Ltmp2, $4  }
0x9d: {  	s5 =	sadd.s32 $0x16808, s5;
	[tilespmem:$0x19078] =	vst v3  }
0x9e: {  	[spmem:s3] =	stream.indirect.scatter.add.f32 [tilespmem:s5], [sflag:$0x1], $0x1, s0, s31, $0xb8;
	[tilespmem:$0x1BD88] =	vst v63  }
0x9f: {  	_ =	swait.ge [sflag:s25], $0x80  }
0xa0: {  	s29 =	smov.u32 s7;
	[sflag:s25] =	ssyncset.done $0x0  }
0xa1: {  	s5 =	sshra.s32 s28, $0x2;
	[sflag:s25] =	ssyncadd.s32 $0xFFFFFF80  }
0xa2: {  	v3 =	vld [tilespmem:s5+$0x14008];
	_ =	sdelay $0x4  }
0xa3: {  	v3 =	vadd.s32 v2, v3  }
0xa4: {  	vm0 =	vgt.s32 v3, $0x0  }
0xa5: {  	v3 =	vnsel vm0, $0x0, v3  }
0xa6: {  	v3 =	vmin.u32 v3, $0x140008  }
0xa7: {  	[tilespmem:$0x19008] =	vst v3  }
0xa8: {  	v3 =	vld [tilespmem:s5+$0x14018];
	_ =	sdelay $0x4  }
0xa9: {  	v3 =	vadd.s32 v2, v3  }
0xaa: {  	vm9 =	vgt.s32 v3, $0x0  }
0xab: {  	v3 =	vnsel vm9, $0x0, v3  }
0xac: {  	v3 =	vmin.u32 v3, $0x140008  }
0xad: {  	[tilespmem:$0x19018] =	vst v3  }
0xae: {  	v3 =	vld [tilespmem:s5+$0x14028];
	_ =	sdelay $0x4  }
0xaf: {  	v3 =	vadd.s32 v2, v3  }
0xb0: {  	vm10 =	vgt.s32 v3, $0x0  }
0xb1: {  	v3 =	vnsel vm10, $0x0, v3  }
0xb2: {  	v3 =	vmin.u32 v3, $0x140008  }
0xb3: {  	[tilespmem:$0x19028] =	vst v3  }
0xb4: {  	v3 =	vld [tilespmem:s5+$0x14038];
	_ =	sdelay $0x4  }
0xb5: {  	v3 =	vadd.s32 v2, v3  }
0xb6: {  	vm11 =	vgt.s32 v3, $0x0  }
0xb7: {  	v3 =	vnsel vm11, $0x0, v3  }
0xb8: {  	v3 =	vmin.u32 v3, $0x140008  }
0xb9: {  	[tilespmem:$0x19038] =	vst v3  }
0xba: {  	v3 =	vld [tilespmem:s5+$0x14048];
	_ =	sdelay $0x4  }
0xbb: {  	v3 =	vadd.s32 v2, v3  }
0xbc: {  	vm12 =	vgt.s32 v3, $0x0  }
0xbd: {  	v3 =	vnsel vm12, $0x0, v3  }
0xbe: {  	v3 =	vmin.u32 v3, $0x140008  }
0xbf: {  	[tilespmem:$0x19048] =	vst v3  }
0xc0: {  	v3 =	vld [tilespmem:s5+$0x14058];
	_ =	sdelay $0x4  }
0xc1: {  	v3 =	vadd.s32 v2, v3  }
0xc2: {  	vm13 =	vgt.s32 v3, $0x0  }
0xc3: {  	v3 =	vnsel vm13, $0x0, v3  }
0xc4: {  	v3 =	vmin.u32 v3, $0x140008  }
0xc5: {  	[tilespmem:$0x19058] =	vst v3  }
0xc6: {  	v3 =	vld [tilespmem:s5+$0x14068];
	_ =	sdelay $0x4  }
0xc7: {  	v3 =	vadd.s32 v2, v3  }
0xc8: {  	vm14 =	vgt.s32 v3, $0x0  }
0xc9: {  	v3 =	vnsel vm14, $0x0, v3  }
0xca: {  	v3 =	vmin.u32 v3, $0x140008  }
0xcb: {  	[tilespmem:$0x19068] =	vst v3  }
0xcc: {  	v3 =	vld [tilespmem:s5+$0x14078];
	_ =	sdelay $0x4  }
0xcd: {  	v2 =	vadd.s32 v2, v3  }
0xce: {  	vm15 =	vgt.s32 v2, $0x0  }
0xcf: {  	v2 =	vnsel vm15, $0x0, v2  }
0xd0: {  	v2 =	vmin.u32 v2, $0x140008  }
0xd1: {  	s7 =	smul.u32 $0x140000, s26;
	s5 =	sadd.s32 $0x16808, s5;
	[tilespmem:$0x19078] =	vst v2  }
0xd2: {  	[spmem:s3] =	stream.indirect.scatter.add.f32 [tilespmem:s5], [sflag:$0x1], $0x1, s0, s31, $0xb8;
	[tilespmem:$0x1BD88] =	vst v63  }
0xd3: {  	_ =	swait.ge [sflag:s25], $0x80  }
0xd4: {  	s5 =	sadd.s32 s6, s7;
	[sflag:s25] =	ssyncset.done $0x0  }
0xd5: {  	s7 =	smov.u32 s11;
	p0 =	slt.s32 s5, s11;
	[sflag:s25] =	ssyncadd.s32 $0xFFFFFF80  }
0xd6: {  	s7 =	smov.u32 @p0 s5;
	[bflag:$0x0] =	sbarrier.arrive $0xFFFF  }
0xd7: {  	[tilespmem:s2], [sflag:$0x1] =	stream.linear.gather [spmem:s13], $0x2000, $0x38;
	[tilespmem:$0x1BD88] =	vst v63  }
0xd8: {  	s5 =	sadd.s32 s8, s7;
	_ =	swait.ge [sflag:s25], $0x2000  }
0xd9: {  	s5 =	sshrl.u32 s5, $0x3;
	[sflag:s25] =	ssyncset.done $0x0  }
0xda: {  	s5 =	sadd.s32 s1, s5;
	[sflag:s25] =	ssyncadd.s32 $0xFFFFE000  }
0xdb: {  	[hbm4b:s5+s4] =	stream.linear.scatter [tilespmem:s2], [sflag:$0x1], $0x2000, $0x38;
	[tilespmem:$0x1BD88] =	vst v63  }
0xdc: {  	_ =	swait.ge [sflag:s25], $0x2000  }
0xdd: {  	[sflag:s25] =	ssyncset.done $0x0  }
0xde: {  	[sflag:s25] =	ssyncadd.s32 $0xFFFFE000  }
0xdf: {  	[tilespmem:s2], [sflag:$0x1] =	stream.linear.gather [spmem:s15], $0x2000, $0x38;
	[tilespmem:$0x1BD88] =	vst v63  }
0xe0: {  	_ =	swait.ge [sflag:s25], $0x2000  }
0xe1: {  	[sflag:s25] =	ssyncset.done $0x0  }
0xe2: {  	s28 =	sadd.s32 $0x400, s5;
	[sflag:s25] =	ssyncadd.s32 $0xFFFFE000  }
0xe3: {  	[hbm4b:s28+s4] =	stream.linear.scatter [tilespmem:s2], [sflag:$0x1], $0x2000, $0x38;
	[tilespmem:$0x1BD88] =	vst v63  }
0xe4: {  	_ =	swait.ge [sflag:s25], $0x2000  }
0xe5: {  	[sflag:s25] =	ssyncset.done $0x0  }
0xe6: {  	[sflag:s25] =	ssyncadd.s32 $0xFFFFE000  }
0xe7: {  	[tilespmem:s2], [sflag:$0x1] =	stream.linear.gather [spmem:s16], $0x2000, $0x38;
	[tilespmem:$0x1BD88] =	vst v63  }
0xe8: {  	_ =	swait.ge [sflag:s25], $0x2000  }
0xe9: {  	[sflag:s25] =	ssyncset.done $0x0  }
0xea: {  	s29 =	sadd.s32 $0x800, s5;
	[sflag:s25] =	ssyncadd.s32 $0xFFFFE000  }
0xeb: {  	[hbm4b:s29+s4] =	stream.linear.scatter [tilespmem:s2], [sflag:$0x1], $0x2000, $0x38;
	[tilespmem:$0x1BD88] =	vst v63  }
0xec: {  	_ =	swait.ge [sflag:s25], $0x2000  }
0xed: {  	[sflag:s25] =	ssyncset.done $0x0  }
0xee: {  	[sflag:s25] =	ssyncadd.s32 $0xFFFFE000  }
0xef: {  	[tilespmem:s2], [sflag:$0x1] =	stream.linear.gather [spmem:s17], $0x2000, $0x38;
	[tilespmem:$0x1BD88] =	vst v63  }
0xf0: {  	_ =	swait.ge [sflag:s25], $0x2000  }
0xf1: {  	[sflag:s25] =	ssyncset.done $0x0  }
0xf2: {  	s28 =	sadd.s32 $0xC00, s5;
	[sflag:s25] =	ssyncadd.s32 $0xFFFFE000  }
0xf3: {  	[hbm4b:s28+s4] =	stream.linear.scatter [tilespmem:s2], [sflag:$0x1], $0x2000, $0x38;
	[tilespmem:$0x1BD88] =	vst v63  }
0xf4: {  	_ =	swait.ge [sflag:s25], $0x2000  }
0xf5: {  	[sflag:s25] =	ssyncset.done $0x0  }
0xf6: {  	[sflag:s25] =	ssyncadd.s32 $0xFFFFE000  }
0xf7: {  	[tilespmem:s2], [sflag:$0x1] =	stream.linear.gather [spmem:s18], $0x2000, $0x38;
	[tilespmem:$0x1BD88] =	vst v63  }
0xf8: {  	_ =	swait.ge [sflag:s25], $0x2000  }
0xf9: {  	[sflag:s25] =	ssyncset.done $0x0  }
0xfa: {  	s29 =	sadd.s32 $0x1000, s5;
	[sflag:s25] =	ssyncadd.s32 $0xFFFFE000  }
0xfb: {  	[hbm4b:s29+s4] =	stream.linear.scatter [tilespmem:s2], [sflag:$0x1], $0x2000, $0x38;
	[tilespmem:$0x1BD88] =	vst v63  }
0xfc: {  	_ =	swait.ge [sflag:s25], $0x2000  }
0xfd: {  	[sflag:s25] =	ssyncset.done $0x0  }
0xfe: {  	[sflag:s25] =	ssyncadd.s32 $0xFFFFE000  }
0xff: {  	[tilespmem:s2], [sflag:$0x1] =	stream.linear.gather [spmem:s19], $0x2000, $0x38;
	[tilespmem:$0x1BD88] =	vst v63  }
0x100: {  	_ =	swait.ge [sflag:s25], $0x2000  }
0x101: {  	[sflag:s25] =	ssyncset.done $0x0  }
0x102: {  	s28 =	sadd.s32 $0x1400, s5;
	[sflag:s25] =	ssyncadd.s32 $0xFFFFE000  }
0x103: {  	[hbm4b:s28+s4] =	stream.linear.scatter [tilespmem:s2], [sflag:$0x1], $0x2000, $0x38;
	[tilespmem:$0x1BD88] =	vst v63  }
0x104: {  	_ =	swait.ge [sflag:s25], $0x2000  }
0x105: {  	[sflag:s25] =	ssyncset.done $0x0  }
0x106: {  	[sflag:s25] =	ssyncadd.s32 $0xFFFFE000  }
0x107: {  	[tilespmem:s2], [sflag:$0x1] =	stream.linear.gather [spmem:s20], $0x2000, $0x38;
	[tilespmem:$0x1BD88] =	vst v63  }
0x108: {  	_ =	swait.ge [sflag:s25], $0x2000  }
0x109: {  	[sflag:s25] =	ssyncset.done $0x0  }
0x10a: {  	s29 =	sadd.s32 $0x1800, s5;
	[sflag:s25] =	ssyncadd.s32 $0xFFFFE000  }
0x10b: {  	[hbm4b:s29+s4] =	stream.linear.scatter [tilespmem:s2], [sflag:$0x1], $0x2000, $0x38;
	[tilespmem:$0x1BD88] =	vst v63  }
0x10c: {  	_ =	swait.ge [sflag:s25], $0x2000  }
0x10d: {  	[sflag:s25] =	ssyncset.done $0x0  }
0x10e: {  	[sflag:s25] =	ssyncadd.s32 $0xFFFFE000  }
0x10f: {  	[tilespmem:s2], [sflag:$0x1] =	stream.linear.gather [spmem:s21], $0x2000, $0x38;
	[tilespmem:$0x1BD88] =	vst v63  }
0x110: {  	_ =	swait.ge [sflag:s25], $0x2000  }
0x111: {  	[sflag:s25] =	ssyncset.done $0x0  }
0x112: {  	s28 =	sadd.s32 $0x1C00, s5;
	[sflag:s25] =	ssyncadd.s32 $0xFFFFE000  }
0x113: {  	[hbm4b:s28+s4] =	stream.linear.scatter [tilespmem:s2], [sflag:$0x1], $0x2000, $0x38;
	[tilespmem:$0x1BD88] =	vst v63  }
0x114: {  	_ =	swait.ge [sflag:s25], $0x2000  }
0x115: {  	[sflag:s25] =	ssyncset.done $0x0  }
0x116: {  	[sflag:s25] =	ssyncadd.s32 $0xFFFFE000  }
0x117: {  	[tilespmem:s2], [sflag:$0x1] =	stream.linear.gather [spmem:s22], $0x2000, $0x38;
	[tilespmem:$0x1BD88] =	vst v63  }
0x118: {  	_ =	swait.ge [sflag:s25], $0x2000  }
0x119: {  	[sflag:s25] =	ssyncset.done $0x0  }
0x11a: {  	s29 =	sadd.s32 $0x2000, s5;
	[sflag:s25] =	ssyncadd.s32 $0xFFFFE000  }
0x11b: {  	[hbm4b:s29+s4] =	stream.linear.scatter [tilespmem:s2], [sflag:$0x1], $0x2000, $0x38;
	[tilespmem:$0x1BD88] =	vst v63  }
0x11c: {  	_ =	swait.ge [sflag:s25], $0x2000  }
0x11d: {  	[sflag:s25] =	ssyncset.done $0x0  }
0x11e: {  	[sflag:s25] =	ssyncadd.s32 $0xFFFFE000  }
0x11f: {  	[tilespmem:s2], [sflag:$0x1] =	stream.linear.gather [spmem:s23], $0x2000, $0x38;
	[tilespmem:$0x1BD88] =	vst v63  }
0x120: {  	_ =	swait.ge [sflag:s25], $0x2000  }
0x121: {  	s26 =	sadd.s32 $0x1, s26;
	[sflag:s25] =	ssyncset.done $0x0  }
0x122: {  	p0 =	sne.s32 s26, $0x14;
	s5 =	sadd.s32 $0x2400, s5;
	[sflag:s25] =	ssyncadd.s32 $0xFFFFE000  }
0x123: {  	[hbm4b:s5+s4] =	stream.linear.scatter [tilespmem:s2], [sflag:$0x1], $0x2000, $0x38;
	[tilespmem:$0x1BD88] =	vst v63  }
.Ltmp3:
0x124: {  	_ =	swait.ge [sflag:s25], $0x2000;
	(pc) =	sbr.rel @p0 .LBB2_4-.Ltmp3, $4  }
0x125: {  	[sflag:s25] =	ssyncset.done $0x0  }
0x126: {  	[sflag:s25] =	ssyncadd.s32 $0xFFFFE000  }
0x127: {  	[bflag:$0x0] =	sbarrier.arrive $0xFFFF  }
0x128: {  	v1 =	vadd.s32 $0x140000, v1  }
0x129: {  	s24 =	sadd.s32 $0x1, s24  }
0x12a: {  	p0 =	sne.s32 s24, s14  }
.Ltmp4:
0x12b: {  	_ = 	snop;
	(pc) =	sbr.rel @p0 .LBB2_1-.Ltmp4, $1  }
0x12c: {  	_ =	sdelay $0x3  }
0x12d: {  	_ =	sfence.sel $0x180000  }
0x12e: {  	[bflag:$0x0] =	sbarrier.arrive $0xFFFF  }
0x12f: {  	_ =	strace $0x90000050  }
0x130: {  	s0 =	stileid.u32;
	[bflag:$0x2] =	sbarrier.arrive $0xFFFF  }
0x131: {  	p0 =	sne.s32 s0, $0x0;
	s0 =	rddreg [dreg:$0x3]  }
0x132: {  	s0 =	sadd.s32 @!p0 $0x100000, s0  }
0x133: {  	[sflag:s0] =	ssyncadd.tile.s32 @!p0 $0x1;
	_ =	shalt  }
.Lfunc_end2:
_tile_overlayer_lowered:
.L_overlay_start_2:
0x134: {  	(tag) =	ssettag $0x2  }
0x135: {  	s0 =	rddreg [dreg:$0x0];
	s2 =	stileid.u32  }
0x136: {  	s1 =	rddreg [dreg:$0x1];
	p0 =	sne.s32 s2, $0x0  }
0x137: {  	s3 =	rddreg [dreg:$0x2];
	[bflag:$0x3] =	sbarrier.arrive $0xFFFF;
	s2 =	simm.s32 @!p0 $0x1C01  }
0x138: {  	[timem:s3], [sflag:s2] =	dma.local @!p0 [hbm:s0], s1  }
0x139: {  	s0 =	simm.s32 @!p0 $0x1  }
0x13a: {  	_ =	swait.ge @!p0 [sflag:s0], s1  }
0x13b: {  	s1 =	ssub.s32 @!p0 $0x0, s1;
	[sflag:s0] =	ssyncset.done @!p0 $0x0  }
0x13c: {  	[sflag:s0] =	ssyncadd.s32 @!p0 s1  }
0x13d: {  	[bflag:$0x3] =	sbarrier.arrive $0xFFFF  }
0x13e: {  	_ =	shalt  }

</sc_bundles>
